<compile_context>
chip_gen: v7x
topology: tpu7x:2x2x1
jax: 0.10.2.dev20260603
libtpu: 0.0.44.dev20260713+nightly
codegen_flags: <defaults>
</compile_context>

<pallas_src>
import functools

import jax
import jax.numpy as jnp
from jax import lax
from jax.experimental import pallas as pl
from jax.experimental.pallas import tpu as pltpu
from jax.experimental.pallas import tpu_sc as plsc

_H = 224
_W = 224
_HW = _H * _W
_N = 2
_C = 384
_CH = _C // 2
_NC = 2
_NS = 16
_NW = _NC * _NS
_PPW = _N * _CH // _NW
_RC = 2
_S = _RC * _W
_NCHUNK = _H // _RC
_CROWS = 16
_MASK_HI = -65536


def _pack_body(x_ref, xp_ref):
    for j in range(4):
        a = x_ref[2 * j]
        b = x_ref[2 * j + 1]
        au = lax.bitcast_convert_type(a.astype(jnp.bfloat16), jnp.uint16)
        bu = lax.bitcast_convert_type(b.astype(jnp.bfloat16), jnp.uint16)
        word = (au.astype(jnp.uint32) << 16) | bu.astype(jnp.uint32)
        w = lax.bitcast_convert_type(word, jnp.int32)
        halves = jnp.stack(
            [w[:, :128], jnp.pad(w[:, 128:], ((0, 0), (0, 32)))], axis=1
        )
        xp_ref[j] = halves.reshape(2 * _H, 128)


def _pack(x):
    return pl.pallas_call(
        _pack_body,
        grid=(_N * _C // 8,),
        in_specs=[pl.BlockSpec((8, _H, _W), lambda p: (p, 0, 0))],
        out_specs=pl.BlockSpec((4, 2 * _H, 128), lambda p: (p, 0, 0)),
        out_shape=jax.ShapeDtypeStruct((_N * _CH, 2 * _H, 128), jnp.int32),
    )(x.reshape(_N * _C, _H, _W))


def _prep_body(gx_ref, gy_ref, iw_ref):
    gx = gx_ref[...]
    gy = gy_ref[...]
    ix = ((gx + 1.0) * _W - 1.0) * 0.5
    iy = ((gy + 1.0) * _H - 1.0) * 0.5
    x0f = jnp.clip(jnp.floor(ix), -2.0, float(_W))
    y0f = jnp.clip(jnp.floor(iy), -2.0, float(_H))
    wx1 = ix - x0f
    wx0 = 1.0 - wx1
    wy1 = iy - y0f
    wy0 = 1.0 - wy1
    x0 = x0f.astype(jnp.int32)
    y0 = y0f.astype(jnp.int32)
    inx = ((x0 >= 0) & (x0 <= _W - 2)).astype(jnp.float32)
    iny = ((y0 >= 0) & (y0 <= _H - 2)).astype(jnp.float32)
    wl = wx0 * inx + wx1 * (x0 == -1)
    wr = wx1 * inx + wx0 * (x0 == _W - 1)
    wt = wy0 * iny + wy1 * (y0 == -1)
    wb = wy1 * iny + wy0 * (y0 == _H - 1)
    xb = jnp.clip(x0, 0, _W - 2)
    yb = jnp.clip(y0, 0, _H - 2)
    iv_f = lax.bitcast_convert_type((yb << 8) | xb, jnp.float32)
    rows = [iv_f, wt * wl, wt * wr, wb * wl, wb * wr]
    stacked = jnp.stack(
        [r.reshape(_N, _NCHUNK, _RC, _W) for r in rows], axis=2
    ).reshape(_N, _NCHUNK, 5 * _RC, _W)
    padded = jnp.pad(
        stacked, ((0, 0), (0, 0), (0, _CROWS - 5 * _RC), (0, 256 - _W))
    )
    iw_ref[...] = padded.reshape(_N, _NCHUNK * _CROWS, 256)


def _prep(gx, gy):
    return pl.pallas_call(
        _prep_body,
        out_shape=jax.ShapeDtypeStruct((_N, _NCHUNK * _CROWS, 256), jnp.float32),
    )(gx, gy)


_mesh = plsc.VectorSubcoreMesh(core_axis_name="c", subcore_axis_name="s")


@functools.partial(
    pl.kernel,
    out_type=jax.ShapeDtypeStruct((_N, _C, _H, _W), jnp.float32),
    mesh=_mesh,
    compiler_params=pltpu.CompilerParams(needs_layout_passes=False),
    scratch_types=[
        pltpu.VMEM((2 * _H, 128), jnp.int32),
        pltpu.VMEM((2 * _H, 128), jnp.int32),
        (pltpu.VMEM((_CROWS, 256), jnp.float32),
         pltpu.VMEM((_CROWS, 256), jnp.float32)),
        pltpu.VMEM((2, 4, _RC, _W), jnp.float32),
        pltpu.SemaphoreType.DMA,
        (pltpu.SemaphoreType.DMA, pltpu.SemaphoreType.DMA),
        (pltpu.SemaphoreType.DMA, pltpu.SemaphoreType.DMA),
    ],
)
def _sc_sample(
    xp_hbm, iw_hbm, out_hbm,
    pp0_v, pp1_v, iw_v, out_v, sem_pl, sem_iw, sem_out,
):
    wid = lax.axis_index("s") * _NC + lax.axis_index("c")
    base_pp = wid * _PPW
    b = base_pp // _CH
    base_q = base_pp - b * _CH

    def iw_copy(c, buf):
        return pltpu.make_async_copy(
            iw_hbm.at[b, pl.ds(c * _CROWS, _CROWS)], iw_v[buf], sem_iw[buf]
        )

    def out_copy(buf, ch, c):
        return pltpu.make_async_copy(
            out_v.at[buf],
            out_hbm.at[b, pl.ds(ch, 4), pl.ds(c * _RC, _RC)],
            sem_out[buf],
        )

    def pair_body(pp, _):
        q0 = base_pp + 2 * pp
        ch0 = 2 * (base_q + 2 * pp)
        cp0 = pltpu.async_copy(xp_hbm.at[q0], pp0_v, sem_pl)
        cp1 = pltpu.async_copy(xp_hbm.at[q0 + 1], pp1_v, sem_pl)
        iw_copy(0, 0).start()
        iw_copy(1, 1).start()
        cp0.wait()
        cp1.wait()

        def chunk2_body(cc, _):
            for buf in (0, 1):
                c = cc * 2 + buf
                iw_copy(c, buf).wait()

                @pl.when(c >= 2)
                def _():
                    out_copy(buf, ch0, c).wait()

                iwb = iw_v[buf]

                @plsc.parallel_loop(0, _W, step=16, unroll=2)
                def vec_body(x0):
                    for r in range(_RC):
                        iv = plsc.bitcast(iwb[r, pl.ds(x0, 16)], jnp.int32)
                        w00 = iwb[_RC + r, pl.ds(x0, 16)]
                        w01 = iwb[2 * _RC + r, pl.ds(x0, 16)]
                        w10 = iwb[3 * _RC + r, pl.ds(x0, 16)]
                        w11 = iwb[4 * _RC + r, pl.ds(x0, 16)]
                        iv1 = iv + 1
                        iv2 = iv + 256
                        iv3 = iv + 257
                        taps = [(t >> 7, t & 127) for t in (iv, iv1, iv2, iv3)]
                        for k, ppv in ((0, pp0_v), (1, pp1_v)):
                            g00 = plsc.load_gather(ppv, list(taps[0]))
                            g01 = plsc.load_gather(ppv, list(taps[1]))
                            g10 = plsc.load_gather(ppv, list(taps[2]))
                            g11 = plsc.load_gather(ppv, list(taps[3]))
                            acc_a = (
                                plsc.bitcast(g00 & _MASK_HI, jnp.float32) * w00
                                + plsc.bitcast(g01 & _MASK_HI, jnp.float32) * w01
                                + plsc.bitcast(g10 & _MASK_HI, jnp.float32) * w10
                                + plsc.bitcast(g11 & _MASK_HI, jnp.float32) * w11
                            )
                            acc_b = (
                                plsc.bitcast(g00 << 16, jnp.float32) * w00
                                + plsc.bitcast(g01 << 16, jnp.float32) * w01
                                + plsc.bitcast(g10 << 16, jnp.float32) * w10
                                + plsc.bitcast(g11 << 16, jnp.float32) * w11
                            )
                            out_v[buf, 2 * k, r, pl.ds(x0, 16)] = acc_a
                            out_v[buf, 2 * k + 1, r, pl.ds(x0, 16)] = acc_b

                @pl.when(c + 2 < _NCHUNK)
                def _():
                    iw_copy(c + 2, buf).start()

                out_copy(buf, ch0, c).start()
            return 0

        lax.fori_loop(0, _NCHUNK // 2, chunk2_body, 0)
        for buf in (0, 1):
            out_copy(buf, ch0, 0).wait()
        return 0

    lax.fori_loop(0, _PPW // 2, pair_body, 0)


def kernel(x, grid):
    xp = _pack(x)
    gx = grid[..., 0].reshape(_N, _HW)
    gy = grid[..., 1].reshape(_N, _HW)
    iw = _prep(gx, gy)
    return _sc_sample(xp, iw)

# --- scband reference (transcript-rebuilt; emitter-appended) ---
"""Pipeline reference for scband-model16-85598698209832 (READ-ONLY COPY).

The authoritative reference and input builder live on the scoring server;
editing this copy changes nothing except your own understanding.
"""

import jax, jax.numpy as jnp
import numpy as np


def _grid_sample_bilinear_zeros(x, grid):
    # Faithful port of torch.nn.functional.grid_sample with defaults:
    # mode='bilinear', padding_mode='zeros', align_corners=False
    N, C, H, W = x.shape
    gx = grid[..., 0]
    gy = grid[..., 1]
    # unnormalize (align_corners=False)
    ix = ((gx + 1.0) * W - 1.0) / 2.0
    iy = ((gy + 1.0) * H - 1.0) / 2.0
    ix0 = jnp.floor(ix)
    iy0 = jnp.floor(iy)
    ix1 = ix0 + 1.0
    iy1 = iy0 + 1.0
    wx0 = ix1 - ix
    wx1 = ix - ix0
    wy0 = iy1 - iy
    wy1 = iy - iy0
    b = jnp.arange(N).reshape(N, 1, 1)

    def gather(iy_f, ix_f):
        yi = iy_f.astype(jnp.int32)
        xi = ix_f.astype(jnp.int32)
        valid = ((yi >= 0) & (yi < H) & (xi >= 0) & (xi < W)).astype(x.dtype)
        yc = jnp.clip(yi, 0, H - 1)
        xc = jnp.clip(xi, 0, W - 1)
        vals = x[b, :, yc, xc]  # [N, Ho, Wo, C]
        return vals * valid[..., None]

    v00 = gather(iy0, ix0)
    v01 = gather(iy0, ix1)
    v10 = gather(iy1, ix0)
    v11 = gather(iy1, ix1)
    out = (v00 * (wy0 * wx0)[..., None]
           + v01 * (wy0 * wx1)[..., None]
           + v10 * (wy1 * wx0)[..., None]
           + v11 * (wy1 * wx1)[..., None])
    return jnp.transpose(out, (0, 3, 1, 2))  # [N, C, Ho, Wo]


def setup_inputs(seed: int = 0) -> dict:
    key = jax.random.key(seed)
    k1, k2 = jax.random.split(key)
    x = jax.random.normal(k1, (2, 384, 224, 224), dtype=jnp.float32)
    grid = jax.random.normal(k2, (2, 224, 224, 2), dtype=jnp.float32)
    return {"x": x, "grid": grid}


def reference(x, grid):
    return _grid_sample_bilinear_zeros(x, grid)

if __name__ == "__main__":
    import jax
    _d = setup_inputs()
    print(jax.jit(kernel)(*tuple(_d.values())))

</pallas_src>

<mosaic_0001>
#map = affine_map<(d0, d1) -> (0, 0, 0)>
#map1 = affine_map<(d0, d1) -> (0, 0, 0, 0)>
module attributes {stable_mosaic.version = 14 : i64} {
  func.func @_sc_sample(%arg0: i32, %arg1: i32, %arg2: memref<384x448x128xi32, #tpu.memory_space<hbm>>, %arg3: memref<2x1792x256xf32, #tpu.memory_space<hbm>>, %arg4: memref<2x384x224x224xf32, #tpu.memory_space<hbm>>, %arg5: memref<448x128xi32, #tpu.memory_space<vmem>>, %arg6: memref<448x128xi32, #tpu.memory_space<vmem>>, %arg7: memref<16x256xf32, #tpu.memory_space<vmem>>, %arg8: memref<16x256xf32, #tpu.memory_space<vmem>>, %arg9: memref<2x4x2x224xf32, #tpu.memory_space<vmem>>, %arg10: memref<!tpu.dma_semaphore, #tpu.memory_space<semaphore_mem>>, %arg11: memref<!tpu.dma_semaphore, #tpu.memory_space<semaphore_mem>>, %arg12: memref<!tpu.dma_semaphore, #tpu.memory_space<semaphore_mem>>, %arg13: memref<!tpu.dma_semaphore, #tpu.memory_space<semaphore_mem>>, %arg14: memref<!tpu.dma_semaphore, #tpu.memory_space<semaphore_mem>>) attributes {dimension_semantics = [#tpu.dimension_semantics<core_parallel>, #tpu.dimension_semantics<subcore_parallel>], iteration_bounds = array<i64: 2, 16>, scalar_prefetch = 0 : i64, scratch_operands = 10 : i64, tpu.core_type = #tpu.core_type<sc_vector_subcore>, window_params = [{transform_indices = #map}, {transform_indices = #map}, {transform_indices = #map1}]} {
    %mul3A = arith.constant 2 : i32
    %mul3A_0 = arith.muli %arg1, %mul3A : i32
    %add3A = arith.addi %mul3A_0, %arg0 : i32
    %mul3A_1 = arith.constant 12 : i32
    %mul3A_2 = arith.muli %add3A, %mul3A_1 : i32
    %jit3A = arith.constant 192 : i32
    %div3A = arith.divsi %mul3A_2, %jit3A : i32
    %sign3A = arith.constant 0 : i32
    %sign3A_3 = arith.cmpi sgt, %mul3A_2, %sign3A : i32
    %sign3A_4 = arith.extui %sign3A_3 : i1 to i32
    %sign3A_5 = arith.constant 0 : i32
    %sign3A_6 = arith.cmpi slt, %mul3A_2, %sign3A_5 : i32
    %sign3A_7 = arith.extui %sign3A_6 : i1 to i32
    %sign3A_8 = arith.subi %sign3A_4, %sign3A_7 : i32
    %sign3A_9 = arith.constant 0 : i32
    %sign3A_10 = arith.cmpi sgt, %jit3A, %sign3A_9 : i32
    %sign3A_11 = arith.extui %sign3A_10 : i1 to i32
    %sign3A_12 = arith.constant 0 : i32
    %sign3A_13 = arith.cmpi slt, %jit3A, %sign3A_12 : i32
    %sign3A_14 = arith.extui %sign3A_13 : i1 to i32
    %sign3A_15 = arith.subi %sign3A_11, %sign3A_14 : i32
    %ne3A = arith.cmpi ne, %sign3A_8, %sign3A_15 : i32
    %rem3A = arith.remsi %mul3A_2, %jit3A : i32
    %ne3A_16 = arith.constant 0 : i32
    %ne3A_17 = arith.cmpi ne, %rem3A, %ne3A_16 : i32
    %and3A = arith.andi %ne3A, %ne3A_17 : i1
    %sub3A = arith.constant 1 : i32
    %sub3A_18 = arith.subi %div3A, %sub3A : i32
    %select_n3A = arith.select %and3A, %sub3A_18, %div3A : i32
    %mul3A_19 = arith.constant 192 : i32
    %mul3A_20 = arith.muli %select_n3A, %mul3A_19 : i32
    %sub3A_21 = arith.subi %mul3A_2, %mul3A_20 : i32
    %scan3A = arith.constant 0 : i32
    %scan3A_22 = arith.constant 0 : i32
    %scan3A_23 = arith.constant 6 : i32
    %scan3A_24 = arith.addi %scan3A_22, %scan3A_23 : i32
    %scan3A_25 = arith.constant 1 : i32
    %scan3A_26 = scf.for %scan3A_28 = %scan3A_22 to %scan3A_24 step %scan3A_25 iter_args(%scan3A_29 = %scan3A) -> (i32)  : i32 {
      %mul3A_30 = arith.constant 2 : i32
      %mul3A_31 = arith.muli %mul3A_30, %scan3A_28 : i32
      %add3A_32 = arith.addi %mul3A_2, %mul3A_31 : i32
      %mul3A_33 = arith.constant 2 : i32
      %mul3A_34 = arith.muli %mul3A_33, %scan3A_28 : i32
      %add3A_35 = arith.addi %sub3A_21, %mul3A_34 : i32
      %mul3A_36 = arith.constant 2 : i32
      %mul3A_37 = arith.muli %mul3A_36, %add3A_35 : i32
      %dma_start3A = arith.constant 0 : i32
      %dma_start3A_38 = arith.constant 0 : i32
      %dma_start3A_39 = tpu.memref_slice %arg2[%add3A_32, %dma_start3A, %dma_start3A_38] : memref<384x448x128xi32, #tpu.memory_space<hbm>> -> memref<1x448x128xi32, #tpu.memory_space<hbm>>
      %dma_start3A_40 = tpu.memref_squeeze %dma_start3A_39 : memref<1x448x128xi32, #tpu.memory_space<hbm>> -> memref<448x128xi32, #tpu.memory_space<hbm>>
      %dma_start3A_41 = arith.constant 0 : i32
      %dma_start3A_42 = arith.constant 0 : i32
      %dma_start3A_43 = tpu.memref_slice %arg2[%add3A_32, %dma_start3A_41, %dma_start3A_42] : memref<384x448x128xi32, #tpu.memory_space<hbm>> -> memref<1x448x128xi32, #tpu.memory_space<hbm>>
      %dma_start3A_44 = tpu.memref_squeeze %dma_start3A_43 : memref<1x448x128xi32, #tpu.memory_space<hbm>> -> memref<448x128xi32, #tpu.memory_space<hbm>>
      tpu.enqueue_dma source(%dma_start3A_44 : memref<448x128xi32, #tpu.memory_space<hbm>>) target(%arg5 : memref<448x128xi32, #tpu.memory_space<vmem>>) target_semaphore(%arg10 : memref<!tpu.dma_semaphore, #tpu.memory_space<semaphore_mem>>)
      %add3A_45 = arith.constant 1 : i32
      %add3A_46 = arith.addi %add3A_32, %add3A_45 : i32
      %dma_start3A_47 = arith.constant 0 : i32
      %dma_start3A_48 = arith.constant 0 : i32
      %dma_start3A_49 = tpu.memref_slice %arg2[%add3A_46, %dma_start3A_47, %dma_start3A_48] : memref<384x448x128xi32, #tpu.memory_space<hbm>> -> memref<1x448x128xi32, #tpu.memory_space<hbm>>
      %dma_start3A_50 = tpu.memref_squeeze %dma_start3A_49 : memref<1x448x128xi32, #tpu.memory_space<hbm>> -> memref<448x128xi32, #tpu.memory_space<hbm>>
      %dma_start3A_51 = arith.constant 0 : i32
      %dma_start3A_52 = arith.constant 0 : i32
      %dma_start3A_53 = tpu.memref_slice %arg2[%add3A_46, %dma_start3A_51, %dma_start3A_52] : memref<384x448x128xi32, #tpu.memory_space<hbm>> -> memref<1x448x128xi32, #tpu.memory_space<hbm>>
      %dma_start3A_54 = tpu.memref_squeeze %dma_start3A_53 : memref<1x448x128xi32, #tpu.memory_space<hbm>> -> memref<448x128xi32, #tpu.memory_space<hbm>>
      tpu.enqueue_dma source(%dma_start3A_54 : memref<448x128xi32, #tpu.memory_space<hbm>>) target(%arg6 : memref<448x128xi32, #tpu.memory_space<vmem>>) target_semaphore(%arg10 : memref<!tpu.dma_semaphore, #tpu.memory_space<semaphore_mem>>)
      %dma_start3A_55 = arith.constant 0 : i32
      %dma_start3A_56 = arith.constant 0 : i32
      %dma_start3A_57 = tpu.memref_slice %arg3[%select_n3A, %dma_start3A_55, %dma_start3A_56] : memref<2x1792x256xf32, #tpu.memory_space<hbm>> -> memref<1x16x256xf32, #tpu.memory_space<hbm>>
      %dma_start3A_58 = tpu.memref_squeeze %dma_start3A_57 : memref<1x16x256xf32, #tpu.memory_space<hbm>> -> memref<16x256xf32, #tpu.memory_space<hbm>>
      %dma_start3A_59 = arith.constant 0 : i32
      %dma_start3A_60 = arith.constant 0 : i32
      %dma_start3A_61 = tpu.memref_slice %arg3[%select_n3A, %dma_start3A_59, %dma_start3A_60] : memref<2x1792x256xf32, #tpu.memory_space<hbm>> -> memref<1x16x256xf32, #tpu.memory_space<hbm>>
      %dma_start3A_62 = tpu.memref_squeeze %dma_start3A_61 : memref<1x16x256xf32, #tpu.memory_space<hbm>> -> memref<16x256xf32, #tpu.memory_space<hbm>>
      tpu.enqueue_dma source(%dma_start3A_62 : memref<16x256xf32, #tpu.memory_space<hbm>>) target(%arg7 : memref<16x256xf32, #tpu.memory_space<vmem>>) target_semaphore(%arg11 : memref<!tpu.dma_semaphore, #tpu.memory_space<semaphore_mem>>)
      %dma_start3A_63 = arith.constant 16 : i32
      %dma_start3A_64 = arith.constant 0 : i32
      %dma_start3A_65 = tpu.memref_slice %arg3[%select_n3A, %dma_start3A_63, %dma_start3A_64] : memref<2x1792x256xf32, #tpu.memory_space<hbm>> -> memref<1x16x256xf32, #tpu.memory_space<hbm>>
      %dma_start3A_66 = tpu.memref_squeeze %dma_start3A_65 : memref<1x16x256xf32, #tpu.memory_space<hbm>> -> memref<16x256xf32, #tpu.memory_space<hbm>>
      %dma_start3A_67 = arith.constant 16 : i32
      %dma_start3A_68 = arith.constant 0 : i32
      %dma_start3A_69 = tpu.memref_slice %arg3[%select_n3A, %dma_start3A_67, %dma_start3A_68] : memref<2x1792x256xf32, #tpu.memory_space<hbm>> -> memref<1x16x256xf32, #tpu.memory_space<hbm>>
      %dma_start3A_70 = tpu.memref_squeeze %dma_start3A_69 : memref<1x16x256xf32, #tpu.memory_space<hbm>> -> memref<16x256xf32, #tpu.memory_space<hbm>>
      tpu.enqueue_dma source(%dma_start3A_70 : memref<16x256xf32, #tpu.memory_space<hbm>>) target(%arg8 : memref<16x256xf32, #tpu.memory_space<vmem>>) target_semaphore(%arg12 : memref<!tpu.dma_semaphore, #tpu.memory_space<semaphore_mem>>)
      %dma_wait3A = arith.constant 0 : i32
      %dma_wait3A_71 = arith.constant 0 : i32
      %dma_wait3A_72 = tpu.memref_slice %arg2[%add3A_32, %dma_wait3A, %dma_wait3A_71] : memref<384x448x128xi32, #tpu.memory_space<hbm>> -> memref<1x448x128xi32, #tpu.memory_space<hbm>>
      %dma_wait3A_73 = tpu.memref_squeeze %dma_wait3A_72 : memref<1x448x128xi32, #tpu.memory_space<hbm>> -> memref<448x128xi32, #tpu.memory_space<hbm>>
      %dma_wait3A_74 = arith.constant 0 : i32
      %dma_wait3A_75 = arith.constant 0 : i32
      %dma_wait3A_76 = tpu.memref_slice %arg2[%add3A_32, %dma_wait3A_74, %dma_wait3A_75] : memref<384x448x128xi32, #tpu.memory_space<hbm>> -> memref<1x448x128xi32, #tpu.memory_space<hbm>>
      %dma_wait3A_77 = tpu.memref_squeeze %dma_wait3A_76 : memref<1x448x128xi32, #tpu.memory_space<hbm>> -> memref<448x128xi32, #tpu.memory_space<hbm>>
      tpu.wait_dma2 semaphore(%arg10 : memref<!tpu.dma_semaphore, #tpu.memory_space<semaphore_mem>>) src(%dma_wait3A_77 : memref<448x128xi32, #tpu.memory_space<hbm>>) dst(%arg5 : memref<448x128xi32, #tpu.memory_space<vmem>>)
      %dma_wait3A_78 = arith.constant 0 : i32
      %dma_wait3A_79 = arith.constant 0 : i32
      %dma_wait3A_80 = tpu.memref_slice %arg2[%add3A_46, %dma_wait3A_78, %dma_wait3A_79] : memref<384x448x128xi32, #tpu.memory_space<hbm>> -> memref<1x448x128xi32, #tpu.memory_space<hbm>>
      %dma_wait3A_81 = tpu.memref_squeeze %dma_wait3A_80 : memref<1x448x128xi32, #tpu.memory_space<hbm>> -> memref<448x128xi32, #tpu.memory_space<hbm>>
      %dma_wait3A_82 = arith.constant 0 : i32
      %dma_wait3A_83 = arith.constant 0 : i32
      %dma_wait3A_84 = tpu.memref_slice %arg2[%add3A_46, %dma_wait3A_82, %dma_wait3A_83] : memref<384x448x128xi32, #tpu.memory_space<hbm>> -> memref<1x448x128xi32, #tpu.memory_space<hbm>>
      %dma_wait3A_85 = tpu.memref_squeeze %dma_wait3A_84 : memref<1x448x128xi32, #tpu.memory_space<hbm>> -> memref<448x128xi32, #tpu.memory_space<hbm>>
      tpu.wait_dma2 semaphore(%arg10 : memref<!tpu.dma_semaphore, #tpu.memory_space<semaphore_mem>>) src(%dma_wait3A_85 : memref<448x128xi32, #tpu.memory_space<hbm>>) dst(%arg6 : memref<448x128xi32, #tpu.memory_space<vmem>>)
      %scan3A_86 = arith.constant 0 : i32
      %scan3A_87 = arith.constant 0 : i32
      %scan3A_88 = arith.constant 56 : i32
      %scan3A_89 = arith.addi %scan3A_87, %scan3A_88 : i32
      %scan3A_90 = arith.constant 1 : i32
      %scan3A_91 = scf.for %scan3A_132 = %scan3A_87 to %scan3A_89 step %scan3A_90 iter_args(%scan3A_133 = %scan3A_86) -> (i32)  : i32 {
        %mul3A_134 = arith.constant 2 : i32
        %mul3A_135 = arith.muli %scan3A_132, %mul3A_134 : i32
        %add3A_136 = arith.constant 0 : i32
        %add3A_137 = arith.addi %mul3A_135, %add3A_136 : i32
        %mul3A_138 = arith.constant 16 : i32
        %mul3A_139 = arith.muli %add3A_137, %mul3A_138 : i32
        %dma_wait3A_140 = arith.constant 0 : i32
        %dma_wait3A_141 = tpu.memref_slice %arg3[%select_n3A, %mul3A_139, %dma_wait3A_140] : memref<2x1792x256xf32, #tpu.memory_space<hbm>> -> memref<1x16x256xf32, #tpu.memory_space<hbm>>
        %dma_wait3A_142 = tpu.memref_squeeze %dma_wait3A_141 : memref<1x16x256xf32, #tpu.memory_space<hbm>> -> memref<16x256xf32, #tpu.memory_space<hbm>>
        %dma_wait3A_143 = arith.constant 0 : i32
        %dma_wait3A_144 = tpu.memref_slice %arg3[%select_n3A, %mul3A_139, %dma_wait3A_143] : memref<2x1792x256xf32, #tpu.memory_space<hbm>> -> memref<1x16x256xf32, #tpu.memory_space<hbm>>
        %dma_wait3A_145 = tpu.memref_squeeze %dma_wait3A_144 : memref<1x16x256xf32, #tpu.memory_space<hbm>> -> memref<16x256xf32, #tpu.memory_space<hbm>>
        tpu.wait_dma2 semaphore(%arg11 : memref<!tpu.dma_semaphore, #tpu.memory_space<semaphore_mem>>) src(%dma_wait3A_145 : memref<16x256xf32, #tpu.memory_space<hbm>>) dst(%arg7 : memref<16x256xf32, #tpu.memory_space<vmem>>)
        %ge3A = arith.constant 2 : i32
        %ge3A_146 = arith.cmpi sge, %add3A_137, %ge3A : i32
        %convert_element_type3A = arith.extui %ge3A_146 : i1 to i32
        %cond3A = arith.constant 0 : i32
        %cond3A_147 = arith.cmpi ne, %convert_element_type3A, %cond3A : i32
        scf.if %cond3A_147 {
          %mul3A_222 = arith.constant 2 : i32
          %mul3A_223 = arith.muli %add3A_137, %mul3A_222 : i32
          %dma_wait3A_224 = arith.constant 0 : i32
          %dma_wait3A_225 = arith.constant 0 : i32
          %dma_wait3A_226 = arith.constant 0 : i32
          %dma_wait3A_227 = arith.constant 0 : i32
          %dma_wait3A_228 = tpu.memref_slice %arg9[%dma_wait3A_224, %dma_wait3A_225, %dma_wait3A_226, %dma_wait3A_227] : memref<2x4x2x224xf32, #tpu.memory_space<vmem>> -> memref<1x4x2x224xf32, #tpu.memory_space<vmem>>
          %dma_wait3A_229 = tpu.memref_squeeze %dma_wait3A_228 : memref<1x4x2x224xf32, #tpu.memory_space<vmem>> -> memref<4x2x224xf32, #tpu.memory_space<vmem>>
          %dma_wait3A_230 = arith.constant 0 : i32
          %dma_wait3A_231 = tpu.memref_slice %arg4[%select_n3A, %mul3A_37, %mul3A_223, %dma_wait3A_230] : memref<2x384x224x224xf32, #tpu.memory_space<hbm>> -> memref<1x4x2x224xf32, #tpu.memory_space<hbm>>
          %dma_wait3A_232 = tpu.memref_squeeze %dma_wait3A_231 : memref<1x4x2x224xf32, #tpu.memory_space<hbm>> -> memref<4x2x224xf32, #tpu.memory_space<hbm>>
          %dma_wait3A_233 = arith.constant 0 : i32
          %dma_wait3A_234 = tpu.memref_slice %arg4[%select_n3A, %mul3A_37, %mul3A_223, %dma_wait3A_233] : memref<2x384x224x224xf32, #tpu.memory_space<hbm>> -> memref<1x4x2x224xf32, #tpu.memory_space<hbm>>
          %dma_wait3A_235 = tpu.memref_squeeze %dma_wait3A_234 : memref<1x4x2x224xf32, #tpu.memory_space<hbm>> -> memref<4x2x224xf32, #tpu.memory_space<hbm>>
          %dma_wait3A_236 = arith.constant 0 : i32
          %dma_wait3A_237 = arith.constant 0 : i32
          %dma_wait3A_238 = arith.constant 0 : i32
          %dma_wait3A_239 = tpu.memref_slice %arg9[%dma_wait3A_224, %dma_wait3A_236, %dma_wait3A_237, %dma_wait3A_238] : memref<2x4x2x224xf32, #tpu.memory_space<vmem>> -> memref<1x4x2x224xf32, #tpu.memory_space<vmem>>
          %dma_wait3A_240 = tpu.memref_squeeze %dma_wait3A_239 : memref<1x4x2x224xf32, #tpu.memory_space<vmem>> -> memref<4x2x224xf32, #tpu.memory_space<vmem>>
          tpu.wait_dma2 semaphore(%arg13 : memref<!tpu.dma_semaphore, #tpu.memory_space<semaphore_mem>>) src(%dma_wait3A_240 : memref<4x2x224xf32, #tpu.memory_space<vmem>>) dst(%dma_wait3A_235 : memref<4x2x224xf32, #tpu.memory_space<hbm>>)
        } else {
        }
        %parallel_loop3A = arith.constant 0 : i32
        %parallel_loop3A_148 = arith.constant 224 : i32
        %parallel_loop3A_149 = arith.constant 16 : i32
        scf.for %parallel_loop3A_222 = %parallel_loop3A to %parallel_loop3A_148 step %parallel_loop3A_149  : i32 {
          %parallel_loop3A_223 = arith.constant 0 : i32
          %parallel_loop3A_224 = arith.index_cast %parallel_loop3A_223 : i32 to index
          %parallel_loop3A_225 = arith.index_cast %parallel_loop3A_222 : i32 to index
          %parallel_loop3A_226 = tpu.vector_load %arg7[%parallel_loop3A_224, %parallel_loop3A_225] {strides = array<i32>} : memref<16x256xf32, #tpu.memory_space<vmem>>, vector<16xf32>,
          %parallel_loop3A_227 = vector.bitcast %parallel_loop3A_226 : vector<16xf32> to vector<16xi32>
          %parallel_loop3A_228 = arith.constant 2 : i32
          %parallel_loop3A_229 = arith.index_cast %parallel_loop3A_228 : i32 to index
          %parallel_loop3A_230 = arith.index_cast %parallel_loop3A_222 : i32 to index
          %parallel_loop3A_231 = tpu.vector_load %arg7[%parallel_loop3A_229, %parallel_loop3A_230] {strides = array<i32>} : memref<16x256xf32, #tpu.memory_space<vmem>>, vector<16xf32>,
          %parallel_loop3A_232 = arith.constant 4 : i32
          %parallel_loop3A_233 = arith.index_cast %parallel_loop3A_232 : i32 to index
          %parallel_loop3A_234 = arith.index_cast %parallel_loop3A_222 : i32 to index
          %parallel_loop3A_235 = tpu.vector_load %arg7[%parallel_loop3A_233, %parallel_loop3A_234] {strides = array<i32>} : memref<16x256xf32, #tpu.memory_space<vmem>>, vector<16xf32>,
          %parallel_loop3A_236 = arith.constant 6 : i32
          %parallel_loop3A_237 = arith.index_cast %parallel_loop3A_236 : i32 to index
          %parallel_loop3A_238 = arith.index_cast %parallel_loop3A_222 : i32 to index
          %parallel_loop3A_239 = tpu.vector_load %arg7[%parallel_loop3A_237, %parallel_loop3A_238] {strides = array<i32>} : memref<16x256xf32, #tpu.memory_space<vmem>>, vector<16xf32>,
          %parallel_loop3A_240 = arith.constant 8 : i32
          %parallel_loop3A_241 = arith.index_cast %parallel_loop3A_240 : i32 to index
          %parallel_loop3A_242 = arith.index_cast %parallel_loop3A_222 : i32 to index
          %parallel_loop3A_243 = tpu.vector_load %arg7[%parallel_loop3A_241, %parallel_loop3A_242] {strides = array<i32>} : memref<16x256xf32, #tpu.memory_space<vmem>>, vector<16xf32>,
          %parallel_loop3A_244 = arith.constant 1 : i32
          %parallel_loop3A_245 = vector.broadcast %parallel_loop3A_244 : i32 to vector<16xi32>
          %parallel_loop3A_246 = arith.addi %parallel_loop3A_227, %parallel_loop3A_245 : vector<16xi32>
          %parallel_loop3A_247 = arith.constant 256 : i32
          %parallel_loop3A_248 = vector.broadcast %parallel_loop3A_247 : i32 to vector<16xi32>
          %parallel_loop3A_249 = arith.addi %parallel_loop3A_227, %parallel_loop3A_248 : vector<16xi32>
          %parallel_loop3A_250 = arith.constant 257 : i32
          %parallel_loop3A_251 = vector.broadcast %parallel_loop3A_250 : i32 to vector<16xi32>
          %parallel_loop3A_252 = arith.addi %parallel_loop3A_227, %parallel_loop3A_251 : vector<16xi32>
          %parallel_loop3A_253 = arith.constant 7 : i32
          %parallel_loop3A_254 = vector.broadcast %parallel_loop3A_253 : i32 to vector<16xi32>
          %parallel_loop3A_255 = arith.shrsi %parallel_loop3A_227, %parallel_loop3A_254 : vector<16xi32>
          %parallel_loop3A_256 = arith.constant 127 : i32
          %parallel_loop3A_257 = vector.broadcast %parallel_loop3A_256 : i32 to vector<16xi32>
          %parallel_loop3A_258 = arith.andi %parallel_loop3A_227, %parallel_loop3A_257 : vector<16xi32>
          %parallel_loop3A_259 = arith.constant 7 : i32
          %parallel_loop3A_260 = vector.broadcast %parallel_loop3A_259 : i32 to vector<16xi32>
          %parallel_loop3A_261 = arith.shrsi %parallel_loop3A_246, %parallel_loop3A_260 : vector<16xi32>
          %parallel_loop3A_262 = arith.constant 127 : i32
          %parallel_loop3A_263 = vector.broadcast %parallel_loop3A_262 : i32 to vector<16xi32>
          %parallel_loop3A_264 = arith.andi %parallel_loop3A_246, %parallel_loop3A_263 : vector<16xi32>
          %parallel_loop3A_265 = arith.constant 7 : i32
          %parallel_loop3A_266 = vector.broadcast %parallel_loop3A_265 : i32 to vector<16xi32>
          %parallel_loop3A_267 = arith.shrsi %parallel_loop3A_249, %parallel_loop3A_266 : vector<16xi32>
          %parallel_loop3A_268 = arith.constant 127 : i32
          %parallel_loop3A_269 = vector.broadcast %parallel_loop3A_268 : i32 to vector<16xi32>
          %parallel_loop3A_270 = arith.andi %parallel_loop3A_249, %parallel_loop3A_269 : vector<16xi32>
          %parallel_loop3A_271 = arith.constant 7 : i32
          %parallel_loop3A_272 = vector.broadcast %parallel_loop3A_271 : i32 to vector<16xi32>
          %parallel_loop3A_273 = arith.shrsi %parallel_loop3A_252, %parallel_loop3A_272 : vector<16xi32>
          %parallel_loop3A_274 = arith.constant 127 : i32
          %parallel_loop3A_275 = vector.broadcast %parallel_loop3A_274 : i32 to vector<16xi32>
          %parallel_loop3A_276 = arith.andi %parallel_loop3A_252, %parallel_loop3A_275 : vector<16xi32>
          %parallel_loop3A_277 = tpu.vector_load_idx %arg5[%parallel_loop3A_255, %parallel_loop3A_258] : memref<448x128xi32, #tpu.memory_space<vmem>>[vector<16xi32>, vector<16xi32>], vector<16xi32>,
          %parallel_loop3A_278 = tpu.vector_load_idx %arg5[%parallel_loop3A_261, %parallel_loop3A_264] : memref<448x128xi32, #tpu.memory_space<vmem>>[vector<16xi32>, vector<16xi32>], vector<16xi32>,
          %parallel_loop3A_279 = tpu.vector_load_idx %arg5[%parallel_loop3A_267, %parallel_loop3A_270] : memref<448x128xi32, #tpu.memory_space<vmem>>[vector<16xi32>, vector<16xi32>], vector<16xi32>,
          %parallel_loop3A_280 = tpu.vector_load_idx %arg5[%parallel_loop3A_273, %parallel_loop3A_276] : memref<448x128xi32, #tpu.memory_space<vmem>>[vector<16xi32>, vector<16xi32>], vector<16xi32>,
          %parallel_loop3A_281 = arith.constant -65536 : i32
          %parallel_loop3A_282 = vector.broadcast %parallel_loop3A_281 : i32 to vector<16xi32>
          %parallel_loop3A_283 = arith.andi %parallel_loop3A_277, %parallel_loop3A_282 : vector<16xi32>
          %parallel_loop3A_284 = vector.bitcast %parallel_loop3A_283 : vector<16xi32> to vector<16xf32>
          %parallel_loop3A_285 = arith.mulf %parallel_loop3A_284, %parallel_loop3A_231 : vector<16xf32>
          %parallel_loop3A_286 = arith.constant -65536 : i32
          %parallel_loop3A_287 = vector.broadcast %parallel_loop3A_286 : i32 to vector<16xi32>
          %parallel_loop3A_288 = arith.andi %parallel_loop3A_278, %parallel_loop3A_287 : vector<16xi32>
          %parallel_loop3A_289 = vector.bitcast %parallel_loop3A_288 : vector<16xi32> to vector<16xf32>
          %parallel_loop3A_290 = arith.mulf %parallel_loop3A_289, %parallel_loop3A_235 : vector<16xf32>
          %parallel_loop3A_291 = arith.addf %parallel_loop3A_285, %parallel_loop3A_290 : vector<16xf32>
          %parallel_loop3A_292 = arith.constant -65536 : i32
          %parallel_loop3A_293 = vector.broadcast %parallel_loop3A_292 : i32 to vector<16xi32>
          %parallel_loop3A_294 = arith.andi %parallel_loop3A_279, %parallel_loop3A_293 : vector<16xi32>
          %parallel_loop3A_295 = vector.bitcast %parallel_loop3A_294 : vector<16xi32> to vector<16xf32>
          %parallel_loop3A_296 = arith.mulf %parallel_loop3A_295, %parallel_loop3A_239 : vector<16xf32>
          %parallel_loop3A_297 = arith.addf %parallel_loop3A_291, %parallel_loop3A_296 : vector<16xf32>
          %parallel_loop3A_298 = arith.constant -65536 : i32
          %parallel_loop3A_299 = vector.broadcast %parallel_loop3A_298 : i32 to vector<16xi32>
          %parallel_loop3A_300 = arith.andi %parallel_loop3A_280, %parallel_loop3A_299 : vector<16xi32>
          %parallel_loop3A_301 = vector.bitcast %parallel_loop3A_300 : vector<16xi32> to vector<16xf32>
          %parallel_loop3A_302 = arith.mulf %parallel_loop3A_301, %parallel_loop3A_243 : vector<16xf32>
          %parallel_loop3A_303 = arith.addf %parallel_loop3A_297, %parallel_loop3A_302 : vector<16xf32>
          %parallel_loop3A_304 = arith.constant 16 : i32
          %parallel_loop3A_305 = vector.broadcast %parallel_loop3A_304 : i32 to vector<16xi32>
          %parallel_loop3A_306 = arith.shli %parallel_loop3A_277, %parallel_loop3A_305 : vector<16xi32>
          %parallel_loop3A_307 = vector.bitcast %parallel_loop3A_306 : vector<16xi32> to vector<16xf32>
          %parallel_loop3A_308 = arith.mulf %parallel_loop3A_307, %parallel_loop3A_231 : vector<16xf32>
          %parallel_loop3A_309 = arith.constant 16 : i32
          %parallel_loop3A_310 = vector.broadcast %parallel_loop3A_309 : i32 to vector<16xi32>
          %parallel_loop3A_311 = arith.shli %parallel_loop3A_278, %parallel_loop3A_310 : vector<16xi32>
          %parallel_loop3A_312 = vector.bitcast %parallel_loop3A_311 : vector<16xi32> to vector<16xf32>
          %parallel_loop3A_313 = arith.mulf %parallel_loop3A_312, %parallel_loop3A_235 : vector<16xf32>
          %parallel_loop3A_314 = arith.addf %parallel_loop3A_308, %parallel_loop3A_313 : vector<16xf32>
          %parallel_loop3A_315 = arith.constant 16 : i32
          %parallel_loop3A_316 = vector.broadcast %parallel_loop3A_315 : i32 to vector<16xi32>
          %parallel_loop3A_317 = arith.shli %parallel_loop3A_279, %parallel_loop3A_316 : vector<16xi32>
          %parallel_loop3A_318 = vector.bitcast %parallel_loop3A_317 : vector<16xi32> to vector<16xf32>
          %parallel_loop3A_319 = arith.mulf %parallel_loop3A_318, %parallel_loop3A_239 : vector<16xf32>
          %parallel_loop3A_320 = arith.addf %parallel_loop3A_314, %parallel_loop3A_319 : vector<16xf32>
          %parallel_loop3A_321 = arith.constant 16 : i32
          %parallel_loop3A_322 = vector.broadcast %parallel_loop3A_321 : i32 to vector<16xi32>
          %parallel_loop3A_323 = arith.shli %parallel_loop3A_280, %parallel_loop3A_322 : vector<16xi32>
          %parallel_loop3A_324 = vector.bitcast %parallel_loop3A_323 : vector<16xi32> to vector<16xf32>
          %parallel_loop3A_325 = arith.mulf %parallel_loop3A_324, %parallel_loop3A_243 : vector<16xf32>
          %parallel_loop3A_326 = arith.addf %parallel_loop3A_320, %parallel_loop3A_325 : vector<16xf32>
          %parallel_loop3A_327 = arith.constant 0 : i32
          %parallel_loop3A_328 = arith.constant 0 : i32
          %parallel_loop3A_329 = arith.constant 0 : i32
          %parallel_loop3A_330 = arith.index_cast %parallel_loop3A_327 : i32 to index
          %parallel_loop3A_331 = arith.index_cast %parallel_loop3A_328 : i32 to index
          %parallel_loop3A_332 = arith.index_cast %parallel_loop3A_329 : i32 to index
          %parallel_loop3A_333 = arith.index_cast %parallel_loop3A_222 : i32 to index
          %parallel_loop3A_334 = tpu.vector_load %arg9[%parallel_loop3A_330, %parallel_loop3A_331, %parallel_loop3A_332, %parallel_loop3A_333] {strides = array<i32>} : memref<2x4x2x224xf32, #tpu.memory_space<vmem>>, vector<16xf32>,
          tpu.vector_store %arg9[%parallel_loop3A_330, %parallel_loop3A_331, %parallel_loop3A_332, %parallel_loop3A_333], %parallel_loop3A_303 {strides = array<i32>} : memref<2x4x2x224xf32, #tpu.memory_space<vmem>>, vector<16xf32>,
          %parallel_loop3A_335 = arith.constant 0 : i32
          %parallel_loop3A_336 = arith.constant 1 : i32
          %parallel_loop3A_337 = arith.constant 0 : i32
          %parallel_loop3A_338 = arith.index_cast %parallel_loop3A_335 : i32 to index
          %parallel_loop3A_339 = arith.index_cast %parallel_loop3A_336 : i32 to index
          %parallel_loop3A_340 = arith.index_cast %parallel_loop3A_337 : i32 to index
          %parallel_loop3A_341 = arith.index_cast %parallel_loop3A_222 : i32 to index
          %parallel_loop3A_342 = tpu.vector_load %arg9[%parallel_loop3A_338, %parallel_loop3A_339, %parallel_loop3A_340, %parallel_loop3A_341] {strides = array<i32>} : memref<2x4x2x224xf32, #tpu.memory_space<vmem>>, vector<16xf32>,
          tpu.vector_store %arg9[%parallel_loop3A_338, %parallel_loop3A_339, %parallel_loop3A_340, %parallel_loop3A_341], %parallel_loop3A_326 {strides = array<i32>} : memref<2x4x2x224xf32, #tpu.memory_space<vmem>>, vector<16xf32>,
          %parallel_loop3A_343 = tpu.vector_load_idx %arg6[%parallel_loop3A_255, %parallel_loop3A_258] : memref<448x128xi32, #tpu.memory_space<vmem>>[vector<16xi32>, vector<16xi32>], vector<16xi32>,
          %parallel_loop3A_344 = tpu.vector_load_idx %arg6[%parallel_loop3A_261, %parallel_loop3A_264] : memref<448x128xi32, #tpu.memory_space<vmem>>[vector<16xi32>, vector<16xi32>], vector<16xi32>,
          %parallel_loop3A_345 = tpu.vector_load_idx %arg6[%parallel_loop3A_267, %parallel_loop3A_270] : memref<448x128xi32, #tpu.memory_space<vmem>>[vector<16xi32>, vector<16xi32>], vector<16xi32>,
          %parallel_loop3A_346 = tpu.vector_load_idx %arg6[%parallel_loop3A_273, %parallel_loop3A_276] : memref<448x128xi32, #tpu.memory_space<vmem>>[vector<16xi32>, vector<16xi32>], vector<16xi32>,
          %parallel_loop3A_347 = arith.constant -65536 : i32
          %parallel_loop3A_348 = vector.broadcast %parallel_loop3A_347 : i32 to vector<16xi32>
          %parallel_loop3A_349 = arith.andi %parallel_loop3A_343, %parallel_loop3A_348 : vector<16xi32>
          %parallel_loop3A_350 = vector.bitcast %parallel_loop3A_349 : vector<16xi32> to vector<16xf32>
          %parallel_loop3A_351 = arith.mulf %parallel_loop3A_350, %parallel_loop3A_231 : vector<16xf32>
          %parallel_loop3A_352 = arith.constant -65536 : i32
          %parallel_loop3A_353 = vector.broadcast %parallel_loop3A_352 : i32 to vector<16xi32>
          %parallel_loop3A_354 = arith.andi %parallel_loop3A_344, %parallel_loop3A_353 : vector<16xi32>
          %parallel_loop3A_355 = vector.bitcast %parallel_loop3A_354 : vector<16xi32> to vector<16xf32>
          %parallel_loop3A_356 = arith.mulf %parallel_loop3A_355, %parallel_loop3A_235 : vector<16xf32>
          %parallel_loop3A_357 = arith.addf %parallel_loop3A_351, %parallel_loop3A_356 : vector<16xf32>
          %parallel_loop3A_358 = arith.constant -65536 : i32
          %parallel_loop3A_359 = vector.broadcast %parallel_loop3A_358 : i32 to vector<16xi32>
          %parallel_loop3A_360 = arith.andi %parallel_loop3A_345, %parallel_loop3A_359 : vector<16xi32>
          %parallel_loop3A_361 = vector.bitcast %parallel_loop3A_360 : vector<16xi32> to vector<16xf32>
          %parallel_loop3A_362 = arith.mulf %parallel_loop3A_361, %parallel_loop3A_239 : vector<16xf32>
          %parallel_loop3A_363 = arith.addf %parallel_loop3A_357, %parallel_loop3A_362 : vector<16xf32>
          %parallel_loop3A_364 = arith.constant -65536 : i32
          %parallel_loop3A_365 = vector.broadcast %parallel_loop3A_364 : i32 to vector<16xi32>
          %parallel_loop3A_366 = arith.andi %parallel_loop3A_346, %parallel_loop3A_365 : vector<16xi32>
          %parallel_loop3A_367 = vector.bitcast %parallel_loop3A_366 : vector<16xi32> to vector<16xf32>
          %parallel_loop3A_368 = arith.mulf %parallel_loop3A_367, %parallel_loop3A_243 : vector<16xf32>
          %parallel_loop3A_369 = arith.addf %parallel_loop3A_363, %parallel_loop3A_368 : vector<16xf32>
          %parallel_loop3A_370 = arith.constant 16 : i32
          %parallel_loop3A_371 = vector.broadcast %parallel_loop3A_370 : i32 to vector<16xi32>
          %parallel_loop3A_372 = arith.shli %parallel_loop3A_343, %parallel_loop3A_371 : vector<16xi32>
          %parallel_loop3A_373 = vector.bitcast %parallel_loop3A_372 : vector<16xi32> to vector<16xf32>
          %parallel_loop3A_374 = arith.mulf %parallel_loop3A_373, %parallel_loop3A_231 : vector<16xf32>
          %parallel_loop3A_375 = arith.constant 16 : i32
          %parallel_loop3A_376 = vector.broadcast %parallel_loop3A_375 : i32 to vector<16xi32>
          %parallel_loop3A_377 = arith.shli %parallel_loop3A_344, %parallel_loop3A_376 : vector<16xi32>
          %parallel_loop3A_378 = vector.bitcast %parallel_loop3A_377 : vector<16xi32> to vector<16xf32>
          %parallel_loop3A_379 = arith.mulf %parallel_loop3A_378, %parallel_loop3A_235 : vector<16xf32>
          %parallel_loop3A_380 = arith.addf %parallel_loop3A_374, %parallel_loop3A_379 : vector<16xf32>
          %parallel_loop3A_381 = arith.constant 16 : i32
          %parallel_loop3A_382 = vector.broadcast %parallel_loop3A_381 : i32 to vector<16xi32>
          %parallel_loop3A_383 = arith.shli %parallel_loop3A_345, %parallel_loop3A_382 : vector<16xi32>
          %parallel_loop3A_384 = vector.bitcast %parallel_loop3A_383 : vector<16xi32> to vector<16xf32>
          %parallel_loop3A_385 = arith.mulf %parallel_loop3A_384, %parallel_loop3A_239 : vector<16xf32>
          %parallel_loop3A_386 = arith.addf %parallel_loop3A_380, %parallel_loop3A_385 : vector<16xf32>
          %parallel_loop3A_387 = arith.constant 16 : i32
          %parallel_loop3A_388 = vector.broadcast %parallel_loop3A_387 : i32 to vector<16xi32>
          %parallel_loop3A_389 = arith.shli %parallel_loop3A_346, %parallel_loop3A_388 : vector<16xi32>
          %parallel_loop3A_390 = vector.bitcast %parallel_loop3A_389 : vector<16xi32> to vector<16xf32>
          %parallel_loop3A_391 = arith.mulf %parallel_loop3A_390, %parallel_loop3A_243 : vector<16xf32>
          %parallel_loop3A_392 = arith.addf %parallel_loop3A_386, %parallel_loop3A_391 : vector<16xf32>
          %parallel_loop3A_393 = arith.constant 0 : i32
          %parallel_loop3A_394 = arith.constant 2 : i32
          %parallel_loop3A_395 = arith.constant 0 : i32
          %parallel_loop3A_396 = arith.index_cast %parallel_loop3A_393 : i32 to index
          %parallel_loop3A_397 = arith.index_cast %parallel_loop3A_394 : i32 to index
          %parallel_loop3A_398 = arith.index_cast %parallel_loop3A_395 : i32 to index
          %parallel_loop3A_399 = arith.index_cast %parallel_loop3A_222 : i32 to index
          %parallel_loop3A_400 = tpu.vector_load %arg9[%parallel_loop3A_396, %parallel_loop3A_397, %parallel_loop3A_398, %parallel_loop3A_399] {strides = array<i32>} : memref<2x4x2x224xf32, #tpu.memory_space<vmem>>, vector<16xf32>,
          tpu.vector_store %arg9[%parallel_loop3A_396, %parallel_loop3A_397, %parallel_loop3A_398, %parallel_loop3A_399], %parallel_loop3A_369 {strides = array<i32>} : memref<2x4x2x224xf32, #tpu.memory_space<vmem>>, vector<16xf32>,
          %parallel_loop3A_401 = arith.constant 0 : i32
          %parallel_loop3A_402 = arith.constant 3 : i32
          %parallel_loop3A_403 = arith.constant 0 : i32
          %parallel_loop3A_404 = arith.index_cast %parallel_loop3A_401 : i32 to index
          %parallel_loop3A_405 = arith.index_cast %parallel_loop3A_402 : i32 to index
          %parallel_loop3A_406 = arith.index_cast %parallel_loop3A_403 : i32 to index
          %parallel_loop3A_407 = arith.index_cast %parallel_loop3A_222 : i32 to index
          %parallel_loop3A_408 = tpu.vector_load %arg9[%parallel_loop3A_404, %parallel_loop3A_405, %parallel_loop3A_406, %parallel_loop3A_407] {strides = array<i32>} : memref<2x4x2x224xf32, #tpu.memory_space<vmem>>, vector<16xf32>,
          tpu.vector_store %arg9[%parallel_loop3A_404, %parallel_loop3A_405, %parallel_loop3A_406, %parallel_loop3A_407], %parallel_loop3A_392 {strides = array<i32>} : memref<2x4x2x224xf32, #tpu.memory_space<vmem>>, vector<16xf32>,
          %parallel_loop3A_409 = arith.constant 1 : i32
          %parallel_loop3A_410 = arith.index_cast %parallel_loop3A_409 : i32 to index
          %parallel_loop3A_411 = arith.index_cast %parallel_loop3A_222 : i32 to index
          %parallel_loop3A_412 = tpu.vector_load %arg7[%parallel_loop3A_410, %parallel_loop3A_411] {strides = array<i32>} : memref<16x256xf32, #tpu.memory_space<vmem>>, vector<16xf32>,
          %parallel_loop3A_413 = vector.bitcast %parallel_loop3A_412 : vector<16xf32> to vector<16xi32>
          %parallel_loop3A_414 = arith.constant 3 : i32
          %parallel_loop3A_415 = arith.index_cast %parallel_loop3A_414 : i32 to index
          %parallel_loop3A_416 = arith.index_cast %parallel_loop3A_222 : i32 to index
          %parallel_loop3A_417 = tpu.vector_load %arg7[%parallel_loop3A_415, %parallel_loop3A_416] {strides = array<i32>} : memref<16x256xf32, #tpu.memory_space<vmem>>, vector<16xf32>,
          %parallel_loop3A_418 = arith.constant 5 : i32
          %parallel_loop3A_419 = arith.index_cast %parallel_loop3A_418 : i32 to index
          %parallel_loop3A_420 = arith.index_cast %parallel_loop3A_222 : i32 to index
          %parallel_loop3A_421 = tpu.vector_load %arg7[%parallel_loop3A_419, %parallel_loop3A_420] {strides = array<i32>} : memref<16x256xf32, #tpu.memory_space<vmem>>, vector<16xf32>,
          %parallel_loop3A_422 = arith.constant 7 : i32
          %parallel_loop3A_423 = arith.index_cast %parallel_loop3A_422 : i32 to index
          %parallel_loop3A_424 = arith.index_cast %parallel_loop3A_222 : i32 to index
          %parallel_loop3A_425 = tpu.vector_load %arg7[%parallel_loop3A_423, %parallel_loop3A_424] {strides = array<i32>} : memref<16x256xf32, #tpu.memory_space<vmem>>, vector<16xf32>,
          %parallel_loop3A_426 = arith.constant 9 : i32
          %parallel_loop3A_427 = arith.index_cast %parallel_loop3A_426 : i32 to index
          %parallel_loop3A_428 = arith.index_cast %parallel_loop3A_222 : i32 to index
          %parallel_loop3A_429 = tpu.vector_load %arg7[%parallel_loop3A_427, %parallel_loop3A_428] {strides = array<i32>} : memref<16x256xf32, #tpu.memory_space<vmem>>, vector<16xf32>,
          %parallel_loop3A_430 = arith.constant 1 : i32
          %parallel_loop3A_431 = vector.broadcast %parallel_loop3A_430 : i32 to vector<16xi32>
          %parallel_loop3A_432 = arith.addi %parallel_loop3A_413, %parallel_loop3A_431 : vector<16xi32>
          %parallel_loop3A_433 = arith.constant 256 : i32
          %parallel_loop3A_434 = vector.broadcast %parallel_loop3A_433 : i32 to vector<16xi32>
          %parallel_loop3A_435 = arith.addi %parallel_loop3A_413, %parallel_loop3A_434 : vector<16xi32>
          %parallel_loop3A_436 = arith.constant 257 : i32
          %parallel_loop3A_437 = vector.broadcast %parallel_loop3A_436 : i32 to vector<16xi32>
          %parallel_loop3A_438 = arith.addi %parallel_loop3A_413, %parallel_loop3A_437 : vector<16xi32>
          %parallel_loop3A_439 = arith.constant 7 : i32
          %parallel_loop3A_440 = vector.broadcast %parallel_loop3A_439 : i32 to vector<16xi32>
          %parallel_loop3A_441 = arith.shrsi %parallel_loop3A_413, %parallel_loop3A_440 : vector<16xi32>
          %parallel_loop3A_442 = arith.constant 127 : i32
          %parallel_loop3A_443 = vector.broadcast %parallel_loop3A_442 : i32 to vector<16xi32>
          %parallel_loop3A_444 = arith.andi %parallel_loop3A_413, %parallel_loop3A_443 : vector<16xi32>
          %parallel_loop3A_445 = arith.constant 7 : i32
          %parallel_loop3A_446 = vector.broadcast %parallel_loop3A_445 : i32 to vector<16xi32>
          %parallel_loop3A_447 = arith.shrsi %parallel_loop3A_432, %parallel_loop3A_446 : vector<16xi32>
          %parallel_loop3A_448 = arith.constant 127 : i32
          %parallel_loop3A_449 = vector.broadcast %parallel_loop3A_448 : i32 to vector<16xi32>
          %parallel_loop3A_450 = arith.andi %parallel_loop3A_432, %parallel_loop3A_449 : vector<16xi32>
          %parallel_loop3A_451 = arith.constant 7 : i32
          %parallel_loop3A_452 = vector.broadcast %parallel_loop3A_451 : i32 to vector<16xi32>
          %parallel_loop3A_453 = arith.shrsi %parallel_loop3A_435, %parallel_loop3A_452 : vector<16xi32>
          %parallel_loop3A_454 = arith.constant 127 : i32
          %parallel_loop3A_455 = vector.broadcast %parallel_loop3A_454 : i32 to vector<16xi32>
          %parallel_loop3A_456 = arith.andi %parallel_loop3A_435, %parallel_loop3A_455 : vector<16xi32>
          %parallel_loop3A_457 = arith.constant 7 : i32
          %parallel_loop3A_458 = vector.broadcast %parallel_loop3A_457 : i32 to vector<16xi32>
          %parallel_loop3A_459 = arith.shrsi %parallel_loop3A_438, %parallel_loop3A_458 : vector<16xi32>
          %parallel_loop3A_460 = arith.constant 127 : i32
          %parallel_loop3A_461 = vector.broadcast %parallel_loop3A_460 : i32 to vector<16xi32>
          %parallel_loop3A_462 = arith.andi %parallel_loop3A_438, %parallel_loop3A_461 : vector<16xi32>
          %parallel_loop3A_463 = tpu.vector_load_idx %arg5[%parallel_loop3A_441, %parallel_loop3A_444] : memref<448x128xi32, #tpu.memory_space<vmem>>[vector<16xi32>, vector<16xi32>], vector<16xi32>,
          %parallel_loop3A_464 = tpu.vector_load_idx %arg5[%parallel_loop3A_447, %parallel_loop3A_450] : memref<448x128xi32, #tpu.memory_space<vmem>>[vector<16xi32>, vector<16xi32>], vector<16xi32>,
          %parallel_loop3A_465 = tpu.vector_load_idx %arg5[%parallel_loop3A_453, %parallel_loop3A_456] : memref<448x128xi32, #tpu.memory_space<vmem>>[vector<16xi32>, vector<16xi32>], vector<16xi32>,
          %parallel_loop3A_466 = tpu.vector_load_idx %arg5[%parallel_loop3A_459, %parallel_loop3A_462] : memref<448x128xi32, #tpu.memory_space<vmem>>[vector<16xi32>, vector<16xi32>], vector<16xi32>,
          %parallel_loop3A_467 = arith.constant -65536 : i32
          %parallel_loop3A_468 = vector.broadcast %parallel_loop3A_467 : i32 to vector<16xi32>
          %parallel_loop3A_469 = arith.andi %parallel_loop3A_463, %parallel_loop3A_468 : vector<16xi32>
          %parallel_loop3A_470 = vector.bitcast %parallel_loop3A_469 : vector<16xi32> to vector<16xf32>
          %parallel_loop3A_471 = arith.mulf %parallel_loop3A_470, %parallel_loop3A_417 : vector<16xf32>
          %parallel_loop3A_472 = arith.constant -65536 : i32
          %parallel_loop3A_473 = vector.broadcast %parallel_loop3A_472 : i32 to vector<16xi32>
          %parallel_loop3A_474 = arith.andi %parallel_loop3A_464, %parallel_loop3A_473 : vector<16xi32>
          %parallel_loop3A_475 = vector.bitcast %parallel_loop3A_474 : vector<16xi32> to vector<16xf32>
          %parallel_loop3A_476 = arith.mulf %parallel_loop3A_475, %parallel_loop3A_421 : vector<16xf32>
          %parallel_loop3A_477 = arith.addf %parallel_loop3A_471, %parallel_loop3A_476 : vector<16xf32>
          %parallel_loop3A_478 = arith.constant -65536 : i32
          %parallel_loop3A_479 = vector.broadcast %parallel_loop3A_478 : i32 to vector<16xi32>
          %parallel_loop3A_480 = arith.andi %parallel_loop3A_465, %parallel_loop3A_479 : vector<16xi32>
          %parallel_loop3A_481 = vector.bitcast %parallel_loop3A_480 : vector<16xi32> to vector<16xf32>
          %parallel_loop3A_482 = arith.mulf %parallel_loop3A_481, %parallel_loop3A_425 : vector<16xf32>
          %parallel_loop3A_483 = arith.addf %parallel_loop3A_477, %parallel_loop3A_482 : vector<16xf32>
          %parallel_loop3A_484 = arith.constant -65536 : i32
          %parallel_loop3A_485 = vector.broadcast %parallel_loop3A_484 : i32 to vector<16xi32>
          %parallel_loop3A_486 = arith.andi %parallel_loop3A_466, %parallel_loop3A_485 : vector<16xi32>
          %parallel_loop3A_487 = vector.bitcast %parallel_loop3A_486 : vector<16xi32> to vector<16xf32>
          %parallel_loop3A_488 = arith.mulf %parallel_loop3A_487, %parallel_loop3A_429 : vector<16xf32>
          %parallel_loop3A_489 = arith.addf %parallel_loop3A_483, %parallel_loop3A_488 : vector<16xf32>
          %parallel_loop3A_490 = arith.constant 16 : i32
          %parallel_loop3A_491 = vector.broadcast %parallel_loop3A_490 : i32 to vector<16xi32>
          %parallel_loop3A_492 = arith.shli %parallel_loop3A_463, %parallel_loop3A_491 : vector<16xi32>
          %parallel_loop3A_493 = vector.bitcast %parallel_loop3A_492 : vector<16xi32> to vector<16xf32>
          %parallel_loop3A_494 = arith.mulf %parallel_loop3A_493, %parallel_loop3A_417 : vector<16xf32>
          %parallel_loop3A_495 = arith.constant 16 : i32
          %parallel_loop3A_496 = vector.broadcast %parallel_loop3A_495 : i32 to vector<16xi32>
          %parallel_loop3A_497 = arith.shli %parallel_loop3A_464, %parallel_loop3A_496 : vector<16xi32>
          %parallel_loop3A_498 = vector.bitcast %parallel_loop3A_497 : vector<16xi32> to vector<16xf32>
          %parallel_loop3A_499 = arith.mulf %parallel_loop3A_498, %parallel_loop3A_421 : vector<16xf32>
          %parallel_loop3A_500 = arith.addf %parallel_loop3A_494, %parallel_loop3A_499 : vector<16xf32>
          %parallel_loop3A_501 = arith.constant 16 : i32
          %parallel_loop3A_502 = vector.broadcast %parallel_loop3A_501 : i32 to vector<16xi32>
          %parallel_loop3A_503 = arith.shli %parallel_loop3A_465, %parallel_loop3A_502 : vector<16xi32>
          %parallel_loop3A_504 = vector.bitcast %parallel_loop3A_503 : vector<16xi32> to vector<16xf32>
          %parallel_loop3A_505 = arith.mulf %parallel_loop3A_504, %parallel_loop3A_425 : vector<16xf32>
          %parallel_loop3A_506 = arith.addf %parallel_loop3A_500, %parallel_loop3A_505 : vector<16xf32>
          %parallel_loop3A_507 = arith.constant 16 : i32
          %parallel_loop3A_508 = vector.broadcast %parallel_loop3A_507 : i32 to vector<16xi32>
          %parallel_loop3A_509 = arith.shli %parallel_loop3A_466, %parallel_loop3A_508 : vector<16xi32>
          %parallel_loop3A_510 = vector.bitcast %parallel_loop3A_509 : vector<16xi32> to vector<16xf32>
          %parallel_loop3A_511 = arith.mulf %parallel_loop3A_510, %parallel_loop3A_429 : vector<16xf32>
          %parallel_loop3A_512 = arith.addf %parallel_loop3A_506, %parallel_loop3A_511 : vector<16xf32>
          %parallel_loop3A_513 = arith.constant 0 : i32
          %parallel_loop3A_514 = arith.constant 0 : i32
          %parallel_loop3A_515 = arith.constant 1 : i32
          %parallel_loop3A_516 = arith.index_cast %parallel_loop3A_513 : i32 to index
          %parallel_loop3A_517 = arith.index_cast %parallel_loop3A_514 : i32 to index
          %parallel_loop3A_518 = arith.index_cast %parallel_loop3A_515 : i32 to index
          %parallel_loop3A_519 = arith.index_cast %parallel_loop3A_222 : i32 to index
          %parallel_loop3A_520 = tpu.vector_load %arg9[%parallel_loop3A_516, %parallel_loop3A_517, %parallel_loop3A_518, %parallel_loop3A_519] {strides = array<i32>} : memref<2x4x2x224xf32, #tpu.memory_space<vmem>>, vector<16xf32>,
          tpu.vector_store %arg9[%parallel_loop3A_516, %parallel_loop3A_517, %parallel_loop3A_518, %parallel_loop3A_519], %parallel_loop3A_489 {strides = array<i32>} : memref<2x4x2x224xf32, #tpu.memory_space<vmem>>, vector<16xf32>,
          %parallel_loop3A_521 = arith.constant 0 : i32
          %parallel_loop3A_522 = arith.constant 1 : i32
          %parallel_loop3A_523 = arith.constant 1 : i32
          %parallel_loop3A_524 = arith.index_cast %parallel_loop3A_521 : i32 to index
          %parallel_loop3A_525 = arith.index_cast %parallel_loop3A_522 : i32 to index
          %parallel_loop3A_526 = arith.index_cast %parallel_loop3A_523 : i32 to index
          %parallel_loop3A_527 = arith.index_cast %parallel_loop3A_222 : i32 to index
          %parallel_loop3A_528 = tpu.vector_load %arg9[%parallel_loop3A_524, %parallel_loop3A_525, %parallel_loop3A_526, %parallel_loop3A_527] {strides = array<i32>} : memref<2x4x2x224xf32, #tpu.memory_space<vmem>>, vector<16xf32>,
          tpu.vector_store %arg9[%parallel_loop3A_524, %parallel_loop3A_525, %parallel_loop3A_526, %parallel_loop3A_527], %parallel_loop3A_512 {strides = array<i32>} : memref<2x4x2x224xf32, #tpu.memory_space<vmem>>, vector<16xf32>,
          %parallel_loop3A_529 = tpu.vector_load_idx %arg6[%parallel_loop3A_441, %parallel_loop3A_444] : memref<448x128xi32, #tpu.memory_space<vmem>>[vector<16xi32>, vector<16xi32>], vector<16xi32>,
          %parallel_loop3A_530 = tpu.vector_load_idx %arg6[%parallel_loop3A_447, %parallel_loop3A_450] : memref<448x128xi32, #tpu.memory_space<vmem>>[vector<16xi32>, vector<16xi32>], vector<16xi32>,
          %parallel_loop3A_531 = tpu.vector_load_idx %arg6[%parallel_loop3A_453, %parallel_loop3A_456] : memref<448x128xi32, #tpu.memory_space<vmem>>[vector<16xi32>, vector<16xi32>], vector<16xi32>,
          %parallel_loop3A_532 = tpu.vector_load_idx %arg6[%parallel_loop3A_459, %parallel_loop3A_462] : memref<448x128xi32, #tpu.memory_space<vmem>>[vector<16xi32>, vector<16xi32>], vector<16xi32>,
          %parallel_loop3A_533 = arith.constant -65536 : i32
          %parallel_loop3A_534 = vector.broadcast %parallel_loop3A_533 : i32 to vector<16xi32>
          %parallel_loop3A_535 = arith.andi %parallel_loop3A_529, %parallel_loop3A_534 : vector<16xi32>
          %parallel_loop3A_536 = vector.bitcast %parallel_loop3A_535 : vector<16xi32> to vector<16xf32>
          %parallel_loop3A_537 = arith.mulf %parallel_loop3A_536, %parallel_loop3A_417 : vector<16xf32>
          %parallel_loop3A_538 = arith.constant -65536 : i32
          %parallel_loop3A_539 = vector.broadcast %parallel_loop3A_538 : i32 to vector<16xi32>
          %parallel_loop3A_540 = arith.andi %parallel_loop3A_530, %parallel_loop3A_539 : vector<16xi32>
          %parallel_loop3A_541 = vector.bitcast %parallel_loop3A_540 : vector<16xi32> to vector<16xf32>
          %parallel_loop3A_542 = arith.mulf %parallel_loop3A_541, %parallel_loop3A_421 : vector<16xf32>
          %parallel_loop3A_543 = arith.addf %parallel_loop3A_537, %parallel_loop3A_542 : vector<16xf32>
          %parallel_loop3A_544 = arith.constant -65536 : i32
          %parallel_loop3A_545 = vector.broadcast %parallel_loop3A_544 : i32 to vector<16xi32>
          %parallel_loop3A_546 = arith.andi %parallel_loop3A_531, %parallel_loop3A_545 : vector<16xi32>
          %parallel_loop3A_547 = vector.bitcast %parallel_loop3A_546 : vector<16xi32> to vector<16xf32>
          %parallel_loop3A_548 = arith.mulf %parallel_loop3A_547, %parallel_loop3A_425 : vector<16xf32>
          %parallel_loop3A_549 = arith.addf %parallel_loop3A_543, %parallel_loop3A_548 : vector<16xf32>
          %parallel_loop3A_550 = arith.constant -65536 : i32
          %parallel_loop3A_551 = vector.broadcast %parallel_loop3A_550 : i32 to vector<16xi32>
          %parallel_loop3A_552 = arith.andi %parallel_loop3A_532, %parallel_loop3A_551 : vector<16xi32>
          %parallel_loop3A_553 = vector.bitcast %parallel_loop3A_552 : vector<16xi32> to vector<16xf32>
          %parallel_loop3A_554 = arith.mulf %parallel_loop3A_553, %parallel_loop3A_429 : vector<16xf32>
          %parallel_loop3A_555 = arith.addf %parallel_loop3A_549, %parallel_loop3A_554 : vector<16xf32>
          %parallel_loop3A_556 = arith.constant 16 : i32
          %parallel_loop3A_557 = vector.broadcast %parallel_loop3A_556 : i32 to vector<16xi32>
          %parallel_loop3A_558 = arith.shli %parallel_loop3A_529, %parallel_loop3A_557 : vector<16xi32>
          %parallel_loop3A_559 = vector.bitcast %parallel_loop3A_558 : vector<16xi32> to vector<16xf32>
          %parallel_loop3A_560 = arith.mulf %parallel_loop3A_559, %parallel_loop3A_417 : vector<16xf32>
          %parallel_loop3A_561 = arith.constant 16 : i32
          %parallel_loop3A_562 = vector.broadcast %parallel_loop3A_561 : i32 to vector<16xi32>
          %parallel_loop3A_563 = arith.shli %parallel_loop3A_530, %parallel_loop3A_562 : vector<16xi32>
          %parallel_loop3A_564 = vector.bitcast %parallel_loop3A_563 : vector<16xi32> to vector<16xf32>
          %parallel_loop3A_565 = arith.mulf %parallel_loop3A_564, %parallel_loop3A_421 : vector<16xf32>
          %parallel_loop3A_566 = arith.addf %parallel_loop3A_560, %parallel_loop3A_565 : vector<16xf32>
          %parallel_loop3A_567 = arith.constant 16 : i32
          %parallel_loop3A_568 = vector.broadcast %parallel_loop3A_567 : i32 to vector<16xi32>
          %parallel_loop3A_569 = arith.shli %parallel_loop3A_531, %parallel_loop3A_568 : vector<16xi32>
          %parallel_loop3A_570 = vector.bitcast %parallel_loop3A_569 : vector<16xi32> to vector<16xf32>
          %parallel_loop3A_571 = arith.mulf %parallel_loop3A_570, %parallel_loop3A_425 : vector<16xf32>
          %parallel_loop3A_572 = arith.addf %parallel_loop3A_566, %parallel_loop3A_571 : vector<16xf32>
          %parallel_loop3A_573 = arith.constant 16 : i32
          %parallel_loop3A_574 = vector.broadcast %parallel_loop3A_573 : i32 to vector<16xi32>
          %parallel_loop3A_575 = arith.shli %parallel_loop3A_532, %parallel_loop3A_574 : vector<16xi32>
          %parallel_loop3A_576 = vector.bitcast %parallel_loop3A_575 : vector<16xi32> to vector<16xf32>
          %parallel_loop3A_577 = arith.mulf %parallel_loop3A_576, %parallel_loop3A_429 : vector<16xf32>
          %parallel_loop3A_578 = arith.addf %parallel_loop3A_572, %parallel_loop3A_577 : vector<16xf32>
          %parallel_loop3A_579 = arith.constant 0 : i32
          %parallel_loop3A_580 = arith.constant 2 : i32
          %parallel_loop3A_581 = arith.constant 1 : i32
          %parallel_loop3A_582 = arith.index_cast %parallel_loop3A_579 : i32 to index
          %parallel_loop3A_583 = arith.index_cast %parallel_loop3A_580 : i32 to index
          %parallel_loop3A_584 = arith.index_cast %parallel_loop3A_581 : i32 to index
          %parallel_loop3A_585 = arith.index_cast %parallel_loop3A_222 : i32 to index
          %parallel_loop3A_586 = tpu.vector_load %arg9[%parallel_loop3A_582, %parallel_loop3A_583, %parallel_loop3A_584, %parallel_loop3A_585] {strides = array<i32>} : memref<2x4x2x224xf32, #tpu.memory_space<vmem>>, vector<16xf32>,
          tpu.vector_store %arg9[%parallel_loop3A_582, %parallel_loop3A_583, %parallel_loop3A_584, %parallel_loop3A_585], %parallel_loop3A_555 {strides = array<i32>} : memref<2x4x2x224xf32, #tpu.memory_space<vmem>>, vector<16xf32>,
          %parallel_loop3A_587 = arith.constant 0 : i32
          %parallel_loop3A_588 = arith.constant 3 : i32
          %parallel_loop3A_589 = arith.constant 1 : i32
          %parallel_loop3A_590 = arith.index_cast %parallel_loop3A_587 : i32 to index
          %parallel_loop3A_591 = arith.index_cast %parallel_loop3A_588 : i32 to index
          %parallel_loop3A_592 = arith.index_cast %parallel_loop3A_589 : i32 to index
          %parallel_loop3A_593 = arith.index_cast %parallel_loop3A_222 : i32 to index
          %parallel_loop3A_594 = tpu.vector_load %arg9[%parallel_loop3A_590, %parallel_loop3A_591, %parallel_loop3A_592, %parallel_loop3A_593] {strides = array<i32>} : memref<2x4x2x224xf32, #tpu.memory_space<vmem>>, vector<16xf32>,
          tpu.vector_store %arg9[%parallel_loop3A_590, %parallel_loop3A_591, %parallel_loop3A_592, %parallel_loop3A_593], %parallel_loop3A_578 {strides = array<i32>} : memref<2x4x2x224xf32, #tpu.memory_space<vmem>>, vector<16xf32>,
        } {sc.loop_unroll_factor = 2 : i64, sc.parallel_access}
        %add3A_150 = arith.constant 2 : i32
        %add3A_151 = arith.addi %add3A_137, %add3A_150 : i32
        %lt3A = arith.constant 112 : i32
        %lt3A_152 = arith.cmpi slt, %add3A_151, %lt3A : i32
        %convert_element_type3A_153 = arith.extui %lt3A_152 : i1 to i32
        %cond3A_154 = arith.constant 0 : i32
        %cond3A_155 = arith.cmpi ne, %convert_element_type3A_153, %cond3A_154 : i32
        scf.if %cond3A_155 {
          %add3A_222 = arith.constant 2 : i32
          %add3A_223 = arith.addi %add3A_137, %add3A_222 : i32
          %mul3A_224 = arith.constant 16 : i32
          %mul3A_225 = arith.muli %add3A_223, %mul3A_224 : i32
          %dma_start3A_226 = arith.constant 0 : i32
          %dma_start3A_227 = tpu.memref_slice %arg3[%select_n3A, %mul3A_225, %dma_start3A_226] : memref<2x1792x256xf32, #tpu.memory_space<hbm>> -> memref<1x16x256xf32, #tpu.memory_space<hbm>>
          %dma_start3A_228 = tpu.memref_squeeze %dma_start3A_227 : memref<1x16x256xf32, #tpu.memory_space<hbm>> -> memref<16x256xf32, #tpu.memory_space<hbm>>
          %dma_start3A_229 = arith.constant 0 : i32
          %dma_start3A_230 = tpu.memref_slice %arg3[%select_n3A, %mul3A_225, %dma_start3A_229] : memref<2x1792x256xf32, #tpu.memory_space<hbm>> -> memref<1x16x256xf32, #tpu.memory_space<hbm>>
          %dma_start3A_231 = tpu.memref_squeeze %dma_start3A_230 : memref<1x16x256xf32, #tpu.memory_space<hbm>> -> memref<16x256xf32, #tpu.memory_space<hbm>>
          tpu.enqueue_dma source(%dma_start3A_231 : memref<16x256xf32, #tpu.memory_space<hbm>>) target(%arg7 : memref<16x256xf32, #tpu.memory_space<vmem>>) target_semaphore(%arg11 : memref<!tpu.dma_semaphore, #tpu.memory_space<semaphore_mem>>)
        } else {
        }
        %mul3A_156 = arith.constant 2 : i32
        %mul3A_157 = arith.muli %add3A_137, %mul3A_156 : i32
        %dma_start3A_158 = arith.constant 0 : i32
        %dma_start3A_159 = arith.constant 0 : i32
        %dma_start3A_160 = arith.constant 0 : i32
        %dma_start3A_161 = arith.constant 0 : i32
        %dma_start3A_162 = tpu.memref_slice %arg9[%dma_start3A_158, %dma_start3A_159, %dma_start3A_160, %dma_start3A_161] : memref<2x4x2x224xf32, #tpu.memory_space<vmem>> -> memref<1x4x2x224xf32, #tpu.memory_space<vmem>>
        %dma_start3A_163 = tpu.memref_squeeze %dma_start3A_162 : memref<1x4x2x224xf32, #tpu.memory_space<vmem>> -> memref<4x2x224xf32, #tpu.memory_space<vmem>>
        %dma_start3A_164 = arith.constant 0 : i32
        %dma_start3A_165 = tpu.memref_slice %arg4[%select_n3A, %mul3A_37, %mul3A_157, %dma_start3A_164] : memref<2x384x224x224xf32, #tpu.memory_space<hbm>> -> memref<1x4x2x224xf32, #tpu.memory_space<hbm>>
        %dma_start3A_166 = tpu.memref_squeeze %dma_start3A_165 : memref<1x4x2x224xf32, #tpu.memory_space<hbm>> -> memref<4x2x224xf32, #tpu.memory_space<hbm>>
        %dma_start3A_167 = arith.constant 0 : i32
        %dma_start3A_168 = tpu.memref_slice %arg4[%select_n3A, %mul3A_37, %mul3A_157, %dma_start3A_167] : memref<2x384x224x224xf32, #tpu.memory_space<hbm>> -> memref<1x4x2x224xf32, #tpu.memory_space<hbm>>
        %dma_start3A_169 = tpu.memref_squeeze %dma_start3A_168 : memref<1x4x2x224xf32, #tpu.memory_space<hbm>> -> memref<4x2x224xf32, #tpu.memory_space<hbm>>
        %dma_start3A_170 = arith.constant 0 : i32
        %dma_start3A_171 = arith.constant 0 : i32
        %dma_start3A_172 = arith.constant 0 : i32
        %dma_start3A_173 = tpu.memref_slice %arg9[%dma_start3A_158, %dma_start3A_170, %dma_start3A_171, %dma_start3A_172] : memref<2x4x2x224xf32, #tpu.memory_space<vmem>> -> memref<1x4x2x224xf32, #tpu.memory_space<vmem>>
        %dma_start3A_174 = tpu.memref_squeeze %dma_start3A_173 : memref<1x4x2x224xf32, #tpu.memory_space<vmem>> -> memref<4x2x224xf32, #tpu.memory_space<vmem>>
        tpu.enqueue_dma source(%dma_start3A_174 : memref<4x2x224xf32, #tpu.memory_space<vmem>>) target(%dma_start3A_169 : memref<4x2x224xf32, #tpu.memory_space<hbm>>) target_semaphore(%arg13 : memref<!tpu.dma_semaphore, #tpu.memory_space<semaphore_mem>>)
        %mul3A_175 = arith.constant 2 : i32
        %mul3A_176 = arith.muli %scan3A_132, %mul3A_175 : i32
        %add3A_177 = arith.constant 1 : i32
        %add3A_178 = arith.addi %mul3A_176, %add3A_177 : i32
        %mul3A_179 = arith.constant 16 : i32
        %mul3A_180 = arith.muli %add3A_178, %mul3A_179 : i32
        %dma_wait3A_181 = arith.constant 0 : i32
        %dma_wait3A_182 = tpu.memref_slice %arg3[%select_n3A, %mul3A_180, %dma_wait3A_181] : memref<2x1792x256xf32, #tpu.memory_space<hbm>> -> memref<1x16x256xf32, #tpu.memory_space<hbm>>
        %dma_wait3A_183 = tpu.memref_squeeze %dma_wait3A_182 : memref<1x16x256xf32, #tpu.memory_space<hbm>> -> memref<16x256xf32, #tpu.memory_space<hbm>>
        %dma_wait3A_184 = arith.constant 0 : i32
        %dma_wait3A_185 = tpu.memref_slice %arg3[%select_n3A, %mul3A_180, %dma_wait3A_184] : memref<2x1792x256xf32, #tpu.memory_space<hbm>> -> memref<1x16x256xf32, #tpu.memory_space<hbm>>
        %dma_wait3A_186 = tpu.memref_squeeze %dma_wait3A_185 : memref<1x16x256xf32, #tpu.memory_space<hbm>> -> memref<16x256xf32, #tpu.memory_space<hbm>>
        tpu.wait_dma2 semaphore(%arg12 : memref<!tpu.dma_semaphore, #tpu.memory_space<semaphore_mem>>) src(%dma_wait3A_186 : memref<16x256xf32, #tpu.memory_space<hbm>>) dst(%arg8 : memref<16x256xf32, #tpu.memory_space<vmem>>)
        %ge3A_187 = arith.constant 2 : i32
        %ge3A_188 = arith.cmpi sge, %add3A_178, %ge3A_187 : i32
        %convert_element_type3A_189 = arith.extui %ge3A_188 : i1 to i32
        %cond3A_190 = arith.constant 0 : i32
        %cond3A_191 = arith.cmpi ne, %convert_element_type3A_189, %cond3A_190 : i32
        scf.if %cond3A_191 {
          %mul3A_222 = arith.constant 2 : i32
          %mul3A_223 = arith.muli %add3A_178, %mul3A_222 : i32
          %dma_wait3A_224 = arith.constant 1 : i32
          %dma_wait3A_225 = arith.constant 0 : i32
          %dma_wait3A_226 = arith.constant 0 : i32
          %dma_wait3A_227 = arith.constant 0 : i32
          %dma_wait3A_228 = tpu.memref_slice %arg9[%dma_wait3A_224, %dma_wait3A_225, %dma_wait3A_226, %dma_wait3A_227] : memref<2x4x2x224xf32, #tpu.memory_space<vmem>> -> memref<1x4x2x224xf32, #tpu.memory_space<vmem>>
          %dma_wait3A_229 = tpu.memref_squeeze %dma_wait3A_228 : memref<1x4x2x224xf32, #tpu.memory_space<vmem>> -> memref<4x2x224xf32, #tpu.memory_space<vmem>>
          %dma_wait3A_230 = arith.constant 0 : i32
          %dma_wait3A_231 = tpu.memref_slice %arg4[%select_n3A, %mul3A_37, %mul3A_223, %dma_wait3A_230] : memref<2x384x224x224xf32, #tpu.memory_space<hbm>> -> memref<1x4x2x224xf32, #tpu.memory_space<hbm>>
          %dma_wait3A_232 = tpu.memref_squeeze %dma_wait3A_231 : memref<1x4x2x224xf32, #tpu.memory_space<hbm>> -> memref<4x2x224xf32, #tpu.memory_space<hbm>>
          %dma_wait3A_233 = arith.constant 0 : i32
          %dma_wait3A_234 = tpu.memref_slice %arg4[%select_n3A, %mul3A_37, %mul3A_223, %dma_wait3A_233] : memref<2x384x224x224xf32, #tpu.memory_space<hbm>> -> memref<1x4x2x224xf32, #tpu.memory_space<hbm>>
          %dma_wait3A_235 = tpu.memref_squeeze %dma_wait3A_234 : memref<1x4x2x224xf32, #tpu.memory_space<hbm>> -> memref<4x2x224xf32, #tpu.memory_space<hbm>>
          %dma_wait3A_236 = arith.constant 0 : i32
          %dma_wait3A_237 = arith.constant 0 : i32
          %dma_wait3A_238 = arith.constant 0 : i32
          %dma_wait3A_239 = tpu.memref_slice %arg9[%dma_wait3A_224, %dma_wait3A_236, %dma_wait3A_237, %dma_wait3A_238] : memref<2x4x2x224xf32, #tpu.memory_space<vmem>> -> memref<1x4x2x224xf32, #tpu.memory_space<vmem>>
          %dma_wait3A_240 = tpu.memref_squeeze %dma_wait3A_239 : memref<1x4x2x224xf32, #tpu.memory_space<vmem>> -> memref<4x2x224xf32, #tpu.memory_space<vmem>>
          tpu.wait_dma2 semaphore(%arg14 : memref<!tpu.dma_semaphore, #tpu.memory_space<semaphore_mem>>) src(%dma_wait3A_240 : memref<4x2x224xf32, #tpu.memory_space<vmem>>) dst(%dma_wait3A_235 : memref<4x2x224xf32, #tpu.memory_space<hbm>>)
        } else {
        }
        %parallel_loop3A_192 = arith.constant 0 : i32
        %parallel_loop3A_193 = arith.constant 224 : i32
        %parallel_loop3A_194 = arith.constant 16 : i32
        scf.for %parallel_loop3A_222 = %parallel_loop3A_192 to %parallel_loop3A_193 step %parallel_loop3A_194  : i32 {
          %parallel_loop3A_223 = arith.constant 0 : i32
          %parallel_loop3A_224 = arith.index_cast %parallel_loop3A_223 : i32 to index
          %parallel_loop3A_225 = arith.index_cast %parallel_loop3A_222 : i32 to index
          %parallel_loop3A_226 = tpu.vector_load %arg8[%parallel_loop3A_224, %parallel_loop3A_225] {strides = array<i32>} : memref<16x256xf32, #tpu.memory_space<vmem>>, vector<16xf32>,
          %parallel_loop3A_227 = vector.bitcast %parallel_loop3A_226 : vector<16xf32> to vector<16xi32>
          %parallel_loop3A_228 = arith.constant 2 : i32
          %parallel_loop3A_229 = arith.index_cast %parallel_loop3A_228 : i32 to index
          %parallel_loop3A_230 = arith.index_cast %parallel_loop3A_222 : i32 to index
          %parallel_loop3A_231 = tpu.vector_load %arg8[%parallel_loop3A_229, %parallel_loop3A_230] {strides = array<i32>} : memref<16x256xf32, #tpu.memory_space<vmem>>, vector<16xf32>,
          %parallel_loop3A_232 = arith.constant 4 : i32
          %parallel_loop3A_233 = arith.index_cast %parallel_loop3A_232 : i32 to index
          %parallel_loop3A_234 = arith.index_cast %parallel_loop3A_222 : i32 to index
          %parallel_loop3A_235 = tpu.vector_load %arg8[%parallel_loop3A_233, %parallel_loop3A_234] {strides = array<i32>} : memref<16x256xf32, #tpu.memory_space<vmem>>, vector<16xf32>,
          %parallel_loop3A_236 = arith.constant 6 : i32
          %parallel_loop3A_237 = arith.index_cast %parallel_loop3A_236 : i32 to index
          %parallel_loop3A_238 = arith.index_cast %parallel_loop3A_222 : i32 to index
          %parallel_loop3A_239 = tpu.vector_load %arg8[%parallel_loop3A_237, %parallel_loop3A_238] {strides = array<i32>} : memref<16x256xf32, #tpu.memory_space<vmem>>, vector<16xf32>,
          %parallel_loop3A_240 = arith.constant 8 : i32
          %parallel_loop3A_241 = arith.index_cast %parallel_loop3A_240 : i32 to index
          %parallel_loop3A_242 = arith.index_cast %parallel_loop3A_222 : i32 to index
          %parallel_loop3A_243 = tpu.vector_load %arg8[%parallel_loop3A_241, %parallel_loop3A_242] {strides = array<i32>} : memref<16x256xf32, #tpu.memory_space<vmem>>, vector<16xf32>,
          %parallel_loop3A_244 = arith.constant 1 : i32
          %parallel_loop3A_245 = vector.broadcast %parallel_loop3A_244 : i32 to vector<16xi32>
          %parallel_loop3A_246 = arith.addi %parallel_loop3A_227, %parallel_loop3A_245 : vector<16xi32>
          %parallel_loop3A_247 = arith.constant 256 : i32
          %parallel_loop3A_248 = vector.broadcast %parallel_loop3A_247 : i32 to vector<16xi32>
          %parallel_loop3A_249 = arith.addi %parallel_loop3A_227, %parallel_loop3A_248 : vector<16xi32>
          %parallel_loop3A_250 = arith.constant 257 : i32
          %parallel_loop3A_251 = vector.broadcast %parallel_loop3A_250 : i32 to vector<16xi32>
          %parallel_loop3A_252 = arith.addi %parallel_loop3A_227, %parallel_loop3A_251 : vector<16xi32>
          %parallel_loop3A_253 = arith.constant 7 : i32
          %parallel_loop3A_254 = vector.broadcast %parallel_loop3A_253 : i32 to vector<16xi32>
          %parallel_loop3A_255 = arith.shrsi %parallel_loop3A_227, %parallel_loop3A_254 : vector<16xi32>
          %parallel_loop3A_256 = arith.constant 127 : i32
          %parallel_loop3A_257 = vector.broadcast %parallel_loop3A_256 : i32 to vector<16xi32>
          %parallel_loop3A_258 = arith.andi %parallel_loop3A_227, %parallel_loop3A_257 : vector<16xi32>
          %parallel_loop3A_259 = arith.constant 7 : i32
          %parallel_loop3A_260 = vector.broadcast %parallel_loop3A_259 : i32 to vector<16xi32>
          %parallel_loop3A_261 = arith.shrsi %parallel_loop3A_246, %parallel_loop3A_260 : vector<16xi32>
          %parallel_loop3A_262 = arith.constant 127 : i32
          %parallel_loop3A_263 = vector.broadcast %parallel_loop3A_262 : i32 to vector<16xi32>
          %parallel_loop3A_264 = arith.andi %parallel_loop3A_246, %parallel_loop3A_263 : vector<16xi32>
          %parallel_loop3A_265 = arith.constant 7 : i32
          %parallel_loop3A_266 = vector.broadcast %parallel_loop3A_265 : i32 to vector<16xi32>
          %parallel_loop3A_267 = arith.shrsi %parallel_loop3A_249, %parallel_loop3A_266 : vector<16xi32>
          %parallel_loop3A_268 = arith.constant 127 : i32
          %parallel_loop3A_269 = vector.broadcast %parallel_loop3A_268 : i32 to vector<16xi32>
          %parallel_loop3A_270 = arith.andi %parallel_loop3A_249, %parallel_loop3A_269 : vector<16xi32>
          %parallel_loop3A_271 = arith.constant 7 : i32
          %parallel_loop3A_272 = vector.broadcast %parallel_loop3A_271 : i32 to vector<16xi32>
          %parallel_loop3A_273 = arith.shrsi %parallel_loop3A_252, %parallel_loop3A_272 : vector<16xi32>
          %parallel_loop3A_274 = arith.constant 127 : i32
          %parallel_loop3A_275 = vector.broadcast %parallel_loop3A_274 : i32 to vector<16xi32>
          %parallel_loop3A_276 = arith.andi %parallel_loop3A_252, %parallel_loop3A_275 : vector<16xi32>
          %parallel_loop3A_277 = tpu.vector_load_idx %arg5[%parallel_loop3A_255, %parallel_loop3A_258] : memref<448x128xi32, #tpu.memory_space<vmem>>[vector<16xi32>, vector<16xi32>], vector<16xi32>,
          %parallel_loop3A_278 = tpu.vector_load_idx %arg5[%parallel_loop3A_261, %parallel_loop3A_264] : memref<448x128xi32, #tpu.memory_space<vmem>>[vector<16xi32>, vector<16xi32>], vector<16xi32>,
          %parallel_loop3A_279 = tpu.vector_load_idx %arg5[%parallel_loop3A_267, %parallel_loop3A_270] : memref<448x128xi32, #tpu.memory_space<vmem>>[vector<16xi32>, vector<16xi32>], vector<16xi32>,
          %parallel_loop3A_280 = tpu.vector_load_idx %arg5[%parallel_loop3A_273, %parallel_loop3A_276] : memref<448x128xi32, #tpu.memory_space<vmem>>[vector<16xi32>, vector<16xi32>], vector<16xi32>,
          %parallel_loop3A_281 = arith.constant -65536 : i32
          %parallel_loop3A_282 = vector.broadcast %parallel_loop3A_281 : i32 to vector<16xi32>
          %parallel_loop3A_283 = arith.andi %parallel_loop3A_277, %parallel_loop3A_282 : vector<16xi32>
          %parallel_loop3A_284 = vector.bitcast %parallel_loop3A_283 : vector<16xi32> to vector<16xf32>
          %parallel_loop3A_285 = arith.mulf %parallel_loop3A_284, %parallel_loop3A_231 : vector<16xf32>
          %parallel_loop3A_286 = arith.constant -65536 : i32
          %parallel_loop3A_287 = vector.broadcast %parallel_loop3A_286 : i32 to vector<16xi32>
          %parallel_loop3A_288 = arith.andi %parallel_loop3A_278, %parallel_loop3A_287 : vector<16xi32>
          %parallel_loop3A_289 = vector.bitcast %parallel_loop3A_288 : vector<16xi32> to vector<16xf32>
          %parallel_loop3A_290 = arith.mulf %parallel_loop3A_289, %parallel_loop3A_235 : vector<16xf32>
          %parallel_loop3A_291 = arith.addf %parallel_loop3A_285, %parallel_loop3A_290 : vector<16xf32>
          %parallel_loop3A_292 = arith.constant -65536 : i32
          %parallel_loop3A_293 = vector.broadcast %parallel_loop3A_292 : i32 to vector<16xi32>
          %parallel_loop3A_294 = arith.andi %parallel_loop3A_279, %parallel_loop3A_293 : vector<16xi32>
          %parallel_loop3A_295 = vector.bitcast %parallel_loop3A_294 : vector<16xi32> to vector<16xf32>
          %parallel_loop3A_296 = arith.mulf %parallel_loop3A_295, %parallel_loop3A_239 : vector<16xf32>
          %parallel_loop3A_297 = arith.addf %parallel_loop3A_291, %parallel_loop3A_296 : vector<16xf32>
          %parallel_loop3A_298 = arith.constant -65536 : i32
          %parallel_loop3A_299 = vector.broadcast %parallel_loop3A_298 : i32 to vector<16xi32>
          %parallel_loop3A_300 = arith.andi %parallel_loop3A_280, %parallel_loop3A_299 : vector<16xi32>
          %parallel_loop3A_301 = vector.bitcast %parallel_loop3A_300 : vector<16xi32> to vector<16xf32>
          %parallel_loop3A_302 = arith.mulf %parallel_loop3A_301, %parallel_loop3A_243 : vector<16xf32>
          %parallel_loop3A_303 = arith.addf %parallel_loop3A_297, %parallel_loop3A_302 : vector<16xf32>
          %parallel_loop3A_304 = arith.constant 16 : i32
          %parallel_loop3A_305 = vector.broadcast %parallel_loop3A_304 : i32 to vector<16xi32>
          %parallel_loop3A_306 = arith.shli %parallel_loop3A_277, %parallel_loop3A_305 : vector<16xi32>
          %parallel_loop3A_307 = vector.bitcast %parallel_loop3A_306 : vector<16xi32> to vector<16xf32>
          %parallel_loop3A_308 = arith.mulf %parallel_loop3A_307, %parallel_loop3A_231 : vector<16xf32>
          %parallel_loop3A_309 = arith.constant 16 : i32
          %parallel_loop3A_310 = vector.broadcast %parallel_loop3A_309 : i32 to vector<16xi32>
          %parallel_loop3A_311 = arith.shli %parallel_loop3A_278, %parallel_loop3A_310 : vector<16xi32>
          %parallel_loop3A_312 = vector.bitcast %parallel_loop3A_311 : vector<16xi32> to vector<16xf32>
          %parallel_loop3A_313 = arith.mulf %parallel_loop3A_312, %parallel_loop3A_235 : vector<16xf32>
          %parallel_loop3A_314 = arith.addf %parallel_loop3A_308, %parallel_loop3A_313 : vector<16xf32>
          %parallel_loop3A_315 = arith.constant 16 : i32
          %parallel_loop3A_316 = vector.broadcast %parallel_loop3A_315 : i32 to vector<16xi32>
          %parallel_loop3A_317 = arith.shli %parallel_loop3A_279, %parallel_loop3A_316 : vector<16xi32>
          %parallel_loop3A_318 = vector.bitcast %parallel_loop3A_317 : vector<16xi32> to vector<16xf32>
          %parallel_loop3A_319 = arith.mulf %parallel_loop3A_318, %parallel_loop3A_239 : vector<16xf32>
          %parallel_loop3A_320 = arith.addf %parallel_loop3A_314, %parallel_loop3A_319 : vector<16xf32>
          %parallel_loop3A_321 = arith.constant 16 : i32
          %parallel_loop3A_322 = vector.broadcast %parallel_loop3A_321 : i32 to vector<16xi32>
          %parallel_loop3A_323 = arith.shli %parallel_loop3A_280, %parallel_loop3A_322 : vector<16xi32>
          %parallel_loop3A_324 = vector.bitcast %parallel_loop3A_323 : vector<16xi32> to vector<16xf32>
          %parallel_loop3A_325 = arith.mulf %parallel_loop3A_324, %parallel_loop3A_243 : vector<16xf32>
          %parallel_loop3A_326 = arith.addf %parallel_loop3A_320, %parallel_loop3A_325 : vector<16xf32>
          %parallel_loop3A_327 = arith.constant 1 : i32
          %parallel_loop3A_328 = arith.constant 0 : i32
          %parallel_loop3A_329 = arith.constant 0 : i32
          %parallel_loop3A_330 = arith.index_cast %parallel_loop3A_327 : i32 to index
          %parallel_loop3A_331 = arith.index_cast %parallel_loop3A_328 : i32 to index
          %parallel_loop3A_332 = arith.index_cast %parallel_loop3A_329 : i32 to index
          %parallel_loop3A_333 = arith.index_cast %parallel_loop3A_222 : i32 to index
          %parallel_loop3A_334 = tpu.vector_load %arg9[%parallel_loop3A_330, %parallel_loop3A_331, %parallel_loop3A_332, %parallel_loop3A_333] {strides = array<i32>} : memref<2x4x2x224xf32, #tpu.memory_space<vmem>>, vector<16xf32>,
          tpu.vector_store %arg9[%parallel_loop3A_330, %parallel_loop3A_331, %parallel_loop3A_332, %parallel_loop3A_333], %parallel_loop3A_303 {strides = array<i32>} : memref<2x4x2x224xf32, #tpu.memory_space<vmem>>, vector<16xf32>,
          %parallel_loop3A_335 = arith.constant 1 : i32
          %parallel_loop3A_336 = arith.constant 1 : i32
          %parallel_loop3A_337 = arith.constant 0 : i32
          %parallel_loop3A_338 = arith.index_cast %parallel_loop3A_335 : i32 to index
          %parallel_loop3A_339 = arith.index_cast %parallel_loop3A_336 : i32 to index
          %parallel_loop3A_340 = arith.index_cast %parallel_loop3A_337 : i32 to index
          %parallel_loop3A_341 = arith.index_cast %parallel_loop3A_222 : i32 to index
          %parallel_loop3A_342 = tpu.vector_load %arg9[%parallel_loop3A_338, %parallel_loop3A_339, %parallel_loop3A_340, %parallel_loop3A_341] {strides = array<i32>} : memref<2x4x2x224xf32, #tpu.memory_space<vmem>>, vector<16xf32>,
          tpu.vector_store %arg9[%parallel_loop3A_338, %parallel_loop3A_339, %parallel_loop3A_340, %parallel_loop3A_341], %parallel_loop3A_326 {strides = array<i32>} : memref<2x4x2x224xf32, #tpu.memory_space<vmem>>, vector<16xf32>,
          %parallel_loop3A_343 = tpu.vector_load_idx %arg6[%parallel_loop3A_255, %parallel_loop3A_258] : memref<448x128xi32, #tpu.memory_space<vmem>>[vector<16xi32>, vector<16xi32>], vector<16xi32>,
          %parallel_loop3A_344 = tpu.vector_load_idx %arg6[%parallel_loop3A_261, %parallel_loop3A_264] : memref<448x128xi32, #tpu.memory_space<vmem>>[vector<16xi32>, vector<16xi32>], vector<16xi32>,
          %parallel_loop3A_345 = tpu.vector_load_idx %arg6[%parallel_loop3A_267, %parallel_loop3A_270] : memref<448x128xi32, #tpu.memory_space<vmem>>[vector<16xi32>, vector<16xi32>], vector<16xi32>,
          %parallel_loop3A_346 = tpu.vector_load_idx %arg6[%parallel_loop3A_273, %parallel_loop3A_276] : memref<448x128xi32, #tpu.memory_space<vmem>>[vector<16xi32>, vector<16xi32>], vector<16xi32>,
          %parallel_loop3A_347 = arith.constant -65536 : i32
          %parallel_loop3A_348 = vector.broadcast %parallel_loop3A_347 : i32 to vector<16xi32>
          %parallel_loop3A_349 = arith.andi %parallel_loop3A_343, %parallel_loop3A_348 : vector<16xi32>
          %parallel_loop3A_350 = vector.bitcast %parallel_loop3A_349 : vector<16xi32> to vector<16xf32>
          %parallel_loop3A_351 = arith.mulf %parallel_loop3A_350, %parallel_loop3A_231 : vector<16xf32>
          %parallel_loop3A_352 = arith.constant -65536 : i32
          %parallel_loop3A_353 = vector.broadcast %parallel_loop3A_352 : i32 to vector<16xi32>
          %parallel_loop3A_354 = arith.andi %parallel_loop3A_344, %parallel_loop3A_353 : vector<16xi32>
          %parallel_loop3A_355 = vector.bitcast %parallel_loop3A_354 : vector<16xi32> to vector<16xf32>
          %parallel_loop3A_356 = arith.mulf %parallel_loop3A_355, %parallel_loop3A_235 : vector<16xf32>
          %parallel_loop3A_357 = arith.addf %parallel_loop3A_351, %parallel_loop3A_356 : vector<16xf32>
          %parallel_loop3A_358 = arith.constant -65536 : i32
          %parallel_loop3A_359 = vector.broadcast %parallel_loop3A_358 : i32 to vector<16xi32>
          %parallel_loop3A_360 = arith.andi %parallel_loop3A_345, %parallel_loop3A_359 : vector<16xi32>
          %parallel_loop3A_361 = vector.bitcast %parallel_loop3A_360 : vector<16xi32> to vector<16xf32>
          %parallel_loop3A_362 = arith.mulf %parallel_loop3A_361, %parallel_loop3A_239 : vector<16xf32>
          %parallel_loop3A_363 = arith.addf %parallel_loop3A_357, %parallel_loop3A_362 : vector<16xf32>
          %parallel_loop3A_364 = arith.constant -65536 : i32
          %parallel_loop3A_365 = vector.broadcast %parallel_loop3A_364 : i32 to vector<16xi32>
          %parallel_loop3A_366 = arith.andi %parallel_loop3A_346, %parallel_loop3A_365 : vector<16xi32>
          %parallel_loop3A_367 = vector.bitcast %parallel_loop3A_366 : vector<16xi32> to vector<16xf32>
          %parallel_loop3A_368 = arith.mulf %parallel_loop3A_367, %parallel_loop3A_243 : vector<16xf32>
          %parallel_loop3A_369 = arith.addf %parallel_loop3A_363, %parallel_loop3A_368 : vector<16xf32>
          %parallel_loop3A_370 = arith.constant 16 : i32
          %parallel_loop3A_371 = vector.broadcast %parallel_loop3A_370 : i32 to vector<16xi32>
          %parallel_loop3A_372 = arith.shli %parallel_loop3A_343, %parallel_loop3A_371 : vector<16xi32>
          %parallel_loop3A_373 = vector.bitcast %parallel_loop3A_372 : vector<16xi32> to vector<16xf32>
          %parallel_loop3A_374 = arith.mulf %parallel_loop3A_373, %parallel_loop3A_231 : vector<16xf32>
          %parallel_loop3A_375 = arith.constant 16 : i32
          %parallel_loop3A_376 = vector.broadcast %parallel_loop3A_375 : i32 to vector<16xi32>
          %parallel_loop3A_377 = arith.shli %parallel_loop3A_344, %parallel_loop3A_376 : vector<16xi32>
          %parallel_loop3A_378 = vector.bitcast %parallel_loop3A_377 : vector<16xi32> to vector<16xf32>
          %parallel_loop3A_379 = arith.mulf %parallel_loop3A_378, %parallel_loop3A_235 : vector<16xf32>
          %parallel_loop3A_380 = arith.addf %parallel_loop3A_374, %parallel_loop3A_379 : vector<16xf32>
          %parallel_loop3A_381 = arith.constant 16 : i32
          %parallel_loop3A_382 = vector.broadcast %parallel_loop3A_381 : i32 to vector<16xi32>
          %parallel_loop3A_383 = arith.shli %parallel_loop3A_345, %parallel_loop3A_382 : vector<16xi32>
          %parallel_loop3A_384 = vector.bitcast %parallel_loop3A_383 : vector<16xi32> to vector<16xf32>
          %parallel_loop3A_385 = arith.mulf %parallel_loop3A_384, %parallel_loop3A_239 : vector<16xf32>
          %parallel_loop3A_386 = arith.addf %parallel_loop3A_380, %parallel_loop3A_385 : vector<16xf32>
          %parallel_loop3A_387 = arith.constant 16 : i32
          %parallel_loop3A_388 = vector.broadcast %parallel_loop3A_387 : i32 to vector<16xi32>
          %parallel_loop3A_389 = arith.shli %parallel_loop3A_346, %parallel_loop3A_388 : vector<16xi32>
          %parallel_loop3A_390 = vector.bitcast %parallel_loop3A_389 : vector<16xi32> to vector<16xf32>
          %parallel_loop3A_391 = arith.mulf %parallel_loop3A_390, %parallel_loop3A_243 : vector<16xf32>
          %parallel_loop3A_392 = arith.addf %parallel_loop3A_386, %parallel_loop3A_391 : vector<16xf32>
          %parallel_loop3A_393 = arith.constant 1 : i32
          %parallel_loop3A_394 = arith.constant 2 : i32
          %parallel_loop3A_395 = arith.constant 0 : i32
          %parallel_loop3A_396 = arith.index_cast %parallel_loop3A_393 : i32 to index
          %parallel_loop3A_397 = arith.index_cast %parallel_loop3A_394 : i32 to index
          %parallel_loop3A_398 = arith.index_cast %parallel_loop3A_395 : i32 to index
          %parallel_loop3A_399 = arith.index_cast %parallel_loop3A_222 : i32 to index
          %parallel_loop3A_400 = tpu.vector_load %arg9[%parallel_loop3A_396, %parallel_loop3A_397, %parallel_loop3A_398, %parallel_loop3A_399] {strides = array<i32>} : memref<2x4x2x224xf32, #tpu.memory_space<vmem>>, vector<16xf32>,
          tpu.vector_store %arg9[%parallel_loop3A_396, %parallel_loop3A_397, %parallel_loop3A_398, %parallel_loop3A_399], %parallel_loop3A_369 {strides = array<i32>} : memref<2x4x2x224xf32, #tpu.memory_space<vmem>>, vector<16xf32>,
          %parallel_loop3A_401 = arith.constant 1 : i32
          %parallel_loop3A_402 = arith.constant 3 : i32
          %parallel_loop3A_403 = arith.constant 0 : i32
          %parallel_loop3A_404 = arith.index_cast %parallel_loop3A_401 : i32 to index
          %parallel_loop3A_405 = arith.index_cast %parallel_loop3A_402 : i32 to index
          %parallel_loop3A_406 = arith.index_cast %parallel_loop3A_403 : i32 to index
          %parallel_loop3A_407 = arith.index_cast %parallel_loop3A_222 : i32 to index
          %parallel_loop3A_408 = tpu.vector_load %arg9[%parallel_loop3A_404, %parallel_loop3A_405, %parallel_loop3A_406, %parallel_loop3A_407] {strides = array<i32>} : memref<2x4x2x224xf32, #tpu.memory_space<vmem>>, vector<16xf32>,
          tpu.vector_store %arg9[%parallel_loop3A_404, %parallel_loop3A_405, %parallel_loop3A_406, %parallel_loop3A_407], %parallel_loop3A_392 {strides = array<i32>} : memref<2x4x2x224xf32, #tpu.memory_space<vmem>>, vector<16xf32>,
          %parallel_loop3A_409 = arith.constant 1 : i32
          %parallel_loop3A_410 = arith.index_cast %parallel_loop3A_409 : i32 to index
          %parallel_loop3A_411 = arith.index_cast %parallel_loop3A_222 : i32 to index
          %parallel_loop3A_412 = tpu.vector_load %arg8[%parallel_loop3A_410, %parallel_loop3A_411] {strides = array<i32>} : memref<16x256xf32, #tpu.memory_space<vmem>>, vector<16xf32>,
          %parallel_loop3A_413 = vector.bitcast %parallel_loop3A_412 : vector<16xf32> to vector<16xi32>
          %parallel_loop3A_414 = arith.constant 3 : i32
          %parallel_loop3A_415 = arith.index_cast %parallel_loop3A_414 : i32 to index
          %parallel_loop3A_416 = arith.index_cast %parallel_loop3A_222 : i32 to index
          %parallel_loop3A_417 = tpu.vector_load %arg8[%parallel_loop3A_415, %parallel_loop3A_416] {strides = array<i32>} : memref<16x256xf32, #tpu.memory_space<vmem>>, vector<16xf32>,
          %parallel_loop3A_418 = arith.constant 5 : i32
          %parallel_loop3A_419 = arith.index_cast %parallel_loop3A_418 : i32 to index
          %parallel_loop3A_420 = arith.index_cast %parallel_loop3A_222 : i32 to index
          %parallel_loop3A_421 = tpu.vector_load %arg8[%parallel_loop3A_419, %parallel_loop3A_420] {strides = array<i32>} : memref<16x256xf32, #tpu.memory_space<vmem>>, vector<16xf32>,
          %parallel_loop3A_422 = arith.constant 7 : i32
          %parallel_loop3A_423 = arith.index_cast %parallel_loop3A_422 : i32 to index
          %parallel_loop3A_424 = arith.index_cast %parallel_loop3A_222 : i32 to index
          %parallel_loop3A_425 = tpu.vector_load %arg8[%parallel_loop3A_423, %parallel_loop3A_424] {strides = array<i32>} : memref<16x256xf32, #tpu.memory_space<vmem>>, vector<16xf32>,
          %parallel_loop3A_426 = arith.constant 9 : i32
          %parallel_loop3A_427 = arith.index_cast %parallel_loop3A_426 : i32 to index
          %parallel_loop3A_428 = arith.index_cast %parallel_loop3A_222 : i32 to index
          %parallel_loop3A_429 = tpu.vector_load %arg8[%parallel_loop3A_427, %parallel_loop3A_428] {strides = array<i32>} : memref<16x256xf32, #tpu.memory_space<vmem>>, vector<16xf32>,
          %parallel_loop3A_430 = arith.constant 1 : i32
          %parallel_loop3A_431 = vector.broadcast %parallel_loop3A_430 : i32 to vector<16xi32>
          %parallel_loop3A_432 = arith.addi %parallel_loop3A_413, %parallel_loop3A_431 : vector<16xi32>
          %parallel_loop3A_433 = arith.constant 256 : i32
          %parallel_loop3A_434 = vector.broadcast %parallel_loop3A_433 : i32 to vector<16xi32>
          %parallel_loop3A_435 = arith.addi %parallel_loop3A_413, %parallel_loop3A_434 : vector<16xi32>
          %parallel_loop3A_436 = arith.constant 257 : i32
          %parallel_loop3A_437 = vector.broadcast %parallel_loop3A_436 : i32 to vector<16xi32>
          %parallel_loop3A_438 = arith.addi %parallel_loop3A_413, %parallel_loop3A_437 : vector<16xi32>
          %parallel_loop3A_439 = arith.constant 7 : i32
          %parallel_loop3A_440 = vector.broadcast %parallel_loop3A_439 : i32 to vector<16xi32>
          %parallel_loop3A_441 = arith.shrsi %parallel_loop3A_413, %parallel_loop3A_440 : vector<16xi32>
          %parallel_loop3A_442 = arith.constant 127 : i32
          %parallel_loop3A_443 = vector.broadcast %parallel_loop3A_442 : i32 to vector<16xi32>
          %parallel_loop3A_444 = arith.andi %parallel_loop3A_413, %parallel_loop3A_443 : vector<16xi32>
          %parallel_loop3A_445 = arith.constant 7 : i32
          %parallel_loop3A_446 = vector.broadcast %parallel_loop3A_445 : i32 to vector<16xi32>
          %parallel_loop3A_447 = arith.shrsi %parallel_loop3A_432, %parallel_loop3A_446 : vector<16xi32>
          %parallel_loop3A_448 = arith.constant 127 : i32
          %parallel_loop3A_449 = vector.broadcast %parallel_loop3A_448 : i32 to vector<16xi32>
          %parallel_loop3A_450 = arith.andi %parallel_loop3A_432, %parallel_loop3A_449 : vector<16xi32>
          %parallel_loop3A_451 = arith.constant 7 : i32
          %parallel_loop3A_452 = vector.broadcast %parallel_loop3A_451 : i32 to vector<16xi32>
          %parallel_loop3A_453 = arith.shrsi %parallel_loop3A_435, %parallel_loop3A_452 : vector<16xi32>
          %parallel_loop3A_454 = arith.constant 127 : i32
          %parallel_loop3A_455 = vector.broadcast %parallel_loop3A_454 : i32 to vector<16xi32>
          %parallel_loop3A_456 = arith.andi %parallel_loop3A_435, %parallel_loop3A_455 : vector<16xi32>
          %parallel_loop3A_457 = arith.constant 7 : i32
          %parallel_loop3A_458 = vector.broadcast %parallel_loop3A_457 : i32 to vector<16xi32>
          %parallel_loop3A_459 = arith.shrsi %parallel_loop3A_438, %parallel_loop3A_458 : vector<16xi32>
          %parallel_loop3A_460 = arith.constant 127 : i32
          %parallel_loop3A_461 = vector.broadcast %parallel_loop3A_460 : i32 to vector<16xi32>
          %parallel_loop3A_462 = arith.andi %parallel_loop3A_438, %parallel_loop3A_461 : vector<16xi32>
          %parallel_loop3A_463 = tpu.vector_load_idx %arg5[%parallel_loop3A_441, %parallel_loop3A_444] : memref<448x128xi32, #tpu.memory_space<vmem>>[vector<16xi32>, vector<16xi32>], vector<16xi32>,
          %parallel_loop3A_464 = tpu.vector_load_idx %arg5[%parallel_loop3A_447, %parallel_loop3A_450] : memref<448x128xi32, #tpu.memory_space<vmem>>[vector<16xi32>, vector<16xi32>], vector<16xi32>,
          %parallel_loop3A_465 = tpu.vector_load_idx %arg5[%parallel_loop3A_453, %parallel_loop3A_456] : memref<448x128xi32, #tpu.memory_space<vmem>>[vector<16xi32>, vector<16xi32>], vector<16xi32>,
          %parallel_loop3A_466 = tpu.vector_load_idx %arg5[%parallel_loop3A_459, %parallel_loop3A_462] : memref<448x128xi32, #tpu.memory_space<vmem>>[vector<16xi32>, vector<16xi32>], vector<16xi32>,
          %parallel_loop3A_467 = arith.constant -65536 : i32
          %parallel_loop3A_468 = vector.broadcast %parallel_loop3A_467 : i32 to vector<16xi32>
          %parallel_loop3A_469 = arith.andi %parallel_loop3A_463, %parallel_loop3A_468 : vector<16xi32>
          %parallel_loop3A_470 = vector.bitcast %parallel_loop3A_469 : vector<16xi32> to vector<16xf32>
          %parallel_loop3A_471 = arith.mulf %parallel_loop3A_470, %parallel_loop3A_417 : vector<16xf32>
          %parallel_loop3A_472 = arith.constant -65536 : i32
          %parallel_loop3A_473 = vector.broadcast %parallel_loop3A_472 : i32 to vector<16xi32>
          %parallel_loop3A_474 = arith.andi %parallel_loop3A_464, %parallel_loop3A_473 : vector<16xi32>
          %parallel_loop3A_475 = vector.bitcast %parallel_loop3A_474 : vector<16xi32> to vector<16xf32>
          %parallel_loop3A_476 = arith.mulf %parallel_loop3A_475, %parallel_loop3A_421 : vector<16xf32>
          %parallel_loop3A_477 = arith.addf %parallel_loop3A_471, %parallel_loop3A_476 : vector<16xf32>
          %parallel_loop3A_478 = arith.constant -65536 : i32
          %parallel_loop3A_479 = vector.broadcast %parallel_loop3A_478 : i32 to vector<16xi32>
          %parallel_loop3A_480 = arith.andi %parallel_loop3A_465, %parallel_loop3A_479 : vector<16xi32>
          %parallel_loop3A_481 = vector.bitcast %parallel_loop3A_480 : vector<16xi32> to vector<16xf32>
          %parallel_loop3A_482 = arith.mulf %parallel_loop3A_481, %parallel_loop3A_425 : vector<16xf32>
          %parallel_loop3A_483 = arith.addf %parallel_loop3A_477, %parallel_loop3A_482 : vector<16xf32>
          %parallel_loop3A_484 = arith.constant -65536 : i32
          %parallel_loop3A_485 = vector.broadcast %parallel_loop3A_484 : i32 to vector<16xi32>
          %parallel_loop3A_486 = arith.andi %parallel_loop3A_466, %parallel_loop3A_485 : vector<16xi32>
          %parallel_loop3A_487 = vector.bitcast %parallel_loop3A_486 : vector<16xi32> to vector<16xf32>
          %parallel_loop3A_488 = arith.mulf %parallel_loop3A_487, %parallel_loop3A_429 : vector<16xf32>
          %parallel_loop3A_489 = arith.addf %parallel_loop3A_483, %parallel_loop3A_488 : vector<16xf32>
          %parallel_loop3A_490 = arith.constant 16 : i32
          %parallel_loop3A_491 = vector.broadcast %parallel_loop3A_490 : i32 to vector<16xi32>
          %parallel_loop3A_492 = arith.shli %parallel_loop3A_463, %parallel_loop3A_491 : vector<16xi32>
          %parallel_loop3A_493 = vector.bitcast %parallel_loop3A_492 : vector<16xi32> to vector<16xf32>
          %parallel_loop3A_494 = arith.mulf %parallel_loop3A_493, %parallel_loop3A_417 : vector<16xf32>
          %parallel_loop3A_495 = arith.constant 16 : i32
          %parallel_loop3A_496 = vector.broadcast %parallel_loop3A_495 : i32 to vector<16xi32>
          %parallel_loop3A_497 = arith.shli %parallel_loop3A_464, %parallel_loop3A_496 : vector<16xi32>
          %parallel_loop3A_498 = vector.bitcast %parallel_loop3A_497 : vector<16xi32> to vector<16xf32>
          %parallel_loop3A_499 = arith.mulf %parallel_loop3A_498, %parallel_loop3A_421 : vector<16xf32>
          %parallel_loop3A_500 = arith.addf %parallel_loop3A_494, %parallel_loop3A_499 : vector<16xf32>
          %parallel_loop3A_501 = arith.constant 16 : i32
          %parallel_loop3A_502 = vector.broadcast %parallel_loop3A_501 : i32 to vector<16xi32>
          %parallel_loop3A_503 = arith.shli %parallel_loop3A_465, %parallel_loop3A_502 : vector<16xi32>
          %parallel_loop3A_504 = vector.bitcast %parallel_loop3A_503 : vector<16xi32> to vector<16xf32>
          %parallel_loop3A_505 = arith.mulf %parallel_loop3A_504, %parallel_loop3A_425 : vector<16xf32>
          %parallel_loop3A_506 = arith.addf %parallel_loop3A_500, %parallel_loop3A_505 : vector<16xf32>
          %parallel_loop3A_507 = arith.constant 16 : i32
          %parallel_loop3A_508 = vector.broadcast %parallel_loop3A_507 : i32 to vector<16xi32>
          %parallel_loop3A_509 = arith.shli %parallel_loop3A_466, %parallel_loop3A_508 : vector<16xi32>
          %parallel_loop3A_510 = vector.bitcast %parallel_loop3A_509 : vector<16xi32> to vector<16xf32>
          %parallel_loop3A_511 = arith.mulf %parallel_loop3A_510, %parallel_loop3A_429 : vector<16xf32>
          %parallel_loop3A_512 = arith.addf %parallel_loop3A_506, %parallel_loop3A_511 : vector<16xf32>
          %parallel_loop3A_513 = arith.constant 1 : i32
          %parallel_loop3A_514 = arith.constant 0 : i32
          %parallel_loop3A_515 = arith.constant 1 : i32
          %parallel_loop3A_516 = arith.index_cast %parallel_loop3A_513 : i32 to index
          %parallel_loop3A_517 = arith.index_cast %parallel_loop3A_514 : i32 to index
          %parallel_loop3A_518 = arith.index_cast %parallel_loop3A_515 : i32 to index
          %parallel_loop3A_519 = arith.index_cast %parallel_loop3A_222 : i32 to index
          %parallel_loop3A_520 = tpu.vector_load %arg9[%parallel_loop3A_516, %parallel_loop3A_517, %parallel_loop3A_518, %parallel_loop3A_519] {strides = array<i32>} : memref<2x4x2x224xf32, #tpu.memory_space<vmem>>, vector<16xf32>,
          tpu.vector_store %arg9[%parallel_loop3A_516, %parallel_loop3A_517, %parallel_loop3A_518, %parallel_loop3A_519], %parallel_loop3A_489 {strides = array<i32>} : memref<2x4x2x224xf32, #tpu.memory_space<vmem>>, vector<16xf32>,
          %parallel_loop3A_521 = arith.constant 1 : i32
          %parallel_loop3A_522 = arith.constant 1 : i32
          %parallel_loop3A_523 = arith.constant 1 : i32
          %parallel_loop3A_524 = arith.index_cast %parallel_loop3A_521 : i32 to index
          %parallel_loop3A_525 = arith.index_cast %parallel_loop3A_522 : i32 to index
          %parallel_loop3A_526 = arith.index_cast %parallel_loop3A_523 : i32 to index
          %parallel_loop3A_527 = arith.index_cast %parallel_loop3A_222 : i32 to index
          %parallel_loop3A_528 = tpu.vector_load %arg9[%parallel_loop3A_524, %parallel_loop3A_525, %parallel_loop3A_526, %parallel_loop3A_527] {strides = array<i32>} : memref<2x4x2x224xf32, #tpu.memory_space<vmem>>, vector<16xf32>,
          tpu.vector_store %arg9[%parallel_loop3A_524, %parallel_loop3A_525, %parallel_loop3A_526, %parallel_loop3A_527], %parallel_loop3A_512 {strides = array<i32>} : memref<2x4x2x224xf32, #tpu.memory_space<vmem>>, vector<16xf32>,
          %parallel_loop3A_529 = tpu.vector_load_idx %arg6[%parallel_loop3A_441, %parallel_loop3A_444] : memref<448x128xi32, #tpu.memory_space<vmem>>[vector<16xi32>, vector<16xi32>], vector<16xi32>,
          %parallel_loop3A_530 = tpu.vector_load_idx %arg6[%parallel_loop3A_447, %parallel_loop3A_450] : memref<448x128xi32, #tpu.memory_space<vmem>>[vector<16xi32>, vector<16xi32>], vector<16xi32>,
          %parallel_loop3A_531 = tpu.vector_load_idx %arg6[%parallel_loop3A_453, %parallel_loop3A_456] : memref<448x128xi32, #tpu.memory_space<vmem>>[vector<16xi32>, vector<16xi32>], vector<16xi32>,
          %parallel_loop3A_532 = tpu.vector_load_idx %arg6[%parallel_loop3A_459, %parallel_loop3A_462] : memref<448x128xi32, #tpu.memory_space<vmem>>[vector<16xi32>, vector<16xi32>], vector<16xi32>,
          %parallel_loop3A_533 = arith.constant -65536 : i32
          %parallel_loop3A_534 = vector.broadcast %parallel_loop3A_533 : i32 to vector<16xi32>
          %parallel_loop3A_535 = arith.andi %parallel_loop3A_529, %parallel_loop3A_534 : vector<16xi32>
          %parallel_loop3A_536 = vector.bitcast %parallel_loop3A_535 : vector<16xi32> to vector<16xf32>
          %parallel_loop3A_537 = arith.mulf %parallel_loop3A_536, %parallel_loop3A_417 : vector<16xf32>
          %parallel_loop3A_538 = arith.constant -65536 : i32
          %parallel_loop3A_539 = vector.broadcast %parallel_loop3A_538 : i32 to vector<16xi32>
          %parallel_loop3A_540 = arith.andi %parallel_loop3A_530, %parallel_loop3A_539 : vector<16xi32>
          %parallel_loop3A_541 = vector.bitcast %parallel_loop3A_540 : vector<16xi32> to vector<16xf32>
          %parallel_loop3A_542 = arith.mulf %parallel_loop3A_541, %parallel_loop3A_421 : vector<16xf32>
          %parallel_loop3A_543 = arith.addf %parallel_loop3A_537, %parallel_loop3A_542 : vector<16xf32>
          %parallel_loop3A_544 = arith.constant -65536 : i32
          %parallel_loop3A_545 = vector.broadcast %parallel_loop3A_544 : i32 to vector<16xi32>
          %parallel_loop3A_546 = arith.andi %parallel_loop3A_531, %parallel_loop3A_545 : vector<16xi32>
          %parallel_loop3A_547 = vector.bitcast %parallel_loop3A_546 : vector<16xi32> to vector<16xf32>
          %parallel_loop3A_548 = arith.mulf %parallel_loop3A_547, %parallel_loop3A_425 : vector<16xf32>
          %parallel_loop3A_549 = arith.addf %parallel_loop3A_543, %parallel_loop3A_548 : vector<16xf32>
          %parallel_loop3A_550 = arith.constant -65536 : i32
          %parallel_loop3A_551 = vector.broadcast %parallel_loop3A_550 : i32 to vector<16xi32>
          %parallel_loop3A_552 = arith.andi %parallel_loop3A_532, %parallel_loop3A_551 : vector<16xi32>
          %parallel_loop3A_553 = vector.bitcast %parallel_loop3A_552 : vector<16xi32> to vector<16xf32>
          %parallel_loop3A_554 = arith.mulf %parallel_loop3A_553, %parallel_loop3A_429 : vector<16xf32>
          %parallel_loop3A_555 = arith.addf %parallel_loop3A_549, %parallel_loop3A_554 : vector<16xf32>
          %parallel_loop3A_556 = arith.constant 16 : i32
          %parallel_loop3A_557 = vector.broadcast %parallel_loop3A_556 : i32 to vector<16xi32>
          %parallel_loop3A_558 = arith.shli %parallel_loop3A_529, %parallel_loop3A_557 : vector<16xi32>
          %parallel_loop3A_559 = vector.bitcast %parallel_loop3A_558 : vector<16xi32> to vector<16xf32>
          %parallel_loop3A_560 = arith.mulf %parallel_loop3A_559, %parallel_loop3A_417 : vector<16xf32>
          %parallel_loop3A_561 = arith.constant 16 : i32
          %parallel_loop3A_562 = vector.broadcast %parallel_loop3A_561 : i32 to vector<16xi32>
          %parallel_loop3A_563 = arith.shli %parallel_loop3A_530, %parallel_loop3A_562 : vector<16xi32>
          %parallel_loop3A_564 = vector.bitcast %parallel_loop3A_563 : vector<16xi32> to vector<16xf32>
          %parallel_loop3A_565 = arith.mulf %parallel_loop3A_564, %parallel_loop3A_421 : vector<16xf32>
          %parallel_loop3A_566 = arith.addf %parallel_loop3A_560, %parallel_loop3A_565 : vector<16xf32>
          %parallel_loop3A_567 = arith.constant 16 : i32
          %parallel_loop3A_568 = vector.broadcast %parallel_loop3A_567 : i32 to vector<16xi32>
          %parallel_loop3A_569 = arith.shli %parallel_loop3A_531, %parallel_loop3A_568 : vector<16xi32>
          %parallel_loop3A_570 = vector.bitcast %parallel_loop3A_569 : vector<16xi32> to vector<16xf32>
          %parallel_loop3A_571 = arith.mulf %parallel_loop3A_570, %parallel_loop3A_425 : vector<16xf32>
          %parallel_loop3A_572 = arith.addf %parallel_loop3A_566, %parallel_loop3A_571 : vector<16xf32>
          %parallel_loop3A_573 = arith.constant 16 : i32
          %parallel_loop3A_574 = vector.broadcast %parallel_loop3A_573 : i32 to vector<16xi32>
          %parallel_loop3A_575 = arith.shli %parallel_loop3A_532, %parallel_loop3A_574 : vector<16xi32>
          %parallel_loop3A_576 = vector.bitcast %parallel_loop3A_575 : vector<16xi32> to vector<16xf32>
          %parallel_loop3A_577 = arith.mulf %parallel_loop3A_576, %parallel_loop3A_429 : vector<16xf32>
          %parallel_loop3A_578 = arith.addf %parallel_loop3A_572, %parallel_loop3A_577 : vector<16xf32>
          %parallel_loop3A_579 = arith.constant 1 : i32
          %parallel_loop3A_580 = arith.constant 2 : i32
          %parallel_loop3A_581 = arith.constant 1 : i32
          %parallel_loop3A_582 = arith.index_cast %parallel_loop3A_579 : i32 to index
          %parallel_loop3A_583 = arith.index_cast %parallel_loop3A_580 : i32 to index
          %parallel_loop3A_584 = arith.index_cast %parallel_loop3A_581 : i32 to index
          %parallel_loop3A_585 = arith.index_cast %parallel_loop3A_222 : i32 to index
          %parallel_loop3A_586 = tpu.vector_load %arg9[%parallel_loop3A_582, %parallel_loop3A_583, %parallel_loop3A_584, %parallel_loop3A_585] {strides = array<i32>} : memref<2x4x2x224xf32, #tpu.memory_space<vmem>>, vector<16xf32>,
          tpu.vector_store %arg9[%parallel_loop3A_582, %parallel_loop3A_583, %parallel_loop3A_584, %parallel_loop3A_585], %parallel_loop3A_555 {strides = array<i32>} : memref<2x4x2x224xf32, #tpu.memory_space<vmem>>, vector<16xf32>,
          %parallel_loop3A_587 = arith.constant 1 : i32
          %parallel_loop3A_588 = arith.constant 3 : i32
          %parallel_loop3A_589 = arith.constant 1 : i32
          %parallel_loop3A_590 = arith.index_cast %parallel_loop3A_587 : i32 to index
          %parallel_loop3A_591 = arith.index_cast %parallel_loop3A_588 : i32 to index
          %parallel_loop3A_592 = arith.index_cast %parallel_loop3A_589 : i32 to index
          %parallel_loop3A_593 = arith.index_cast %parallel_loop3A_222 : i32 to index
          %parallel_loop3A_594 = tpu.vector_load %arg9[%parallel_loop3A_590, %parallel_loop3A_591, %parallel_loop3A_592, %parallel_loop3A_593] {strides = array<i32>} : memref<2x4x2x224xf32, #tpu.memory_space<vmem>>, vector<16xf32>,
          tpu.vector_store %arg9[%parallel_loop3A_590, %parallel_loop3A_591, %parallel_loop3A_592, %parallel_loop3A_593], %parallel_loop3A_578 {strides = array<i32>} : memref<2x4x2x224xf32, #tpu.memory_space<vmem>>, vector<16xf32>,
        } {sc.loop_unroll_factor = 2 : i64, sc.parallel_access}
        %add3A_195 = arith.constant 2 : i32
        %add3A_196 = arith.addi %add3A_178, %add3A_195 : i32
        %lt3A_197 = arith.constant 112 : i32
        %lt3A_198 = arith.cmpi slt, %add3A_196, %lt3A_197 : i32
        %convert_element_type3A_199 = arith.extui %lt3A_198 : i1 to i32
        %cond3A_200 = arith.constant 0 : i32
        %cond3A_201 = arith.cmpi ne, %convert_element_type3A_199, %cond3A_200 : i32
        scf.if %cond3A_201 {
          %add3A_222 = arith.constant 2 : i32
          %add3A_223 = arith.addi %add3A_178, %add3A_222 : i32
          %mul3A_224 = arith.constant 16 : i32
          %mul3A_225 = arith.muli %add3A_223, %mul3A_224 : i32
          %dma_start3A_226 = arith.constant 0 : i32
          %dma_start3A_227 = tpu.memref_slice %arg3[%select_n3A, %mul3A_225, %dma_start3A_226] : memref<2x1792x256xf32, #tpu.memory_space<hbm>> -> memref<1x16x256xf32, #tpu.memory_space<hbm>>
          %dma_start3A_228 = tpu.memref_squeeze %dma_start3A_227 : memref<1x16x256xf32, #tpu.memory_space<hbm>> -> memref<16x256xf32, #tpu.memory_space<hbm>>
          %dma_start3A_229 = arith.constant 0 : i32
          %dma_start3A_230 = tpu.memref_slice %arg3[%select_n3A, %mul3A_225, %dma_start3A_229] : memref<2x1792x256xf32, #tpu.memory_space<hbm>> -> memref<1x16x256xf32, #tpu.memory_space<hbm>>
          %dma_start3A_231 = tpu.memref_squeeze %dma_start3A_230 : memref<1x16x256xf32, #tpu.memory_space<hbm>> -> memref<16x256xf32, #tpu.memory_space<hbm>>
          tpu.enqueue_dma source(%dma_start3A_231 : memref<16x256xf32, #tpu.memory_space<hbm>>) target(%arg8 : memref<16x256xf32, #tpu.memory_space<vmem>>) target_semaphore(%arg12 : memref<!tpu.dma_semaphore, #tpu.memory_space<semaphore_mem>>)
        } else {
        }
        %mul3A_202 = arith.constant 2 : i32
        %mul3A_203 = arith.muli %add3A_178, %mul3A_202 : i32
        %dma_start3A_204 = arith.constant 1 : i32
        %dma_start3A_205 = arith.constant 0 : i32
        %dma_start3A_206 = arith.constant 0 : i32
        %dma_start3A_207 = arith.constant 0 : i32
        %dma_start3A_208 = tpu.memref_slice %arg9[%dma_start3A_204, %dma_start3A_205, %dma_start3A_206, %dma_start3A_207] : memref<2x4x2x224xf32, #tpu.memory_space<vmem>> -> memref<1x4x2x224xf32, #tpu.memory_space<vmem>>
        %dma_start3A_209 = tpu.memref_squeeze %dma_start3A_208 : memref<1x4x2x224xf32, #tpu.memory_space<vmem>> -> memref<4x2x224xf32, #tpu.memory_space<vmem>>
        %dma_start3A_210 = arith.constant 0 : i32
        %dma_start3A_211 = tpu.memref_slice %arg4[%select_n3A, %mul3A_37, %mul3A_203, %dma_start3A_210] : memref<2x384x224x224xf32, #tpu.memory_space<hbm>> -> memref<1x4x2x224xf32, #tpu.memory_space<hbm>>
        %dma_start3A_212 = tpu.memref_squeeze %dma_start3A_211 : memref<1x4x2x224xf32, #tpu.memory_space<hbm>> -> memref<4x2x224xf32, #tpu.memory_space<hbm>>
        %dma_start3A_213 = arith.constant 0 : i32
        %dma_start3A_214 = tpu.memref_slice %arg4[%select_n3A, %mul3A_37, %mul3A_203, %dma_start3A_213] : memref<2x384x224x224xf32, #tpu.memory_space<hbm>> -> memref<1x4x2x224xf32, #tpu.memory_space<hbm>>
        %dma_start3A_215 = tpu.memref_squeeze %dma_start3A_214 : memref<1x4x2x224xf32, #tpu.memory_space<hbm>> -> memref<4x2x224xf32, #tpu.memory_space<hbm>>
        %dma_start3A_216 = arith.constant 0 : i32
        %dma_start3A_217 = arith.constant 0 : i32
        %dma_start3A_218 = arith.constant 0 : i32
        %dma_start3A_219 = tpu.memref_slice %arg9[%dma_start3A_204, %dma_start3A_216, %dma_start3A_217, %dma_start3A_218] : memref<2x4x2x224xf32, #tpu.memory_space<vmem>> -> memref<1x4x2x224xf32, #tpu.memory_space<vmem>>
        %dma_start3A_220 = tpu.memref_squeeze %dma_start3A_219 : memref<1x4x2x224xf32, #tpu.memory_space<vmem>> -> memref<4x2x224xf32, #tpu.memory_space<vmem>>
        tpu.enqueue_dma source(%dma_start3A_220 : memref<4x2x224xf32, #tpu.memory_space<vmem>>) target(%dma_start3A_215 : memref<4x2x224xf32, #tpu.memory_space<hbm>>) target_semaphore(%arg14 : memref<!tpu.dma_semaphore, #tpu.memory_space<semaphore_mem>>)
        %scan3A_221 = arith.constant 0 : i32
        scf.yield %scan3A_221 : i32
      }
      %scan3A_92 = arith.constant 56 : i32
      %dma_wait3A_93 = arith.constant 0 : i32
      %dma_wait3A_94 = arith.constant 0 : i32
      %dma_wait3A_95 = arith.constant 0 : i32
      %dma_wait3A_96 = arith.constant 0 : i32
      %dma_wait3A_97 = tpu.memref_slice %arg9[%dma_wait3A_93, %dma_wait3A_94, %dma_wait3A_95, %dma_wait3A_96] : memref<2x4x2x224xf32, #tpu.memory_space<vmem>> -> memref<1x4x2x224xf32, #tpu.memory_space<vmem>>
      %dma_wait3A_98 = tpu.memref_squeeze %dma_wait3A_97 : memref<1x4x2x224xf32, #tpu.memory_space<vmem>> -> memref<4x2x224xf32, #tpu.memory_space<vmem>>
      %dma_wait3A_99 = arith.constant 0 : i32
      %dma_wait3A_100 = arith.constant 0 : i32
      %dma_wait3A_101 = tpu.memref_slice %arg4[%select_n3A, %mul3A_37, %dma_wait3A_99, %dma_wait3A_100] : memref<2x384x224x224xf32, #tpu.memory_space<hbm>> -> memref<1x4x2x224xf32, #tpu.memory_space<hbm>>
      %dma_wait3A_102 = tpu.memref_squeeze %dma_wait3A_101 : memref<1x4x2x224xf32, #tpu.memory_space<hbm>> -> memref<4x2x224xf32, #tpu.memory_space<hbm>>
      %dma_wait3A_103 = arith.constant 0 : i32
      %dma_wait3A_104 = arith.constant 0 : i32
      %dma_wait3A_105 = tpu.memref_slice %arg4[%select_n3A, %mul3A_37, %dma_wait3A_103, %dma_wait3A_104] : memref<2x384x224x224xf32, #tpu.memory_space<hbm>> -> memref<1x4x2x224xf32, #tpu.memory_space<hbm>>
      %dma_wait3A_106 = tpu.memref_squeeze %dma_wait3A_105 : memref<1x4x2x224xf32, #tpu.memory_space<hbm>> -> memref<4x2x224xf32, #tpu.memory_space<hbm>>
      %dma_wait3A_107 = arith.constant 0 : i32
      %dma_wait3A_108 = arith.constant 0 : i32
      %dma_wait3A_109 = arith.constant 0 : i32
      %dma_wait3A_110 = tpu.memref_slice %arg9[%dma_wait3A_93, %dma_wait3A_107, %dma_wait3A_108, %dma_wait3A_109] : memref<2x4x2x224xf32, #tpu.memory_space<vmem>> -> memref<1x4x2x224xf32, #tpu.memory_space<vmem>>
      %dma_wait3A_111 = tpu.memref_squeeze %dma_wait3A_110 : memref<1x4x2x224xf32, #tpu.memory_space<vmem>> -> memref<4x2x224xf32, #tpu.memory_space<vmem>>
      tpu.wait_dma2 semaphore(%arg13 : memref<!tpu.dma_semaphore, #tpu.memory_space<semaphore_mem>>) src(%dma_wait3A_111 : memref<4x2x224xf32, #tpu.memory_space<vmem>>) dst(%dma_wait3A_106 : memref<4x2x224xf32, #tpu.memory_space<hbm>>)
      %dma_wait3A_112 = arith.constant 1 : i32
      %dma_wait3A_113 = arith.constant 0 : i32
      %dma_wait3A_114 = arith.constant 0 : i32
      %dma_wait3A_115 = arith.constant 0 : i32
      %dma_wait3A_116 = tpu.memref_slice %arg9[%dma_wait3A_112, %dma_wait3A_113, %dma_wait3A_114, %dma_wait3A_115] : memref<2x4x2x224xf32, #tpu.memory_space<vmem>> -> memref<1x4x2x224xf32, #tpu.memory_space<vmem>>
      %dma_wait3A_117 = tpu.memref_squeeze %dma_wait3A_116 : memref<1x4x2x224xf32, #tpu.memory_space<vmem>> -> memref<4x2x224xf32, #tpu.memory_space<vmem>>
      %dma_wait3A_118 = arith.constant 0 : i32
      %dma_wait3A_119 = arith.constant 0 : i32
      %dma_wait3A_120 = tpu.memref_slice %arg4[%select_n3A, %mul3A_37, %dma_wait3A_118, %dma_wait3A_119] : memref<2x384x224x224xf32, #tpu.memory_space<hbm>> -> memref<1x4x2x224xf32, #tpu.memory_space<hbm>>
      %dma_wait3A_121 = tpu.memref_squeeze %dma_wait3A_120 : memref<1x4x2x224xf32, #tpu.memory_space<hbm>> -> memref<4x2x224xf32, #tpu.memory_space<hbm>>
      %dma_wait3A_122 = arith.constant 0 : i32
      %dma_wait3A_123 = arith.constant 0 : i32
      %dma_wait3A_124 = tpu.memref_slice %arg4[%select_n3A, %mul3A_37, %dma_wait3A_122, %dma_wait3A_123] : memref<2x384x224x224xf32, #tpu.memory_space<hbm>> -> memref<1x4x2x224xf32, #tpu.memory_space<hbm>>
      %dma_wait3A_125 = tpu.memref_squeeze %dma_wait3A_124 : memref<1x4x2x224xf32, #tpu.memory_space<hbm>> -> memref<4x2x224xf32, #tpu.memory_space<hbm>>
      %dma_wait3A_126 = arith.constant 0 : i32
      %dma_wait3A_127 = arith.constant 0 : i32
      %dma_wait3A_128 = arith.constant 0 : i32
      %dma_wait3A_129 = tpu.memref_slice %arg9[%dma_wait3A_112, %dma_wait3A_126, %dma_wait3A_127, %dma_wait3A_128] : memref<2x4x2x224xf32, #tpu.memory_space<vmem>> -> memref<1x4x2x224xf32, #tpu.memory_space<vmem>>
      %dma_wait3A_130 = tpu.memref_squeeze %dma_wait3A_129 : memref<1x4x2x224xf32, #tpu.memory_space<vmem>> -> memref<4x2x224xf32, #tpu.memory_space<vmem>>
      tpu.wait_dma2 semaphore(%arg14 : memref<!tpu.dma_semaphore, #tpu.memory_space<semaphore_mem>>) src(%dma_wait3A_130 : memref<4x2x224xf32, #tpu.memory_space<vmem>>) dst(%dma_wait3A_125 : memref<4x2x224xf32, #tpu.memory_space<hbm>>)
      %scan3A_131 = arith.constant 0 : i32
      scf.yield %scan3A_131 : i32
    }
    %scan3A_27 = arith.constant 6 : i32
    return
  }
}

module attributes {stable_mosaic.version = 14 : i64} {
  func.func @_pack_body(%arg0: i32, %arg1: memref<8x224x224xf32, #tpu.memory_space<vmem>>, %arg2: memref<4x448x128xi32, #tpu.memory_space<vmem>>) attributes {dimension_semantics = [#tpu.dimension_semantics<arbitrary>], iteration_bounds = array<i64: 96>, scalar_prefetch = 0 : i64, scratch_operands = 0 : i64, tpu.core_type = #tpu.core_type<tc>, window_params = [{transform_indices = @transform_0, window_bounds = array<i64: 8, 224, 224>}, {transform_indices = @transform_1, window_bounds = array<i64: 4, 448, 128>}]} {
    %get3A = arith.constant 0 : index
    %get3A_0 = arith.constant 0 : index
    %get3A_1 = arith.constant 0 : index
    %get3A_2 = vector.load %arg1[%get3A, %get3A_0, %get3A_1] : memref<8x224x224xf32, #tpu.memory_space<vmem>>, vector<1x224x224xf32>
    %get3A_3 = vector.shape_cast %get3A_2 : vector<1x224x224xf32> to vector<224x224xf32>
    %get3A_4 = arith.constant 1 : index
    %get3A_5 = arith.constant 0 : index
    %get3A_6 = arith.constant 0 : index
    %get3A_7 = vector.load %arg1[%get3A_4, %get3A_5, %get3A_6] : memref<8x224x224xf32, #tpu.memory_space<vmem>>, vector<1x224x224xf32>
    %get3A_8 = vector.shape_cast %get3A_7 : vector<1x224x224xf32> to vector<224x224xf32>
    %convert_element_type3A = arith.truncf %get3A_3 : vector<224x224xf32> to vector<224x224xbf16>
    %bitcast_convert_type3A = tpu.bitcast %convert_element_type3A : vector<224x224xbf16> -> vector<224x224xi16>
    %convert_element_type3A_9 = arith.truncf %get3A_8 : vector<224x224xf32> to vector<224x224xbf16>
    %bitcast_convert_type3A_10 = tpu.bitcast %convert_element_type3A_9 : vector<224x224xbf16> -> vector<224x224xi16>
    %convert_element_type3A_11 = arith.extui %bitcast_convert_type3A : vector<224x224xi16> to vector<224x224xi32>
    %shift_left3A = arith.constant 16 : i32
    %shift_left3A_12 = vector.broadcast %shift_left3A : i32 to vector<224x224xi32>
    %shift_left3A_13 = arith.shli %convert_element_type3A_11, %shift_left3A_12 : vector<224x224xi32>
    %convert_element_type3A_14 = arith.extui %bitcast_convert_type3A_10 : vector<224x224xi16> to vector<224x224xi32>
    %or3A = arith.ori %shift_left3A_13, %convert_element_type3A_14 : vector<224x224xi32>
    %bitcast_convert_type3A_15 = tpu.bitcast %or3A : vector<224x224xi32> -> vector<224x224xi32>
    %slice3A = vector.extract_strided_slice %bitcast_convert_type3A_15 {offsets = [0, 0], sizes = [224, 128], strides = [1, 1]} : vector<224x224xi32> to vector<224x128xi32>
    %slice3A_16 = vector.extract_strided_slice %bitcast_convert_type3A_15 {offsets = [0, 128], sizes = [224, 96], strides = [1, 1]} : vector<224x224xi32> to vector<224x96xi32>
    %jit3A = arith.constant 0 : i32
    %pad3A = vector.broadcast %jit3A : i32 to vector<224x32xi32>
    %pad3A_17 = tpu.concatenate %slice3A_16, %pad3A in 1 : vector<224x96xi32>, vector<224x32xi32> -> vector<224x128xi32>
    %stack3A = vector.shape_cast %slice3A : vector<224x128xi32> to vector<224x1x128xi32>
    %stack3A_18 = vector.shape_cast %pad3A_17 : vector<224x128xi32> to vector<224x1x128xi32>
    %stack3A_19 = tpu.concatenate %stack3A, %stack3A_18 in 1 : vector<224x1x128xi32>, vector<224x1x128xi32> -> vector<224x2x128xi32>
    %reshape3A = vector.shape_cast %stack3A_19 : vector<224x2x128xi32> to vector<448x128xi32>
    %swap3A = arith.constant 0 : index
    %swap3A_20 = arith.constant 0 : index
    %swap3A_21 = arith.constant 0 : index
    %swap3A_22 = vector.load %arg2[%swap3A, %swap3A_20, %swap3A_21] : memref<4x448x128xi32, #tpu.memory_space<vmem>>, vector<1x448x128xi32>
    %swap3A_23 = vector.shape_cast %swap3A_22 : vector<1x448x128xi32> to vector<448x128xi32>
    %swap3A_24 = vector.shape_cast %reshape3A : vector<448x128xi32> to vector<1x448x128xi32>
    tpu.vector_store %arg2[%swap3A, %swap3A_20, %swap3A_21], %swap3A_24 {strides = array<i32>} : memref<4x448x128xi32, #tpu.memory_space<vmem>>, vector<1x448x128xi32>,
    %get3A_25 = arith.constant 2 : index
    %get3A_26 = arith.constant 0 : index
    %get3A_27 = arith.constant 0 : index
    %get3A_28 = vector.load %arg1[%get3A_25, %get3A_26, %get3A_27] : memref<8x224x224xf32, #tpu.memory_space<vmem>>, vector<1x224x224xf32>
    %get3A_29 = vector.shape_cast %get3A_28 : vector<1x224x224xf32> to vector<224x224xf32>
    %get3A_30 = arith.constant 3 : index
    %get3A_31 = arith.constant 0 : index
    %get3A_32 = arith.constant 0 : index
    %get3A_33 = vector.load %arg1[%get3A_30, %get3A_31, %get3A_32] : memref<8x224x224xf32, #tpu.memory_space<vmem>>, vector<1x224x224xf32>
    %get3A_34 = vector.shape_cast %get3A_33 : vector<1x224x224xf32> to vector<224x224xf32>
    %convert_element_type3A_35 = arith.truncf %get3A_29 : vector<224x224xf32> to vector<224x224xbf16>
    %bitcast_convert_type3A_36 = tpu.bitcast %convert_element_type3A_35 : vector<224x224xbf16> -> vector<224x224xi16>
    %convert_element_type3A_37 = arith.truncf %get3A_34 : vector<224x224xf32> to vector<224x224xbf16>
    %bitcast_convert_type3A_38 = tpu.bitcast %convert_element_type3A_37 : vector<224x224xbf16> -> vector<224x224xi16>
    %convert_element_type3A_39 = arith.extui %bitcast_convert_type3A_36 : vector<224x224xi16> to vector<224x224xi32>
    %shift_left3A_40 = arith.constant 16 : i32
    %shift_left3A_41 = vector.broadcast %shift_left3A_40 : i32 to vector<224x224xi32>
    %shift_left3A_42 = arith.shli %convert_element_type3A_39, %shift_left3A_41 : vector<224x224xi32>
    %convert_element_type3A_43 = arith.extui %bitcast_convert_type3A_38 : vector<224x224xi16> to vector<224x224xi32>
    %or3A_44 = arith.ori %shift_left3A_42, %convert_element_type3A_43 : vector<224x224xi32>
    %bitcast_convert_type3A_45 = tpu.bitcast %or3A_44 : vector<224x224xi32> -> vector<224x224xi32>
    %slice3A_46 = vector.extract_strided_slice %bitcast_convert_type3A_45 {offsets = [0, 0], sizes = [224, 128], strides = [1, 1]} : vector<224x224xi32> to vector<224x128xi32>
    %slice3A_47 = vector.extract_strided_slice %bitcast_convert_type3A_45 {offsets = [0, 128], sizes = [224, 96], strides = [1, 1]} : vector<224x224xi32> to vector<224x96xi32>
    %jit3A_48 = arith.constant 0 : i32
    %pad3A_49 = vector.broadcast %jit3A_48 : i32 to vector<224x32xi32>
    %pad3A_50 = tpu.concatenate %slice3A_47, %pad3A_49 in 1 : vector<224x96xi32>, vector<224x32xi32> -> vector<224x128xi32>
    %stack3A_51 = vector.shape_cast %slice3A_46 : vector<224x128xi32> to vector<224x1x128xi32>
    %stack3A_52 = vector.shape_cast %pad3A_50 : vector<224x128xi32> to vector<224x1x128xi32>
    %stack3A_53 = tpu.concatenate %stack3A_51, %stack3A_52 in 1 : vector<224x1x128xi32>, vector<224x1x128xi32> -> vector<224x2x128xi32>
    %reshape3A_54 = vector.shape_cast %stack3A_53 : vector<224x2x128xi32> to vector<448x128xi32>
    %swap3A_55 = arith.constant 1 : index
    %swap3A_56 = arith.constant 0 : index
    %swap3A_57 = arith.constant 0 : index
    %swap3A_58 = vector.load %arg2[%swap3A_55, %swap3A_56, %swap3A_57] : memref<4x448x128xi32, #tpu.memory_space<vmem>>, vector<1x448x128xi32>
    %swap3A_59 = vector.shape_cast %swap3A_58 : vector<1x448x128xi32> to vector<448x128xi32>
    %swap3A_60 = vector.shape_cast %reshape3A_54 : vector<448x128xi32> to vector<1x448x128xi32>
    tpu.vector_store %arg2[%swap3A_55, %swap3A_56, %swap3A_57], %swap3A_60 {strides = array<i32>} : memref<4x448x128xi32, #tpu.memory_space<vmem>>, vector<1x448x128xi32>,
    %get3A_61 = arith.constant 4 : index
    %get3A_62 = arith.constant 0 : index
    %get3A_63 = arith.constant 0 : index
    %get3A_64 = vector.load %arg1[%get3A_61, %get3A_62, %get3A_63] : memref<8x224x224xf32, #tpu.memory_space<vmem>>, vector<1x224x224xf32>
    %get3A_65 = vector.shape_cast %get3A_64 : vector<1x224x224xf32> to vector<224x224xf32>
    %get3A_66 = arith.constant 5 : index
    %get3A_67 = arith.constant 0 : index
    %get3A_68 = arith.constant 0 : index
    %get3A_69 = vector.load %arg1[%get3A_66, %get3A_67, %get3A_68] : memref<8x224x224xf32, #tpu.memory_space<vmem>>, vector<1x224x224xf32>
    %get3A_70 = vector.shape_cast %get3A_69 : vector<1x224x224xf32> to vector<224x224xf32>
    %convert_element_type3A_71 = arith.truncf %get3A_65 : vector<224x224xf32> to vector<224x224xbf16>
    %bitcast_convert_type3A_72 = tpu.bitcast %convert_element_type3A_71 : vector<224x224xbf16> -> vector<224x224xi16>
    %convert_element_type3A_73 = arith.truncf %get3A_70 : vector<224x224xf32> to vector<224x224xbf16>
    %bitcast_convert_type3A_74 = tpu.bitcast %convert_element_type3A_73 : vector<224x224xbf16> -> vector<224x224xi16>
    %convert_element_type3A_75 = arith.extui %bitcast_convert_type3A_72 : vector<224x224xi16> to vector<224x224xi32>
    %shift_left3A_76 = arith.constant 16 : i32
    %shift_left3A_77 = vector.broadcast %shift_left3A_76 : i32 to vector<224x224xi32>
    %shift_left3A_78 = arith.shli %convert_element_type3A_75, %shift_left3A_77 : vector<224x224xi32>
    %convert_element_type3A_79 = arith.extui %bitcast_convert_type3A_74 : vector<224x224xi16> to vector<224x224xi32>
    %or3A_80 = arith.ori %shift_left3A_78, %convert_element_type3A_79 : vector<224x224xi32>
    %bitcast_convert_type3A_81 = tpu.bitcast %or3A_80 : vector<224x224xi32> -> vector<224x224xi32>
    %slice3A_82 = vector.extract_strided_slice %bitcast_convert_type3A_81 {offsets = [0, 0], sizes = [224, 128], strides = [1, 1]} : vector<224x224xi32> to vector<224x128xi32>
    %slice3A_83 = vector.extract_strided_slice %bitcast_convert_type3A_81 {offsets = [0, 128], sizes = [224, 96], strides = [1, 1]} : vector<224x224xi32> to vector<224x96xi32>
    %jit3A_84 = arith.constant 0 : i32
    %pad3A_85 = vector.broadcast %jit3A_84 : i32 to vector<224x32xi32>
    %pad3A_86 = tpu.concatenate %slice3A_83, %pad3A_85 in 1 : vector<224x96xi32>, vector<224x32xi32> -> vector<224x128xi32>
    %stack3A_87 = vector.shape_cast %slice3A_82 : vector<224x128xi32> to vector<224x1x128xi32>
    %stack3A_88 = vector.shape_cast %pad3A_86 : vector<224x128xi32> to vector<224x1x128xi32>
    %stack3A_89 = tpu.concatenate %stack3A_87, %stack3A_88 in 1 : vector<224x1x128xi32>, vector<224x1x128xi32> -> vector<224x2x128xi32>
    %reshape3A_90 = vector.shape_cast %stack3A_89 : vector<224x2x128xi32> to vector<448x128xi32>
    %swap3A_91 = arith.constant 2 : index
    %swap3A_92 = arith.constant 0 : index
    %swap3A_93 = arith.constant 0 : index
    %swap3A_94 = vector.load %arg2[%swap3A_91, %swap3A_92, %swap3A_93] : memref<4x448x128xi32, #tpu.memory_space<vmem>>, vector<1x448x128xi32>
    %swap3A_95 = vector.shape_cast %swap3A_94 : vector<1x448x128xi32> to vector<448x128xi32>
    %swap3A_96 = vector.shape_cast %reshape3A_90 : vector<448x128xi32> to vector<1x448x128xi32>
    tpu.vector_store %arg2[%swap3A_91, %swap3A_92, %swap3A_93], %swap3A_96 {strides = array<i32>} : memref<4x448x128xi32, #tpu.memory_space<vmem>>, vector<1x448x128xi32>,
    %get3A_97 = arith.constant 6 : index
    %get3A_98 = arith.constant 0 : index
    %get3A_99 = arith.constant 0 : index
    %get3A_100 = vector.load %arg1[%get3A_97, %get3A_98, %get3A_99] : memref<8x224x224xf32, #tpu.memory_space<vmem>>, vector<1x224x224xf32>
    %get3A_101 = vector.shape_cast %get3A_100 : vector<1x224x224xf32> to vector<224x224xf32>
    %get3A_102 = arith.constant 7 : index
    %get3A_103 = arith.constant 0 : index
    %get3A_104 = arith.constant 0 : index
    %get3A_105 = vector.load %arg1[%get3A_102, %get3A_103, %get3A_104] : memref<8x224x224xf32, #tpu.memory_space<vmem>>, vector<1x224x224xf32>
    %get3A_106 = vector.shape_cast %get3A_105 : vector<1x224x224xf32> to vector<224x224xf32>
    %convert_element_type3A_107 = arith.truncf %get3A_101 : vector<224x224xf32> to vector<224x224xbf16>
    %bitcast_convert_type3A_108 = tpu.bitcast %convert_element_type3A_107 : vector<224x224xbf16> -> vector<224x224xi16>
    %convert_element_type3A_109 = arith.truncf %get3A_106 : vector<224x224xf32> to vector<224x224xbf16>
    %bitcast_convert_type3A_110 = tpu.bitcast %convert_element_type3A_109 : vector<224x224xbf16> -> vector<224x224xi16>
    %convert_element_type3A_111 = arith.extui %bitcast_convert_type3A_108 : vector<224x224xi16> to vector<224x224xi32>
    %shift_left3A_112 = arith.constant 16 : i32
    %shift_left3A_113 = vector.broadcast %shift_left3A_112 : i32 to vector<224x224xi32>
    %shift_left3A_114 = arith.shli %convert_element_type3A_111, %shift_left3A_113 : vector<224x224xi32>
    %convert_element_type3A_115 = arith.extui %bitcast_convert_type3A_110 : vector<224x224xi16> to vector<224x224xi32>
    %or3A_116 = arith.ori %shift_left3A_114, %convert_element_type3A_115 : vector<224x224xi32>
    %bitcast_convert_type3A_117 = tpu.bitcast %or3A_116 : vector<224x224xi32> -> vector<224x224xi32>
    %slice3A_118 = vector.extract_strided_slice %bitcast_convert_type3A_117 {offsets = [0, 0], sizes = [224, 128], strides = [1, 1]} : vector<224x224xi32> to vector<224x128xi32>
    %slice3A_119 = vector.extract_strided_slice %bitcast_convert_type3A_117 {offsets = [0, 128], sizes = [224, 96], strides = [1, 1]} : vector<224x224xi32> to vector<224x96xi32>
    %jit3A_120 = arith.constant 0 : i32
    %pad3A_121 = vector.broadcast %jit3A_120 : i32 to vector<224x32xi32>
    %pad3A_122 = tpu.concatenate %slice3A_119, %pad3A_121 in 1 : vector<224x96xi32>, vector<224x32xi32> -> vector<224x128xi32>
    %stack3A_123 = vector.shape_cast %slice3A_118 : vector<224x128xi32> to vector<224x1x128xi32>
    %stack3A_124 = vector.shape_cast %pad3A_122 : vector<224x128xi32> to vector<224x1x128xi32>
    %stack3A_125 = tpu.concatenate %stack3A_123, %stack3A_124 in 1 : vector<224x1x128xi32>, vector<224x1x128xi32> -> vector<224x2x128xi32>
    %reshape3A_126 = vector.shape_cast %stack3A_125 : vector<224x2x128xi32> to vector<448x128xi32>
    %swap3A_127 = arith.constant 3 : index
    %swap3A_128 = arith.constant 0 : index
    %swap3A_129 = arith.constant 0 : index
    %swap3A_130 = vector.load %arg2[%swap3A_127, %swap3A_128, %swap3A_129] : memref<4x448x128xi32, #tpu.memory_space<vmem>>, vector<1x448x128xi32>
    %swap3A_131 = vector.shape_cast %swap3A_130 : vector<1x448x128xi32> to vector<448x128xi32>
    %swap3A_132 = vector.shape_cast %reshape3A_126 : vector<448x128xi32> to vector<1x448x128xi32>
    tpu.vector_store %arg2[%swap3A_127, %swap3A_128, %swap3A_129], %swap3A_132 {strides = array<i32>} : memref<4x448x128xi32, #tpu.memory_space<vmem>>, vector<1x448x128xi32>,
    return
  }
  func.func @transform_0(%arg0: i32) -> (i32, i32, i32) {
    %c0_i32 = arith.constant 0 : i32
    %c0_i32_0 = arith.constant 0 : i32
    %c0_i32_1 = arith.constant 0 : i32
    return %arg0, %c0_i32, %c0_i32_0 : i32, i32, i32
  }
  func.func @transform_1(%arg0: i32) -> (i32, i32, i32) {
    %c0_i32 = arith.constant 0 : i32
    %c0_i32_0 = arith.constant 0 : i32
    %c0_i32_1 = arith.constant 0 : i32
    return %arg0, %c0_i32, %c0_i32_0 : i32, i32, i32
  }
}

module attributes {stable_mosaic.version = 14 : i64} {
  func.func @_prep_body(%arg0: memref<2x50176xf32, #tpu.memory_space<vmem>>, %arg1: memref<2x50176xf32, #tpu.memory_space<vmem>>, %arg2: memref<2x1792x256xf32, #tpu.memory_space<vmem>>) attributes {dimension_semantics = [], scalar_prefetch = 0 : i64, scratch_operands = 0 : i64, tpu.core_type = #tpu.core_type<tc>} {
    %get3A = arith.constant 0 : index
    %get3A_0 = arith.constant 0 : index
    %get3A_1 = vector.load %arg0[%get3A, %get3A_0] : memref<2x50176xf32, #tpu.memory_space<vmem>>, vector<2x50176xf32>
    %get3A_2 = arith.constant 0 : index
    %get3A_3 = arith.constant 0 : index
    %get3A_4 = vector.load %arg1[%get3A_2, %get3A_3] : memref<2x50176xf32, #tpu.memory_space<vmem>>, vector<2x50176xf32>
    %add3A = arith.constant 1.000000e+00 : f32
    %add3A_5 = vector.broadcast %add3A : f32 to vector<2x50176xf32>
    %add3A_6 = arith.addf %get3A_1, %add3A_5 : vector<2x50176xf32>
    %mul3A = arith.constant 2.240000e+02 : f32
    %mul3A_7 = vector.broadcast %mul3A : f32 to vector<2x50176xf32>
    %mul3A_8 = arith.mulf %add3A_6, %mul3A_7 : vector<2x50176xf32>
    %sub3A = arith.constant 1.000000e+00 : f32
    %sub3A_9 = vector.broadcast %sub3A : f32 to vector<2x50176xf32>
    %sub3A_10 = arith.subf %mul3A_8, %sub3A_9 : vector<2x50176xf32>
    %mul3A_11 = arith.constant 5.000000e-01 : f32
    %mul3A_12 = vector.broadcast %mul3A_11 : f32 to vector<2x50176xf32>
    %mul3A_13 = arith.mulf %sub3A_10, %mul3A_12 : vector<2x50176xf32>
    %add3A_14 = arith.constant 1.000000e+00 : f32
    %add3A_15 = vector.broadcast %add3A_14 : f32 to vector<2x50176xf32>
    %add3A_16 = arith.addf %get3A_4, %add3A_15 : vector<2x50176xf32>
    %mul3A_17 = arith.constant 2.240000e+02 : f32
    %mul3A_18 = vector.broadcast %mul3A_17 : f32 to vector<2x50176xf32>
    %mul3A_19 = arith.mulf %add3A_16, %mul3A_18 : vector<2x50176xf32>
    %sub3A_20 = arith.constant 1.000000e+00 : f32
    %sub3A_21 = vector.broadcast %sub3A_20 : f32 to vector<2x50176xf32>
    %sub3A_22 = arith.subf %mul3A_19, %sub3A_21 : vector<2x50176xf32>
    %mul3A_23 = arith.constant 5.000000e-01 : f32
    %mul3A_24 = vector.broadcast %mul3A_23 : f32 to vector<2x50176xf32>
    %mul3A_25 = arith.mulf %sub3A_22, %mul3A_24 : vector<2x50176xf32>
    %floor3A = math.floor %mul3A_13 : vector<2x50176xf32>
    %jit3A = arith.constant -2.000000e+00 : f32
    %jit3A_26 = arith.constant 2.240000e+02 : f32
    %max3A = vector.broadcast %jit3A : f32 to vector<2x50176xf32>
    %max3A_27 = arith.maximumf %max3A, %floor3A : vector<2x50176xf32>
    %min3A = vector.broadcast %jit3A_26 : f32 to vector<2x50176xf32>
    %min3A_28 = arith.minimumf %min3A, %max3A_27 : vector<2x50176xf32>
    %floor3A_29 = math.floor %mul3A_25 : vector<2x50176xf32>
    %jit3A_30 = arith.constant -2.000000e+00 : f32
    %jit3A_31 = arith.constant 2.240000e+02 : f32
    %max3A_32 = vector.broadcast %jit3A_30 : f32 to vector<2x50176xf32>
    %max3A_33 = arith.maximumf %max3A_32, %floor3A_29 : vector<2x50176xf32>
    %min3A_34 = vector.broadcast %jit3A_31 : f32 to vector<2x50176xf32>
    %min3A_35 = arith.minimumf %min3A_34, %max3A_33 : vector<2x50176xf32>
    %sub3A_36 = arith.subf %mul3A_13, %min3A_28 : vector<2x50176xf32>
    %sub3A_37 = arith.constant 1.000000e+00 : f32
    %sub3A_38 = vector.broadcast %sub3A_37 : f32 to vector<2x50176xf32>
    %sub3A_39 = arith.subf %sub3A_38, %sub3A_36 : vector<2x50176xf32>
    %sub3A_40 = arith.subf %mul3A_25, %min3A_35 : vector<2x50176xf32>
    %sub3A_41 = arith.constant 1.000000e+00 : f32
    %sub3A_42 = vector.broadcast %sub3A_41 : f32 to vector<2x50176xf32>
    %sub3A_43 = arith.subf %sub3A_42, %sub3A_40 : vector<2x50176xf32>
    %convert_element_type3A = arith.fptosi %min3A_28 : vector<2x50176xf32> to vector<2x50176xi32>
    %convert_element_type3A_44 = arith.fptosi %min3A_35 : vector<2x50176xf32> to vector<2x50176xi32>
    %ge3A = arith.constant 0 : i32
    %ge3A_45 = vector.broadcast %ge3A : i32 to vector<2x50176xi32>
    %ge3A_46 = arith.cmpi sge, %convert_element_type3A, %ge3A_45 : vector<2x50176xi32>
    %le3A = arith.constant 222 : i32
    %le3A_47 = vector.broadcast %le3A : i32 to vector<2x50176xi32>
    %le3A_48 = arith.cmpi sle, %convert_element_type3A, %le3A_47 : vector<2x50176xi32>
    %and3A = arith.andi %ge3A_46, %le3A_48 : vector<2x50176xi1>
    %convert_element_type3A_49 = arith.extui %and3A : vector<2x50176xi1> to vector<2x50176xi32>
    %convert_element_type3A_50 = arith.sitofp %convert_element_type3A_49 : vector<2x50176xi32> to vector<2x50176xf32>
    %ge3A_51 = arith.constant 0 : i32
    %ge3A_52 = vector.broadcast %ge3A_51 : i32 to vector<2x50176xi32>
    %ge3A_53 = arith.cmpi sge, %convert_element_type3A_44, %ge3A_52 : vector<2x50176xi32>
    %le3A_54 = arith.constant 222 : i32
    %le3A_55 = vector.broadcast %le3A_54 : i32 to vector<2x50176xi32>
    %le3A_56 = arith.cmpi sle, %convert_element_type3A_44, %le3A_55 : vector<2x50176xi32>
    %and3A_57 = arith.andi %ge3A_53, %le3A_56 : vector<2x50176xi1>
    %convert_element_type3A_58 = arith.extui %and3A_57 : vector<2x50176xi1> to vector<2x50176xi32>
    %convert_element_type3A_59 = arith.sitofp %convert_element_type3A_58 : vector<2x50176xi32> to vector<2x50176xf32>
    %mul3A_60 = arith.mulf %sub3A_39, %convert_element_type3A_50 : vector<2x50176xf32>
    %eq3A = arith.constant -1 : i32
    %eq3A_61 = vector.broadcast %eq3A : i32 to vector<2x50176xi32>
    %eq3A_62 = arith.cmpi eq, %convert_element_type3A, %eq3A_61 : vector<2x50176xi32>
    %convert_element_type3A_63 = arith.extui %eq3A_62 : vector<2x50176xi1> to vector<2x50176xi32>
    %convert_element_type3A_64 = arith.sitofp %convert_element_type3A_63 : vector<2x50176xi32> to vector<2x50176xf32>
    %mul3A_65 = arith.mulf %sub3A_36, %convert_element_type3A_64 : vector<2x50176xf32>
    %add3A_66 = arith.addf %mul3A_60, %mul3A_65 : vector<2x50176xf32>
    %mul3A_67 = arith.mulf %sub3A_36, %convert_element_type3A_50 : vector<2x50176xf32>
    %eq3A_68 = arith.constant 223 : i32
    %eq3A_69 = vector.broadcast %eq3A_68 : i32 to vector<2x50176xi32>
    %eq3A_70 = arith.cmpi eq, %convert_element_type3A, %eq3A_69 : vector<2x50176xi32>
    %convert_element_type3A_71 = arith.extui %eq3A_70 : vector<2x50176xi1> to vector<2x50176xi32>
    %convert_element_type3A_72 = arith.sitofp %convert_element_type3A_71 : vector<2x50176xi32> to vector<2x50176xf32>
    %mul3A_73 = arith.mulf %sub3A_39, %convert_element_type3A_72 : vector<2x50176xf32>
    %add3A_74 = arith.addf %mul3A_67, %mul3A_73 : vector<2x50176xf32>
    %mul3A_75 = arith.mulf %sub3A_43, %convert_element_type3A_59 : vector<2x50176xf32>
    %eq3A_76 = arith.constant -1 : i32
    %eq3A_77 = vector.broadcast %eq3A_76 : i32 to vector<2x50176xi32>
    %eq3A_78 = arith.cmpi eq, %convert_element_type3A_44, %eq3A_77 : vector<2x50176xi32>
    %convert_element_type3A_79 = arith.extui %eq3A_78 : vector<2x50176xi1> to vector<2x50176xi32>
    %convert_element_type3A_80 = arith.sitofp %convert_element_type3A_79 : vector<2x50176xi32> to vector<2x50176xf32>
    %mul3A_81 = arith.mulf %sub3A_40, %convert_element_type3A_80 : vector<2x50176xf32>
    %add3A_82 = arith.addf %mul3A_75, %mul3A_81 : vector<2x50176xf32>
    %mul3A_83 = arith.mulf %sub3A_40, %convert_element_type3A_59 : vector<2x50176xf32>
    %eq3A_84 = arith.constant 223 : i32
    %eq3A_85 = vector.broadcast %eq3A_84 : i32 to vector<2x50176xi32>
    %eq3A_86 = arith.cmpi eq, %convert_element_type3A_44, %eq3A_85 : vector<2x50176xi32>
    %convert_element_type3A_87 = arith.extui %eq3A_86 : vector<2x50176xi1> to vector<2x50176xi32>
    %convert_element_type3A_88 = arith.sitofp %convert_element_type3A_87 : vector<2x50176xi32> to vector<2x50176xf32>
    %mul3A_89 = arith.mulf %sub3A_43, %convert_element_type3A_88 : vector<2x50176xf32>
    %add3A_90 = arith.addf %mul3A_83, %mul3A_89 : vector<2x50176xf32>
    %jit3A_91 = arith.constant 0 : i32
    %jit3A_92 = arith.constant 222 : i32
    %max3A_93 = vector.broadcast %jit3A_91 : i32 to vector<2x50176xi32>
    %max3A_94 = arith.maxsi %max3A_93, %convert_element_type3A : vector<2x50176xi32>
    %min3A_95 = vector.broadcast %jit3A_92 : i32 to vector<2x50176xi32>
    %min3A_96 = arith.minsi %min3A_95, %max3A_94 : vector<2x50176xi32>
    %jit3A_97 = arith.constant 0 : i32
    %jit3A_98 = arith.constant 222 : i32
    %max3A_99 = vector.broadcast %jit3A_97 : i32 to vector<2x50176xi32>
    %max3A_100 = arith.maxsi %max3A_99, %convert_element_type3A_44 : vector<2x50176xi32>
    %min3A_101 = vector.broadcast %jit3A_98 : i32 to vector<2x50176xi32>
    %min3A_102 = arith.minsi %min3A_101, %max3A_100 : vector<2x50176xi32>
    %shift_left3A = arith.constant 8 : i32
    %shift_left3A_103 = vector.broadcast %shift_left3A : i32 to vector<2x50176xi32>
    %shift_left3A_104 = arith.shli %min3A_102, %shift_left3A_103 : vector<2x50176xi32>
    %or3A = arith.ori %shift_left3A_104, %min3A_96 : vector<2x50176xi32>
    %bitcast_convert_type3A = tpu.bitcast %or3A : vector<2x50176xi32> -> vector<2x50176xf32>
    %mul3A_105 = arith.mulf %add3A_82, %add3A_66 : vector<2x50176xf32>
    %mul3A_106 = arith.mulf %add3A_82, %add3A_74 : vector<2x50176xf32>
    %mul3A_107 = arith.mulf %add3A_90, %add3A_66 : vector<2x50176xf32>
    %mul3A_108 = arith.mulf %add3A_90, %add3A_74 : vector<2x50176xf32>
    %reshape3A = vector.shape_cast %bitcast_convert_type3A : vector<2x50176xf32> to vector<2x112x2x224xf32>
    %reshape3A_109 = vector.shape_cast %mul3A_105 : vector<2x50176xf32> to vector<2x112x2x224xf32>
    %reshape3A_110 = vector.shape_cast %mul3A_106 : vector<2x50176xf32> to vector<2x112x2x224xf32>
    %reshape3A_111 = vector.shape_cast %mul3A_107 : vector<2x50176xf32> to vector<2x112x2x224xf32>
    %reshape3A_112 = vector.shape_cast %mul3A_108 : vector<2x50176xf32> to vector<2x112x2x224xf32>
    %stack3A = vector.shape_cast %reshape3A : vector<2x112x2x224xf32> to vector<2x112x1x2x224xf32>
    %stack3A_113 = vector.shape_cast %reshape3A_109 : vector<2x112x2x224xf32> to vector<2x112x1x2x224xf32>
    %stack3A_114 = vector.shape_cast %reshape3A_110 : vector<2x112x2x224xf32> to vector<2x112x1x2x224xf32>
    %stack3A_115 = vector.shape_cast %reshape3A_111 : vector<2x112x2x224xf32> to vector<2x112x1x2x224xf32>
    %stack3A_116 = vector.shape_cast %reshape3A_112 : vector<2x112x2x224xf32> to vector<2x112x1x2x224xf32>
    %stack3A_117 = tpu.concatenate %stack3A, %stack3A_113, %stack3A_114, %stack3A_115, %stack3A_116 in 2 : vector<2x112x1x2x224xf32>, vector<2x112x1x2x224xf32>, vector<2x112x1x2x224xf32>, vector<2x112x1x2x224xf32>, vector<2x112x1x2x224xf32> -> vector<2x112x5x2x224xf32>
    %reshape3A_118 = vector.shape_cast %stack3A_117 : vector<2x112x5x2x224xf32> to vector<2x112x10x224xf32>
    %jit3A_119 = arith.constant 0 : i32
    %convert_element_type3A_120 = arith.sitofp %jit3A_119 : i32 to f32
    %pad3A = vector.broadcast %convert_element_type3A_120 : f32 to vector<2x112x6x224xf32>
    %pad3A_121 = tpu.concatenate %reshape3A_118, %pad3A in 2 : vector<2x112x10x224xf32>, vector<2x112x6x224xf32> -> vector<2x112x16x224xf32>
    %pad3A_122 = vector.broadcast %convert_element_type3A_120 : f32 to vector<2x112x16x32xf32>
    %pad3A_123 = tpu.concatenate %pad3A_121, %pad3A_122 in 3 : vector<2x112x16x224xf32>, vector<2x112x16x32xf32> -> vector<2x112x16x256xf32>
    %reshape3A_124 = vector.shape_cast %pad3A_123 : vector<2x112x16x256xf32> to vector<2x1792x256xf32>
    %swap3A = arith.constant 0 : index
    %swap3A_125 = arith.constant 0 : index
    %swap3A_126 = arith.constant 0 : index
    %swap3A_127 = vector.load %arg2[%swap3A, %swap3A_125, %swap3A_126] : memref<2x1792x256xf32, #tpu.memory_space<vmem>>, vector<2x1792x256xf32>
    tpu.vector_store %arg2[%swap3A, %swap3A_125, %swap3A_126], %reshape3A_124 {strides = array<i32>} : memref<2x1792x256xf32, #tpu.memory_space<vmem>>, vector<2x1792x256xf32>,
    return
  }
}

</mosaic_0001>

<sc_bundles>
// kernel: kernel.5.cloned.1.call-start
scs
__scs_entry_jumppad:
0x0: {  	(pc) =	sbr.rel $0x88, $3  }
0x1: {  	(tag) =	ssettag $0x0;
	lr =	simm.s32 $0x1  }
0x2: {  	[smem:$0x3F9F] =	sst lr;
	_ =	strace $0xD0000000  }
0x3: {  	_ = 	snop  }
0x4: {  	_ = 	snop  }
0x5: {  	_ = 	snop  }
0x6: {  	_ = 	snop  }
0x7: {  	_ = 	snop  }
__scs_overlays_trampoline_lowered:
0x8: {  	[smem:$0x3FAE] =	sst s0  }
0x9: {  	[smem:$0x3FAF] =	sst s1  }
0xa: {  	[smem:$0x3FB0] =	sst s2  }
0xb: {  	[smem:$0x3FB1] =	sst s3  }
0xc: {  	[smem:$0x3FB2] =	sst s4  }
0xd: {  	[smem:$0x3FB3] =	sst s5  }
0xe: {  	[smem:$0x3FB4] =	sst s6  }
0xf: {  	[smem:$0x3FB5] =	sst s7  }
0x10: {  	[smem:$0x3FB6] =	sst s8  }
0x11: {  	[smem:$0x3FB7] =	sst s9;
	s0 =	simm.s32 @!p0 $0x0  }
0x12: {  	s1 =	sld [smem:$0x3F9D];
	s0 =	simm.s32 @p0 $0x1  }
0x13: {  	[smem:$0x3FB8] =	sst s0;
	s0 =	simm.s32 @!p1 $0x0  }
0x14: {  	s2 =	sld [smem:$0x3F9C];
	s0 =	simm.s32 @p1 $0x1  }
0x15: {  	[smem:$0x3FB9] =	sst s0;
	s0 =	simm.s32 @!p2 $0x0  }
0x16: {  	s3 =	sld [smem:$0x3FDB];
	s0 =	simm.s32 @p2 $0x1  }
0x17: {  	s4 =	simm.s32 $0x1BF5;
	[smem:$0x3FBB] =	sst s0  }
0x18: {  	s0 =	sld [smem:$0x3F9E];
	_ =	swait.ge [sflag:s4], $0x0  }
0x19: {  	s7 =	sld [smem:$0x3F9F]  }
0x1a: {  	s8 =	sadd.s32 $0xFFFFE003, lr  }
0x1b: {  	s9 =	sadd.s32 $0xFFFFFEF7, lr;
	s5 =	simm.s32 $0xFFFFFFFF;
	p2 =	slt.u32 s8, $0xFFFFF086  }
0x1c: {  	p1 =	slt.u32 s9, $0xF7A;
	s5 =	simm.s32 @!p2 $0x0  }
0x1d: {  	s5 =	simm.s32 @p1 $0x1;
	p0 =	seq.s32 s7, s2  }
0x1e: {  	s7 =	smul.u32 @!p0 $0xF7A, s2;
	p2 =	seq.s32 @!p0 s5, $0x0  }
0x1f: {  	s9 =	smul.u32 $0xF7A, s1;
	s8 =	simm.s32 @!p0 $0x1BF5;
	p2 =	por !p2, p0  }
0x20: {  	[sflag:s8] =	ssyncset.s32 @!p0 $0xFFFFF086;
	s6 =	sadd.s32 @!p0 s3, s7;
	s7 =	simm.s32 @!p0 $0x108  }
0x21: {  	s3 =	sadd.s32 s3, s9;
	s6 =	sadd.s32 @!p0 $0x88, s6;
	s7 =	simm.s32 @p2 $0x1082  }
0x22: {  	[simem:s7], [sflag:s8] =	dma.local @!p0 [hbm:s6], $0xF7A  }
0x23: {  	s9 =	sor.u32 $0xD0000000, s2;
	s6 =	simm.s32 $0x108;
	_ =	swait.ge @!p0 [sflag:s8], $0x0  }
0x24: {  	s3 =	sadd.s32 $0x88, s3;
	s6 =	simm.s32 @!p1 $0x1082;
	[sflag:s4] =	ssyncset.s32 $0xFFFFF086  }
0x25: {  	[simem:s6], [sflag:s4] =	dma.local [hbm:s3], $0xF7A  }
0x26: {  	[smem:$0x3F9F] =	sst s1;
	(tag) =	ssettag s2;
	_ =	strace s9  }
0x27: {  	s1 =	sld [smem:$0x3FAF]  }
0x28: {  	s2 =	sld [smem:$0x3FB0]  }
0x29: {  	s4 =	sld [smem:$0x3FB2]  }
0x2a: {  	p0 =	seq.s32 s5, $0x0;
	s5 =	sld [smem:$0x3FB3]  }
0x2b: {  	s6 =	sld [smem:$0x3FB4]  }
0x2c: {  	s7 =	sld [smem:$0x3FB5]  }
0x2d: {  	s3 =	simm.s32 $0x108;
	s8 =	sld [smem:$0x3FB6]  }
0x2e: {  	s3 =	simm.s32 @!p0 $0x1082;
	s9 =	sld [smem:$0x3FB7]  }
0x2f: {  	lr =	sadd.s32 s0, s3;
	s0 =	sld [smem:$0x3FAE]  }
0x30: {  	s3 =	sld [smem:$0x3FB1]  }
0x31: {  	[smem:$0x3FBA] =	sst s10  }
0x32: {  	s10 =	sld [smem:$0x3FB8];
	_ =	sdelay $0x3  }
0x33: {  	p0 =	seq.s32 s10, $0x1;
	s10 =	sld [smem:$0x3FBA];
	_ =	sdelay $0x3  }
0x34: {  	[smem:$0x3FBA] =	sst s10  }
0x35: {  	s10 =	sld [smem:$0x3FB9];
	_ =	sdelay $0x3  }
0x36: {  	p1 =	seq.s32 s10, $0x1;
	s10 =	sld [smem:$0x3FBA];
	_ =	sdelay $0x3  }
0x37: {  	[smem:$0x3FBA] =	sst s10  }
0x38: {  	s10 =	sld [smem:$0x3FBB]  }
0x39: {  	_ = 	snop;
	(pc) =	sbr.ind lr, $3  }
0x3a: {  	_ = 	snop  }
0x3b: {  	_ = 	snop  }
0x3c: {  	p2 =	seq.s32 s10, $0x1;
	s10 =	sld [smem:$0x3FBA]  }
0x3d: {  	_ =	shalt  }
0x3e: {  	_ =	shalt  }
0x3f: {  	_ =	shalt  }
0x40: {  	_ =	shalt  }
0x41: {  	_ =	shalt  }
0x42: {  	_ =	shalt  }
0x43: {  	_ =	shalt  }
0x44: {  	_ =	shalt  }
0x45: {  	_ =	shalt  }
0x46: {  	_ =	shalt  }
0x47: {  	_ =	shalt  }
0x48: {  	_ =	shalt  }
0x49: {  	_ =	shalt  }
0x4a: {  	_ =	shalt  }
0x4b: {  	_ =	shalt  }
0x4c: {  	_ =	shalt  }
0x4d: {  	_ =	shalt  }
0x4e: {  	_ =	shalt  }
0x4f: {  	_ =	shalt  }
0x50: {  	_ =	shalt  }
0x51: {  	_ =	shalt  }
0x52: {  	_ =	shalt  }
0x53: {  	_ =	shalt  }
0x54: {  	_ =	shalt  }
0x55: {  	_ =	shalt  }
0x56: {  	_ =	shalt  }
0x57: {  	_ =	shalt  }
0x58: {  	_ =	shalt  }
0x59: {  	_ =	shalt  }
0x5a: {  	_ =	shalt  }
0x5b: {  	_ =	shalt  }
0x5c: {  	_ =	shalt  }
0x5d: {  	_ =	shalt  }
0x5e: {  	_ =	shalt  }
0x5f: {  	_ =	shalt  }
0x60: {  	_ =	shalt  }
0x61: {  	_ =	shalt  }
0x62: {  	_ =	shalt  }
0x63: {  	_ =	shalt  }
0x64: {  	_ =	shalt  }
0x65: {  	_ =	shalt  }
0x66: {  	_ =	shalt  }
0x67: {  	_ =	shalt  }
0x68: {  	_ =	shalt  }
0x69: {  	_ =	shalt  }
0x6a: {  	_ =	shalt  }
0x6b: {  	_ =	shalt  }
0x6c: {  	_ =	shalt  }
0x6d: {  	_ =	shalt  }
0x6e: {  	_ =	shalt  }
0x6f: {  	_ =	shalt  }
0x70: {  	_ =	shalt  }
0x71: {  	_ =	shalt  }
0x72: {  	_ =	shalt  }
0x73: {  	_ =	shalt  }
0x74: {  	_ =	shalt  }
0x75: {  	_ =	shalt  }
0x76: {  	_ =	shalt  }
0x77: {  	_ =	shalt  }
0x78: {  	_ =	shalt  }
0x79: {  	_ =	shalt  }
0x7a: {  	_ =	shalt  }
0x7b: {  	_ =	shalt  }
0x7c: {  	_ =	shalt  }
0x7d: {  	_ =	shalt  }
0x7e: {  	_ =	shalt  }
0x7f: {  	_ =	shalt  }
0x80: {  	_ =	shalt  }
0x81: {  	_ =	shalt  }
0x82: {  	_ =	shalt  }
0x83: {  	_ =	shalt  }
0x84: {  	_ =	shalt  }
0x85: {  	_ =	shalt  }
0x86: {  	_ =	shalt  }
0x87: {  	_ =	shalt  }
.Lfunc_end0:
.L_simem_size_0:
called_computation_lowered:
.L_overlay_start_0:
0x88: {  	s2 =	sld [smem:$0x3FD9]  }
0x89: {  	s3 =	sld [smem:$0x3FFE];
	_ =	sdelay $0x1  }
0x8a: {  	s1 =	srdreg.scid  }
0x8b: {  	s0 =	sand.u32 $0x1, s1  }
0x8c: {  	s17 =	sshll.u32 s0, $0xA;
	s2 =	sadd.s32 s3, s2  }
0x8d: {  	s2 =	sadd.s32 s2, s17  }
0x8e: {  	[smem:$0x3FC6] =	sst s2  }
0x8f: {  	_ = 	snop  }
0x90: {  	s2 =	sld [smem:$0x3FD0];
	(tm) =	ssettm $0x1  }
0x91: {  	s18 =	sld [smem:$0x3FFB];
	_ =	sdelay $0x3  }
0x92: {  	_ =	strace s18  }
0x93: {  	s3 =	sld [smem:$0x3FFC];
	_ =	sdelay $0x3  }
0x94: {  	_ =	strace s3  }
0x95: {  	s3 =	sld [smem:$0x3FFD];
	_ =	sdelay $0x3  }
0x96: {  	_ =	strace s3  }
0x97: {  	_ =	strace $0x8FFFFFFF  }
0x98: {  	s19 =	sld [smem:$0x3FDB];
	_ =	sdelay $0x1  }
0x99: {  	s4 =	simm.s32 $_scs_section_size  }
0x9a: {  	s5 =	simm.s32 $_size__tile_overlayer_lowered;
	s6 =	simm.s32 $_tile_overlayer_lowered  }
0x9b: {  	s22 =	simm.s32 $0x1BFF;
	s21 =	sshll.u32 s6, $0x1;
	s3 =	sadd.s32 s4, s19  }
0x9c: {  	s7 =	simm.s32 $0x0;
	s20 =	sshll.u32 s5, $0x1;
	s5 =	sadd.s32 s21, s3  }
0x9d: {  	[timem:s7], [sflag:s22] =	dma.local [hbm:s5], s20  }
0x9e: {  	_ =	swait.ge [sflag:s22], s20  }
0x9f: {  	s4 =	ssub.s32 $0x0, s20;
	[sflag:s22] =	ssyncset.done $0x0  }
0xa0: {  	[sflag:s22] =	ssyncadd.s32 s4;
	_ =	sdelay $0x1  }
0xa1: {  	s23 =	simm.s32 $0x1B8B  }
0xa2: {  	_ =	swait.ge [sflag:s23], $0x1  }
0xa3: {  	[sflag:s23] =	ssyncset.done $0x0  }
0xa4: {  	s25 =	simm.s32 $0x1B8E;
	s24 =	sld [smem:$0x3FFE];
	[sflag:s23] =	ssyncadd.s32 $0xFFFFFFFF  }
0xa5: {  	s26 =	simm.s32 $execute0_lowered;
	[smem:$0x3FD2] =	sst s25  }
0xa6: {  	s5 =	sshll.u32 s26, $0x1;
	_ =	strace $0x80000046;
	[dreg:$0x1] =	wrdreg $0xFFFFFFFF  }
0xa7: {  	s28 =	simm.s32 $_size_execute0_lowered;
	s3 =	sadd.s32 s3, s5;
	[dreg:$0x0] =	wrdreg $0x0  }
0xa8: {  	s5 =	sshll.u32 s28, $0x1;
	[dreg:$0x2] =	wrdreg s3  }
0xa9: {  	[dreg:$0x3] =	wrdreg s5  }
0xaa: {  	[dreg:$0x4] =	wrdreg $0xC0  }
0xab: {  	_ =	task [dreg:s7], $0x5FFFF  }
0xac: {  	[dreg:$0x1] =	wrdreg $0xFFFFFFFF  }
0xad: {  	[dreg:$0x0] =	wrdreg $0x60  }
0xae: {  	[dreg:$0x2] =	wrdreg s2  }
0xaf: {  	[dreg:$0x3] =	wrdreg s24  }
0xb0: {  	[dreg:$0x4] =	wrdreg $0x9  }
0xb1: {  	_ =	task.clear_ibuf [dreg:s7], $0x5FFFF;
	_ =	strace $0x90000046  }
0xb2: {  	s29 =	simm.s32 $0x9;
	_ =	strace $0x80000048  }
0xb3: {  	_ =	swait.ge [sflag:s29], $0x1  }
0xb4: {  	[sflag:s29] =	ssyncadd.s32 $0xFFFFFFFF  }
0xb5: {  	_ =	strace $0x90000048  }
0xb6: {  	_ =	sfence  }
0xb7: {  	s30 =	sld [smem:$0x0];
	_ =	sdelay $0x2  }
0xb8: {  	s31 =	sshll.u32 s1, $0xD;
	s1 =	sshrl.u32 s1, $0x2  }
0xb9: {  	s3 =	sand.u32 $0x4000, s31;
	s1 =	sadd.s32 s1, s30  }
0xba: {  	s0 =	sor.u32 s3, s0;
	s1 =	sshll.u32 s1, $0x11  }
0xbb: {  	s0 =	sor.u32 s1, s0  }
0xbc: {  	s0 =	sadd.s32 $0x8F2B, s0  }
0xbd: {  	[sflag:s0] =	ssyncadd.remote.s32 $0x1  }
0xbe: {  	_ =	sfence.sel $0xFFFF  }
0xbf: {  	[dreg:$0x0] =	wrdreg $0xFFFFFFFF;
	(pc) =	sbr.abs _section_cstart, $3  }
0xc0: {  	[dreg:$0x1] =	wrdreg $0xFFFFFFFF  }
0xc1: {  	_ =	task.clear_ibuf [dreg:s7], $0x2FFFF;
	_ =	strace $0x9FFFFFFF  }
0xc2: {  	(tm) =	ssettm $0x7FFFFFFF  }
0xc3: {  	_ =	shalt  }
tec
execute0_lowered:
.L_overlay_start_1:
0x0: {  	(tag) =	ssettag $0x1  }
0x1: {  	s0 =	srdreg.scid  }
0x2: {  	s4 =	stileid.u32;
	s1 =	rddreg [dreg:$0x1];
	s3 =	simm.s32 $0x0  }
0x3: {  	s0 =	sand.u32 $0x1, s0;
	s2 =	sshll.u32 s4, $0x1;
	s23 =	sshrl.u32 s4, $0x3  }
0x4: {  	[smem:$0x7FF] =	sst s3;
	s25 =	sadd.s32 $0x200, s1;
	s4 =	smul.u32 $0x70000, s23  }
0x5: {  	s1 =	sadd.s32 $0x1C200, s1;
	s2 =	sor.u32 s0, s2;
	s30 =	smul.u32 $0x1500000, s23  }
0x6: {  	_ =	strace $0x80000047;
	[dreg:$0x4] =	wrdreg s1;
	s5 =	smul.u32 $0xC, s2  }
0x7: {  	s0 =	ssub.s32 $0x2, s0;
	[dreg:$0x9] =	wrdreg s30  }
0x8: {  	s7 =	smul.u32 $0xFFFFFF40, s23;
	s29 =	sor.u32 $0x2000, s4;
	[dreg:$0x3] =	wrdreg s5  }
0x9: {  	s24 =	sshrl.u32 s0, $0x1;
	s31 =	sor.u32 $0x3000, s4;
	[dreg:$0x8] =	wrdreg s29  }
0xa: {  	s8 =	sshrl.u32 s4, $0x3;
	s26 =	sadd.s32 s7, s5;
	[dreg:$0xa] =	wrdreg s31  }
0xb: {  	s0 =	ssub.s32 s0, s24;
	s28 =	sadd.s32 s25, s8;
	[dreg:$0x5] =	wrdreg s26  }
0xc: {  	s14 =	simm.s32 $0xE000;
	s0 =	smax.u32 s0, $0x1;
	[dreg:$0x6] =	wrdreg s28  }
0xd: {  	s19 =	simm.s32 $0x100;
	s1 =	sadd.s32 $0x200, s28;
	[dreg:$0xb] =	wrdreg s0  }
0xe: {  	s20 =	simm.s32 $0x400;
	[dreg:$0x7] =	wrdreg s1;
	s1 =	simm.s32 $0x0  }
.LBB2_1:
0xf: {  	[dreg:$0xc] =	wrdreg s1;
	s1 =	simm.s32 $0x0  }
.LBB2_2:
0x10: {  	s22 =	sshll.u32 s1, $0x1;
	s0 =	rddreg [dreg:$0x3]  }
0x11: {  	s2 =	sadd.s32 s0, s22  }
0x12: {  	s0 =	smul.u32 $0x1C00, s2  }
0x13: {  	s2 =	smul.u32 $0xE000, s2  }
0x14: {  	s5 =	rddreg [dreg:$0x0]  }
0x15: {  	s4 =	sadd.s32 s5, s0;
	s0 =	simm.s32 $0x0;
	s2 =	sshrl.u32 s2, $0x3  }
0x16: {  	[tilespmem:s0], [sflag:$0x1] =	stream.linear.gather [hbm4b:s4+s0], $0xE000, $0x38;
	[tilespmem:$0x1F000] =	vst v63  }
0x17: {  	s2 =	sadd.s32 s5, s2  }
0x18: {  	[dreg:$0xd] =	wrdreg s1;
	s2 =	sadd.s32 $0x1C00, s2  }
0x19: {  	[tilespmem:s14], [sflag:$0x1] =	stream.linear.gather [hbm4b:s2+s0], $0xE000, $0x38;
	[tilespmem:$0x1F000] =	vst v63  }
0x1a: {  	s23 =	rddreg [dreg:$0x6];
	s24 =	simm.s32 $0x1C000  }
0x1b: {  	[tilespmem:s24], [sflag:$0x2] =	stream.linear.gather [hbm4b:s23+s0], $0x1000, $0x38;
	[tilespmem:$0x1F000] =	vst v63  }
0x1c: {  	s26 =	rddreg [dreg:$0x7];
	s28 =	simm.s32 $0x1D000;
	s29 =	simm.s32 $0x1  }
0x1d: {  	[tilespmem:s28], [sflag:$0x3] =	stream.linear.gather [hbm4b:s26+s0], $0x1000, $0x38;
	[tilespmem:$0x1F000] =	vst v63  }
0x1e: {  	_ =	swait.ge [sflag:s29], $0xE000  }
0x1f: {  	[sflag:s29] =	ssyncset.done $0x0;
	s30 =	rddreg [dreg:$0x5]  }
0x20: {  	s1 =	sadd.s32 s22, s30;
	[sflag:s29] =	ssyncadd.s32 $0xFFFF2000  }
0x21: {  	_ =	swait.ge [sflag:s29], $0xE000;
	s1 =	smul.u32 $0x1C000, s1  }
0x22: {  	s31 =	rddreg [dreg:$0x9]  }
0x23: {  	[sflag:s29] =	ssyncset.done $0x0;
	s1 =	sadd.s32 s31, s1  }
0x24: {  	[sflag:s29] =	ssyncadd.s32 $0xFFFF2000;
	[dreg:$0xe] =	wrdreg s1  }
.LBB2_3:
0x25: {  	s1 =	simm.s32 $0x2  }
0x26: {  	_ =	swait.ge [sflag:s1], $0x1000  }
0x27: {  	p1 =	seq.s32 s0, $0x0;
	s21 =	simm.s32 $0x0;
	[sflag:s1] =	ssyncset.done $0x0  }
0x28: {  	s4 =	simm.s32 $0x0;
	s2 =	simm.s32 @!p1 $0x4;
	[sflag:s1] =	ssyncadd.s32 $0xFFFFF000  }
0x29: {  	s16 =	sand.u32 $0x60, s21;
	s22 =	sand.u32 $0x3FFFFC00, s4;
	_ =	swait.ge @!p1 [sflag:s2], $0x800  }
0x2a: {  	s7 =	sadd.s32 $0x1C000, s22;
	s13 =	sor.u32 $0x10, s16;
	[sflag:s2] =	ssyncset.done @!p1 $0x0  }
0x2b: {  	s6 =	sor.u32 s13, s7;
	[sflag:s2] =	ssyncadd.s32 @!p1 $0xFFFFF800  }
0x2c: {  	v0 =	vld [tilespmem:s6+$0x0];
	_ =	sdelay $0x4  }
0x2d: {  	v1 =	vadd.s32 $0x1, v0  }
0x2e: {  	s2 =	sor.u32 s16, s7  }
0x2f: {  	v2 =	vld [tilespmem:s2+$0x0];
	v3 =	vadd.s32 $0x100, v0  }
0x30: {  	v4 =	vld [tilespmem:s6+$0x100]  }
0x31: {  	v5 =	vadd.s32 $0x101, v0;
	v6 =	vld.idx.msk [tilespmem:v0+s3+$0x0], $0xffff  }
0x32: {  	v7 =	vld.idx.msk [tilespmem:v1+s3+$0x0], $0xffff  }
0x33: {  	v8 =	vld [tilespmem:s6+$0x200]  }
0x34: {  	v9 =	vld.idx.msk [tilespmem:v3+s3+$0x0], $0xffff  }
0x35: {  	s8 =	sadd.s32 $0x1C800, s22;
	v10 =	vld [tilespmem:s6+$0x300]  }
0x36: {  	s11 =	sor.u32 s13, s8;
	v11 =	vadd.s32 $0x1, v2;
	v12 =	vadd.s32 $0x101, v2;
	v13 =	vadd.s32 $0x100, v2;
	v14 =	vld.idx.msk [tilespmem:v5+s3+$0x0], $0xffff  }
0x37: {  	v15 =	vld [tilespmem:s11+$0x0];
	v16 =	vand.u32 $0xFFFF0000, v6;
	v6 =	vshll.u32 v6, $0x10;
	v17 =	vand.u32 $0xFFFF0000, v7  }
0x38: {  	v16 =	vmul.f32 v16, v4;
	v7 =	vshll.u32 v7, $0x10;
	v17 =	vmul.f32 v17, v8  }
0x39: {  	v6 =	vmul.f32 v6, v4;
	v18 =	vand.u32 $0xFFFF0000, v9;
	v7 =	vmul.f32 v7, v8  }
0x3a: {  	v9 =	vshll.u32 v9, $0x10;
	v16 =	vadd.f32 v17, v16;
	v17 =	vmul.f32 v18, v10  }
0x3b: {  	v19 =	vand.u32 $0xFFFF0000, v14;
	v18 =	vld [tilespmem:s2+$0x100];
	v6 =	vadd.f32 v7, v6;
	v7 =	vmul.f32 v9, v10  }
0x3c: {  	s12 =	simm.s32 $0x0;
	v14 =	vshll.u32 v14, $0x10;
	v19 =	vmul.f32 v19, v15;
	v9 =	vld [tilespmem:s2+$0x200];
	v16 =	vadd.f32 v17, v16  }
0x3d: {  	s17 =	sand.u32 $0x3FFFFF00, s12;
	v17 =	vld.idx.msk [tilespmem:v11+s3+$0x0], $0xffff;
	v6 =	vadd.f32 v7, v6;
	v7 =	vmul.f32 v14, v15  }
0x3e: {  	s9 =	sadd.s32 $0x1E000, s17;
	v14 =	vld.idx.msk [tilespmem:v2+s3+$0x0], $0xffff;
	v16 =	vadd.f32 v19, v16  }
0x3f: {  	s15 =	sor.u32 s13, s9;
	s11 =	sadd.s32 $0x1E200, s17;
	v19 =	vld.idx.msk [tilespmem:v13+s3+$0x0], $0xffff;
	v6 =	vadd.f32 v7, v6  }
0x40: {  	s10 =	sor.u32 s13, s11;
	v7 =	vld [tilespmem:s2+$0x300];
	[tilespmem:s15+$0x0] =	vst v16  }
0x41: {  	v16 =	vld.idx.msk [tilespmem:v12+s3+$0x0], $0xffff;
	[tilespmem:s10+$0x0] =	vst v6  }
0x42: {  	v6 =	vand.u32 $0xFFFF0000, v17;
	v0 =	vld.idx.msk [tilespmem:v0+s14+$0x0], $0xffff  }
0x43: {  	v17 =	vshll.u32 v17, $0x10;
	v20 =	vand.u32 $0xFFFF0000, v14;
	v1 =	vld.idx.msk [tilespmem:v1+s14+$0x0], $0xffff;
	v6 =	vmul.f32 v6, v9  }
0x44: {  	v14 =	vshll.u32 v14, $0x10;
	v17 =	vmul.f32 v17, v9;
	v20 =	vmul.f32 v20, v18  }
0x45: {  	v14 =	vmul.f32 v14, v18;
	v3 =	vld.idx.msk [tilespmem:v3+s14+$0x0], $0xffff;
	v21 =	vand.u32 $0xFFFF0000, v19;
	v19 =	vshll.u32 v19, $0x10  }
0x46: {  	v21 =	vmul.f32 v21, v7;
	v19 =	vmul.f32 v19, v7  }
0x47: {  	v5 =	vld.idx.msk [tilespmem:v5+s14+$0x0], $0xffff;
	v6 =	vadd.f32 v6, v20;
	v14 =	vadd.f32 v17, v14;
	v22 =	vand.u32 $0xFFFF0000, v16  }
0x48: {  	v17 =	vand.u32 $0xFFFF0000, v0;
	v20 =	vand.u32 $0xFFFF0000, v1;
	v0 =	vshll.u32 v0, $0x10  }
0x49: {  	s8 =	sor.u32 s16, s8;
	v1 =	vshll.u32 v1, $0x10;
	v17 =	vmul.f32 v17, v4;
	v20 =	vmul.f32 v20, v8  }
0x4a: {  	v23 =	vld [tilespmem:s8+$0x0];
	v24 =	vand.u32 $0xFFFF0000, v3;
	v0 =	vmul.f32 v0, v4;
	v1 =	vmul.f32 v1, v8  }
0x4b: {  	v3 =	vshll.u32 v3, $0x10;
	v8 =	vmul.f32 v24, v10;
	v4 =	vadd.f32 v20, v17  }
0x4c: {  	v17 =	vand.u32 $0xFFFF0000, v5;
	v0 =	vadd.f32 v1, v0;
	v1 =	vmul.f32 v3, v10  }
0x4d: {  	v5 =	vshll.u32 v5, $0x10;
	v3 =	vadd.f32 v8, v4;
	v4 =	vmul.f32 v17, v15  }
0x4e: {  	v6 =	vadd.f32 v21, v6;
	v0 =	vadd.f32 v1, v0;
	v1 =	vmul.f32 v5, v15  }
0x4f: {  	s18 =	sadd.s32 $0x1E400, s17;
	v8 =	vshll.u32 v16, $0x10;
	v5 =	vmul.f32 v22, v23;
	v3 =	vadd.f32 v4, v3  }
0x50: {  	s12 =	sor.u32 s13, s18;
	s8 =	sadd.s32 $0x1E600, s17;
	v4 =	vmul.f32 v8, v23;
	v8 =	vadd.f32 v19, v14;
	v0 =	vadd.f32 v1, v0  }
0x51: {  	s26 =	sor.u32 s13, s8;
	v1 =	vadd.f32 v5, v6;
	[tilespmem:s12+$0x0] =	vst v3  }
0x52: {  	s24 =	sor.u32 s16, s9;
	v3 =	vadd.f32 v4, v8;
	[tilespmem:s26+$0x0] =	vst v0  }
0x53: {  	s29 =	sor.u32 s16, s11;
	[tilespmem:s24+$0x0] =	vst v1;
	v4 =	vld [tilespmem:s6+$0x80]  }
0x54: {  	[tilespmem:s29+$0x0] =	vst v3  }
0x55: {  	s30 =	simm.s32 $0x20;
	s5 =	simm.s32 $0x100;
	v0 =	vld.idx.msk [tilespmem:v2+s14+$0x0], $0xffff  }
0x56: {  	s21 =	sand.u32 $0x60, s30;
	s9 =	sand.u32 $0x3FFFFC00, s5;
	v2 =	vld.idx.msk [tilespmem:v11+s14+$0x0], $0xffff  }
0x57: {  	s23 =	sor.u32 $0x10, s21;
	s11 =	sadd.s32 $0x1C000, s9;
	v3 =	vld.idx.msk [tilespmem:v13+s14+$0x0], $0xffff  }
0x58: {  	s29 =	sor.u32 s23, s11;
	v6 =	vld.idx.msk [tilespmem:v12+s14+$0x0], $0xffff;
	v5 =	vadd.s32 $0x1, v4  }
0x59: {  	v1 =	vld [tilespmem:s29+$0x0]  }
0x5a: {  	v11 =	vadd.s32 $0x100, v4;
	v8 =	vand.u32 $0xFFFF0000, v0;
	v10 =	vshll.u32 v0, $0x10  }
0x5b: {  	v16 =	vld [tilespmem:s6+$0x180];
	v12 =	vand.u32 $0xFFFF0000, v2;
	v2 =	vshll.u32 v2, $0x10;
	v0 =	vadd.s32 $0x101, v4  }
0x5c: {  	v14 =	vand.u32 $0xFFFF0000, v3;
	v3 =	vshll.u32 v3, $0x10;
	v8 =	vmul.f32 v8, v18;
	v13 =	vld.idx.msk [tilespmem:v4+s3+$0x0], $0xffff  }
0x5d: {  	v20 =	vshll.u32 v6, $0x10;
	v12 =	vmul.f32 v12, v9;
	v10 =	vmul.f32 v10, v18;
	v15 =	vld.idx.msk [tilespmem:v5+s3+$0x0], $0xffff  }
0x5e: {  	v22 =	vadd.s32 $0x1, v1;
	v17 =	vmul.f32 v14, v7;
	v2 =	vmul.f32 v2, v9;
	v18 =	vld [tilespmem:s6+$0x280]  }
0x5f: {  	v9 =	vand.u32 $0xFFFF0000, v6;
	v7 =	vmul.f32 v3, v7;
	v8 =	vadd.f32 v12, v8;
	v12 =	vld.idx.msk [tilespmem:v11+s3+$0x0], $0xffff  }
0x60: {  	s30 =	sadd.s32 $0x1C880, s22;
	v6 =	vld [tilespmem:s6+$0x380];
	v14 =	vadd.s32 $0x100, v1;
	v19 =	vmul.f32 v9, v23;
	v9 =	vadd.s32 $0x101, v1  }
0x61: {  	s1 =	sor.u32 s13, s30;
	v20 =	vmul.f32 v20, v23;
	v10 =	vadd.f32 v2, v10;
	v21 =	vld.idx.msk [tilespmem:v0+s3+$0x0], $0xffff;
	v8 =	vadd.f32 v17, v8  }
0x62: {  	v2 =	vld [tilespmem:s1+$0x0];
	v3 =	vand.u32 $0xFFFF0000, v13;
	v13 =	vshll.u32 v13, $0x10;
	v24 =	vand.u32 $0xFFFF0000, v15  }
0x63: {  	v25 =	vmul.f32 v3, v16;
	v15 =	vshll.u32 v15, $0x10;
	v24 =	vmul.f32 v24, v18  }
0x64: {  	v17 =	vld.idx.msk [tilespmem:v22+s3+$0x0], $0xffff;
	v27 =	vmul.f32 v13, v16;
	v26 =	vand.u32 $0xFFFF0000, v12;
	v28 =	vmul.f32 v15, v18  }
0x65: {  	s22 =	sor.u32 s21, s11;
	v23 =	vld.idx.msk [tilespmem:v9+s3+$0x0], $0xffff;
	v12 =	vshll.u32 v12, $0x10;
	v24 =	vadd.f32 v24, v25;
	v25 =	vmul.f32 v26, v6  }
0x66: {  	v3 =	vld [tilespmem:s22+$0x0];
	v12 =	vmul.f32 v12, v6;
	v26 =	vand.u32 $0xFFFF0000, v21;
	v27 =	vadd.f32 v28, v27  }
0x67: {  	v15 =	vld [tilespmem:s29+$0x200];
	v21 =	vshll.u32 v21, $0x10;
	v24 =	vadd.f32 v25, v24;
	v25 =	vmul.f32 v26, v2  }
0x68: {  	s6 =	sadd.s32 $0x1C800, s9;
	v28 =	vld.idx.msk [tilespmem:v1+s3+$0x0], $0xffff;
	v21 =	vmul.f32 v21, v2;
	v12 =	vadd.f32 v12, v27  }
0x69: {  	s11 =	sor.u32 s23, s6;
	v7 =	vadd.f32 v7, v10;
	v13 =	vld [tilespmem:s29+$0x100];
	v10 =	vadd.f32 v25, v24  }
0x6a: {  	s26 =	sadd.s32 $0x1E280, s17;
	v26 =	vld [tilespmem:s11+$0x0];
	v21 =	vadd.f32 v21, v12  }
0x6b: {  	s12 =	sor.u32 s13, s26;
	v19 =	vadd.f32 v19, v8;
	v24 =	vld.idx.msk [tilespmem:v14+s3+$0x0], $0xffff;
	[tilespmem:s15+$0x80] =	vst v10  }
0x6c: {  	v20 =	vadd.f32 v20, v7;
	v8 =	vand.u32 $0xFFFF0000, v17;
	v17 =	vshll.u32 v17, $0x10;
	v25 =	vld [tilespmem:s29+$0x300];
	[tilespmem:s12+$0x0] =	vst v21  }
0x6d: {  	v29 =	vand.u32 $0xFFFF0000, v23;
	v17 =	vmul.f32 v17, v15;
	v27 =	vshll.u32 v28, $0x10;
	v21 =	vld.idx.msk [tilespmem:v4+s14+$0x0], $0xffff  }
0x6e: {  	v12 =	vadd.s32 $0x1, v3;
	v27 =	vmul.f32 v27, v13;
	v4 =	vand.u32 $0xFFFF0000, v28;
	v5 =	vld.idx.msk [tilespmem:v5+s14+$0x0], $0xffff  }
0x6f: {  	v8 =	vmul.f32 v8, v15;
	v10 =	vadd.s32 $0x100, v3;
	v31 =	vld.idx.msk [tilespmem:v11+s14+$0x0], $0xffff;
	v28 =	vmul.f32 v4, v13  }
0x70: {  	v7 =	vadd.s32 $0x101, v3;
	v17 =	vadd.f32 v17, v27;
	v27 =	vld.idx.msk [tilespmem:v3+s3+$0x0], $0xffff;
	v30 =	vand.u32 $0xFFFF0000, v24  }
0x71: {  	v4 =	vld [tilespmem:s22+$0x100];
	v24 =	vshll.u32 v24, $0x10;
	v11 =	vadd.f32 v8, v28;
	v28 =	vmul.f32 v30, v25  }
0x72: {  	v23 =	vshll.u32 v23, $0x10;
	v29 =	vmul.f32 v29, v26;
	v24 =	vmul.f32 v24, v25;
	v8 =	vld [tilespmem:s22+$0x200]  }
0x73: {  	v30 =	vld.idx.msk [tilespmem:v12+s3+$0x0], $0xffff;
	v28 =	vadd.f32 v28, v11;
	v11 =	vand.u32 $0xFFFF0000, v21;
	v32 =	vand.u32 $0xFFFF0000, v5  }
0x74: {  	v33 =	vld.idx.msk [tilespmem:v10+s3+$0x0], $0xffff;
	v21 =	vshll.u32 v21, $0x10;
	v5 =	vshll.u32 v5, $0x10;
	v34 =	vmul.f32 v11, v16  }
0x75: {  	s15 =	simm.s32 $0x40;
	v35 =	vand.u32 $0xFFFF0000, v31;
	v32 =	vmul.f32 v32, v18;
	v11 =	vld [tilespmem:s22+$0x300];
	v16 =	vmul.f32 v21, v16  }
0x76: {  	s18 =	sor.u32 s16, s18;
	s28 =	sand.u32 $0x3FFFFF00, s15;
	v18 =	vmul.f32 v5, v18;
	v21 =	vld.idx.msk [tilespmem:v7+s3+$0x0], $0xffff;
	v5 =	vadd.f32 v24, v17;
	v17 =	vmul.f32 v23, v26  }
0x77: {  	s5 =	sor.u32 s16, s8;
	s1 =	sor.u32 s21, s6;
	[tilespmem:s18+$0x0] =	vst v19;
	s6 =	sadd.s32 $0x1E000, s28;
	v19 =	vmul.f32 v35, v6;
	v23 =	vadd.f32 v29, v28;
	v29 =	vand.u32 $0xFFFF0000, v27  }
0x78: {  	[tilespmem:s5+$0x0] =	vst v20;
	s8 =	sadd.s32 $0x1E200, s28;
	s31 =	sor.u32 s23, s6;
	v28 =	vld [tilespmem:s1+$0x0];
	v24 =	vand.u32 $0xFFFF0000, v30;
	v20 =	vshll.u32 v30, $0x10;
	v17 =	vadd.f32 v17, v5  }
0x79: {  	s10 =	sor.u32 s23, s8;
	v29 =	vmul.f32 v29, v4;
	[tilespmem:s31+$0x0] =	vst v23;
	v23 =	vshll.u32 v27, $0x10;
	v24 =	vmul.f32 v24, v8  }
0x7a: {  	v5 =	vld [tilespmem:s2+$0x80];
	v20 =	vmul.f32 v20, v8;
	v27 =	vand.u32 $0xFFFF0000, v33;
	v23 =	vmul.f32 v23, v4;
	[tilespmem:s10+$0x0] =	vst v17  }
0x7b: {  	v17 =	vshll.u32 v33, $0x10;
	v27 =	vmul.f32 v27, v11;
	v30 =	vand.u32 $0xFFFF0000, v21;
	v1 =	vld.idx.msk [tilespmem:v1+s14+$0x0], $0xffff  }
0x7c: {  	v17 =	vmul.f32 v17, v11;
	v24 =	vadd.f32 v24, v29;
	v22 =	vld.idx.msk [tilespmem:v22+s14+$0x0], $0xffff;
	v20 =	vadd.f32 v20, v23  }
0x7d: {  	v21 =	vshll.u32 v21, $0x10;
	v23 =	vshll.u32 v31, $0x10;
	v29 =	vmul.f32 v30, v28  }
0x7e: {  	v14 =	vld.idx.msk [tilespmem:v14+s14+$0x0], $0xffff;
	v21 =	vmul.f32 v21, v28;
	v24 =	vadd.f32 v27, v24;
	v17 =	vadd.f32 v17, v20  }
0x7f: {  	v32 =	vadd.f32 v32, v34;
	v16 =	vadd.f32 v18, v16;
	v18 =	vmul.f32 v23, v6  }
0x80: {  	v9 =	vld.idx.msk [tilespmem:v9+s14+$0x0], $0xffff;
	v6 =	vadd.s32 $0x1, v5;
	v20 =	vadd.f32 v29, v24;
	v17 =	vadd.f32 v21, v17  }
0x81: {  	v21 =	vand.u32 $0xFFFF0000, v1;
	v23 =	vand.u32 $0xFFFF0000, v22;
	v1 =	vshll.u32 v1, $0x10  }
0x82: {  	v24 =	vld.idx.msk [tilespmem:v0+s14+$0x0], $0xffff;
	v22 =	vshll.u32 v22, $0x10;
	v0 =	vmul.f32 v21, v13;
	v21 =	vmul.f32 v23, v15  }
0x83: {  	v23 =	vand.u32 $0xFFFF0000, v14;
	v1 =	vmul.f32 v1, v13;
	v13 =	vmul.f32 v22, v15  }
0x84: {  	s7 =	sor.u32 s21, s6;
	v14 =	vshll.u32 v14, $0x10;
	v15 =	vadd.f32 v21, v0;
	v21 =	vmul.f32 v23, v25  }
0x85: {  	s1 =	sor.u32 s21, s8;
	v22 =	vand.u32 $0xFFFF0000, v9;
	[tilespmem:s7+$0x0] =	vst v20;
	v0 =	vld [tilespmem:s2+$0x180];
	v1 =	vadd.f32 v13, v1;
	v13 =	vmul.f32 v14, v25  }
0x86: {  	v9 =	vshll.u32 v9, $0x10;
	[tilespmem:s1+$0x0] =	vst v17;
	v23 =	vld.idx.msk [tilespmem:v6+s3+$0x0], $0xffff;
	v15 =	vadd.f32 v21, v15;
	v21 =	vmul.f32 v22, v26  }
0x87: {  	v9 =	vmul.f32 v9, v26;
	v12 =	vld.idx.msk [tilespmem:v12+s14+$0x0], $0xffff;
	v13 =	vadd.f32 v13, v1  }
0x88: {  	v19 =	vadd.f32 v19, v32;
	s10 =	sadd.s32 $0x1E400, s28;
	v14 =	vld.idx.msk [tilespmem:v5+s3+$0x0], $0xffff;
	v22 =	vand.u32 $0xFFFF0000, v24;
	v15 =	vadd.f32 v21, v15  }
0x89: {  	s12 =	sadd.s32 $0x1E600, s28;
	s11 =	sor.u32 s23, s10;
	v3 =	vld.idx.msk [tilespmem:v3+s14+$0x0], $0xffff;
	v20 =	vmul.f32 v22, v2;
	v22 =	vshll.u32 v24, $0x10;
	v9 =	vadd.f32 v9, v13  }
0x8a: {  	s15 =	sor.u32 s23, s12;
	v16 =	vadd.f32 v18, v16;
	v10 =	vld.idx.msk [tilespmem:v10+s14+$0x0], $0xffff;
	v2 =	vmul.f32 v22, v2;
	[tilespmem:s11+$0x0] =	vst v15  }
0x8b: {  	v1 =	vld [tilespmem:s2+$0x280];
	v13 =	vadd.s32 $0x101, v5;
	v20 =	vadd.f32 v20, v19;
	v21 =	vshll.u32 v23, $0x10;
	[tilespmem:s15+$0x0] =	vst v9  }
0x8c: {  	v22 =	vand.u32 $0xFFFF0000, v12;
	v12 =	vshll.u32 v12, $0x10;
	v19 =	vadd.f32 v2, v16;
	v17 =	vld [tilespmem:s29+$0x80]  }
0x8d: {  	v18 =	vld.idx.msk [tilespmem:v7+s14+$0x0], $0xffff;
	v15 =	vadd.s32 $0x100, v5;
	v2 =	vand.u32 $0xFFFF0000, v14;
	v22 =	vmul.f32 v22, v8  }
0x8e: {  	v8 =	vmul.f32 v12, v8;
	v9 =	vand.u32 $0xFFFF0000, v23;
	v16 =	vmul.f32 v2, v0  }
0x8f: {  	v2 =	vand.u32 $0xFFFF0000, v3;
	v3 =	vshll.u32 v3, $0x10;
	v23 =	vand.u32 $0xFFFF0000, v10  }
0x90: {  	s18 =	simm.s32 $0x200;
	s1 =	simm.s32 $0x40;
	v10 =	vshll.u32 v10, $0x10;
	v9 =	vmul.f32 v9, v1;
	v7 =	vmul.f32 v2, v4;
	v2 =	vld [tilespmem:s2+$0x380]  }
0x91: {  	s8 =	sand.u32 $0x3FFFFC00, s18;
	v3 =	vmul.f32 v3, v4;
	s2 =	sand.u32 $0x60, s1;
	v23 =	vmul.f32 v23, v11;
	v30 =	vld [tilespmem:s29+$0x180];
	v12 =	vadd.s32 $0x1, v17  }
0x92: {  	s15 =	sadd.s32 $0x1C000, s8;
	v10 =	vmul.f32 v10, v11;
	s4 =	sor.u32 $0x10, s2;
	v22 =	vadd.f32 v22, v7;
	v7 =	vand.u32 $0xFFFF0000, v18;
	v4 =	vld.idx.msk [tilespmem:v15+s3+$0x0], $0xffff  }
0x93: {  	v24 =	vld.idx.msk [tilespmem:v13+s3+$0x0], $0xffff;
	s11 =	sor.u32 s4, s15;
	v3 =	vadd.f32 v8, v3;
	v8 =	vshll.u32 v18, $0x10;
	v25 =	vadd.s32 $0x100, v17  }
0x94: {  	v14 =	vshll.u32 v14, $0x10;
	v11 =	vmul.f32 v7, v28;
	v7 =	vld [tilespmem:s11+$0x0];
	v26 =	vmul.f32 v8, v28  }
0x95: {  	v8 =	vmul.f32 v21, v1;
	v18 =	vadd.f32 v23, v22;
	v21 =	vadd.s32 $0x101, v17;
	v22 =	vld.idx.msk [tilespmem:v17+s3+$0x0], $0xffff  }
0x96: {  	v27 =	vadd.f32 v10, v3;
	v10 =	vmul.f32 v14, v0;
	v14 =	vld.idx.msk [tilespmem:v12+s3+$0x0], $0xffff  }
0x97: {  	v9 =	vadd.f32 v9, v16;
	v28 =	vld [tilespmem:s29+$0x280];
	v18 =	vadd.f32 v11, v18;
	v3 =	vand.u32 $0xFFFF0000, v4  }
0x98: {  	v29 =	vadd.f32 v8, v10;
	v31 =	vand.u32 $0xFFFF0000, v24;
	v3 =	vmul.f32 v3, v2;
	v23 =	vld.idx.msk [tilespmem:v25+s3+$0x0], $0xffff  }
0x99: {  	v61 =	vld [tilespmem:s29+$0x380];
	s29 =	sadd.s32 $0x1C880, s9;
	v4 =	vshll.u32 v4, $0x10;
	v16 =	vadd.s32 $0x1, v7;
	v10 =	vadd.s32 $0x101, v7  }
0x9a: {  	s9 =	sor.u32 s23, s29;
	v11 =	vadd.s32 $0x100, v7;
	v4 =	vmul.f32 v4, v2;
	v62 =	vld.idx.msk [tilespmem:v21+s3+$0x0], $0xffff;
	v9 =	vadd.f32 v3, v9  }
0x9b: {  	s18 =	sor.u32 s16, s30;
	v63 =	vld [tilespmem:s9+$0x0];
	v8 =	vand.u32 $0xFFFF0000, v22;
	v22 =	vshll.u32 v22, $0x10;
	v43 =	vand.u32 $0xFFFF0000, v14  }
0x9c: {  	v3 =	vld [tilespmem:s18+$0x0];
	v36 =	vmul.f32 v8, v30;
	v14 =	vshll.u32 v14, $0x10;
	v35 =	vmul.f32 v43, v28  }
0x9d: {  	v46 =	vld.idx.msk [tilespmem:v7+s3+$0x0], $0xffff;
	v38 =	vmul.f32 v22, v30;
	v37 =	vand.u32 $0xFFFF0000, v23;
	v14 =	vmul.f32 v14, v28  }
0x9e: {  	v48 =	vld.idx.msk [tilespmem:v16+s3+$0x0], $0xffff;
	v45 =	vshll.u32 v23, $0x10;
	v44 =	vmul.f32 v37, v61;
	v35 =	vadd.f32 v35, v36  }
0x9f: {  	v49 =	vld.idx.msk [tilespmem:v10+s3+$0x0], $0xffff;
	v39 =	vand.u32 $0xFFFF0000, v62;
	v37 =	vmul.f32 v45, v61;
	v14 =	vadd.f32 v14, v38  }
0xa0: {  	v51 =	vld.idx.msk [tilespmem:v11+s3+$0x0], $0xffff;
	v32 =	vshll.u32 v62, $0x10;
	v47 =	vmul.f32 v39, v63;
	v35 =	vadd.f32 v44, v35  }
0xa1: {  	v24 =	vshll.u32 v24, $0x10;
	v22 =	vld [tilespmem:s11+$0x100];
	v32 =	vmul.f32 v32, v63;
	v14 =	vadd.f32 v37, v14  }
0xa2: {  	s9 =	sor.u32 s2, s15;
	v4 =	vadd.f32 v4, v29;
	v23 =	vld [tilespmem:s11+$0x200];
	v31 =	vmul.f32 v31, v3;
	v29 =	vadd.f32 v47, v35  }
0xa3: {  	s30 =	sadd.s32 $0x1E280, s28;
	s5 =	sadd.s32 $0x1C800, s8;
	v8 =	vld [tilespmem:s9+$0x0];
	v24 =	vmul.f32 v24, v3;
	v14 =	vadd.f32 v32, v14  }
0xa4: {  	s6 =	sor.u32 s4, s5;
	v50 =	vadd.f32 v26, v27;
	v9 =	vadd.f32 v31, v9;
	[tilespmem:s31+$0x80] =	vst v29;
	s31 =	sor.u32 s23, s30;
	v29 =	vld [tilespmem:s11+$0x300]  }
0xa5: {  	v27 =	vld [tilespmem:s6+$0x0];
	v40 =	vadd.f32 v24, v4;
	v24 =	vshll.u32 v46, $0x10;
	v52 =	vand.u32 $0xFFFF0000, v49;
	[tilespmem:s31+$0x0] =	vst v14  }
0xa6: {  	v41 =	vand.u32 $0xFFFF0000, v51;
	v14 =	vand.u32 $0xFFFF0000, v46;
	v4 =	vld.idx.msk [tilespmem:v17+s14+$0x0], $0xffff;
	v17 =	vand.u32 $0xFFFF0000, v48  }
0xa7: {  	v39 =	vshll.u32 v48, $0x10;
	v12 =	vld.idx.msk [tilespmem:v12+s14+$0x0], $0xffff;
	v14 =	vmul.f32 v14, v22;
	v17 =	vmul.f32 v17, v23  }
0xa8: {  	v36 =	vshll.u32 v51, $0x10;
	v31 =	vadd.s32 $0x100, v8;
	v24 =	vmul.f32 v24, v22;
	v42 =	vld.idx.msk [tilespmem:v25+s14+$0x0], $0xffff  }
0xa9: {  	v32 =	vadd.s32 $0x1, v8;
	v14 =	vadd.f32 v17, v14;
	v17 =	vmul.f32 v41, v29  }
0xaa: {  	v26 =	vadd.s32 $0x101, v8;
	v38 =	vmul.f32 v52, v27;
	v25 =	vmul.f32 v39, v23;
	v21 =	vld.idx.msk [tilespmem:v21+s14+$0x0], $0xffff  }
0xab: {  	v37 =	vshll.u32 v49, $0x10;
	v36 =	vmul.f32 v36, v29;
	v14 =	vadd.f32 v17, v14  }
0xac: {  	v55 =	vld.idx.msk [tilespmem:v8+s3+$0x0], $0xffff;
	v17 =	vadd.f32 v25, v24;
	v53 =	vand.u32 $0xFFFF0000, v4;
	v54 =	vand.u32 $0xFFFF0000, v12  }
0xad: {  	s10 =	sor.u32 s21, s10;
	v59 =	vld.idx.msk [tilespmem:v31+s3+$0x0], $0xffff;
	v4 =	vshll.u32 v4, $0x10;
	v12 =	vshll.u32 v12, $0x10;
	v43 =	vand.u32 $0xFFFF0000, v42  }
0xae: {  	s12 =	sor.u32 s21, s12;
	[tilespmem:s10+$0x0] =	vst v18;
	v18 =	vld.idx.msk [tilespmem:v32+s3+$0x0], $0xffff;
	v57 =	vshll.u32 v42, $0x10;
	v39 =	vmul.f32 v53, v30;
	v41 =	vmul.f32 v54, v28  }
0xaf: {  	[tilespmem:s12+$0x0] =	vst v50;
	v25 =	vld [tilespmem:s9+$0x100];
	v58 =	vand.u32 $0xFFFF0000, v21;
	v30 =	vmul.f32 v4, v30;
	v12 =	vmul.f32 v12, v28  }
0xb0: {  	s26 =	sor.u32 s16, s26;
	[tilespmem:s24+$0x80] =	vst v9;
	v24 =	vld [tilespmem:s9+$0x200];
	v21 =	vshll.u32 v21, $0x10;
	v56 =	vmul.f32 v43, v61;
	v60 =	vmul.f32 v58, v63  }
0xb1: {  	s18 =	simm.s32 $0x80;
	[tilespmem:s26+$0x0] =	vst v40;
	v4 =	vld [tilespmem:s22+$0x80];
	v21 =	vmul.f32 v21, v63;
	v17 =	vadd.f32 v36, v17;
	v28 =	vadd.f32 v41, v39  }
0xb2: {  	s31 =	sand.u32 $0x3FFFFF00, s18;
	v63 =	vld.idx.msk [tilespmem:v5+s14+$0x0], $0xffff;
	v12 =	vadd.f32 v12, v30;
	v30 =	vmul.f32 v57, v61;
	v61 =	vmul.f32 v37, v27  }
0xb3: {  	s15 =	sor.u32 s2, s5;
	s5 =	sadd.s32 $0x1E000, s31;
	v38 =	vadd.f32 v38, v14;
	v39 =	vadd.f32 v56, v28;
	v28 =	vld [tilespmem:s9+$0x300]  }
0xb4: {  	s12 =	sadd.s32 $0x1E200, s31;
	s24 =	sor.u32 s4, s5;
	v12 =	vadd.f32 v30, v12;
	v30 =	vld.idx.msk [tilespmem:v26+s3+$0x0], $0xffff;
	v17 =	vadd.f32 v61, v17  }
0xb5: {  	v35 =	vshll.u32 v55, $0x10;
	s6 =	sor.u32 s4, s12;
	v44 =	vand.u32 $0xFFFF0000, v59;
	v62 =	vand.u32 $0xFFFF0000, v18;
	v14 =	vld [tilespmem:s15+$0x0];
	[tilespmem:s24+$0x0] =	vst v38  }
0xb6: {  	v18 =	vshll.u32 v18, $0x10;
	v36 =	vadd.f32 v60, v39;
	v39 =	vadd.f32 v21, v12;
	v12 =	vld.idx.msk [tilespmem:v6+s14+$0x0], $0xffff;
	[tilespmem:s6+$0x0] =	vst v17  }
0xb7: {  	v5 =	vmul.f32 v62, v24;
	v18 =	vmul.f32 v18, v24;
	v21 =	vand.u32 $0xFFFF0000, v55;
	v38 =	vld.idx.msk [tilespmem:v7+s14+$0x0], $0xffff  }
0xb8: {  	v33 =	vshll.u32 v59, $0x10;
	v6 =	vmul.f32 v21, v25;
	v21 =	vmul.f32 v35, v25;
	v47 =	vld.idx.msk [tilespmem:v16+s14+$0x0], $0xffff  }
0xb9: {  	v9 =	vld [tilespmem:s22+$0x180];
	v17 =	vmul.f32 v44, v28;
	v46 =	vand.u32 $0xFFFF0000, v30;
	v33 =	vmul.f32 v33, v28  }
0xba: {  	v45 =	vld.idx.msk [tilespmem:v4+s3+$0x0], $0xffff;
	v5 =	vadd.f32 v5, v6;
	v6 =	vadd.f32 v18, v21;
	v7 =	vshll.u32 v30, $0x10  }
0xbb: {  	v48 =	vld.idx.msk [tilespmem:v11+s14+$0x0], $0xffff;
	v18 =	vmul.f32 v46, v14;
	v21 =	vmul.f32 v7, v14;
	v7 =	vadd.s32 $0x1, v4  }
0xbc: {  	v50 =	vld.idx.msk [tilespmem:v10+s14+$0x0], $0xffff;
	v30 =	vadd.f32 v17, v5;
	v33 =	vadd.f32 v33, v6;
	v10 =	vand.u32 $0xFFFF0000, v38  }
0xbd: {  	v51 =	vand.u32 $0xFFFF0000, v47;
	v52 =	vshll.u32 v38, $0x10;
	v40 =	vshll.u32 v47, $0x10  }
0xbe: {  	v15 =	vld.idx.msk [tilespmem:v15+s14+$0x0], $0xffff;
	v49 =	vadd.f32 v18, v30;
	v33 =	vadd.f32 v21, v33;
	v54 =	vmul.f32 v10, v22  }
0xbf: {  	s26 =	sor.u32 s2, s5;
	v11 =	vand.u32 $0xFFFF0000, v45;
	v34 =	vmul.f32 v51, v23;
	v10 =	vld [tilespmem:s22+$0x380];
	v22 =	vmul.f32 v52, v22  }
0xc0: {  	s12 =	sor.u32 s2, s12;
	v6 =	vadd.s32 $0x100, v4;
	v23 =	vmul.f32 v40, v23;
	v21 =	vmul.f32 v11, v9;
	v11 =	vld [tilespmem:s22+$0x280];
	[tilespmem:s26+$0x0] =	vst v49  }
0xc1: {  	v5 =	vadd.s32 $0x101, v4;
	v55 =	vand.u32 $0xFFFF0000, v48;
	v57 =	vshll.u32 v48, $0x10;
	v53 =	vld.idx.msk [tilespmem:v7+s3+$0x0], $0xffff;
	[tilespmem:s12+$0x0] =	vst v33  }
0xc2: {  	v58 =	vand.u32 $0xFFFF0000, v50;
	v22 =	vadd.f32 v23, v22;
	v23 =	vmul.f32 v57, v29;
	v56 =	vld.idx.msk [tilespmem:v8+s14+$0x0], $0xffff  }
0xc3: {  	v60 =	vshll.u32 v50, $0x10;
	v33 =	vmul.f32 v55, v29;
	v8 =	vadd.f32 v34, v54;
	v32 =	vld.idx.msk [tilespmem:v32+s14+$0x0], $0xffff  }
0xc4: {  	s15 =	sadd.s32 $0x1E480, s17;
	v59 =	vmul.f32 v58, v27;
	v22 =	vadd.f32 v23, v22;
	v23 =	vmul.f32 v60, v27;
	v27 =	vld.idx.msk [tilespmem:v26+s14+$0x0], $0xffff  }
0xc5: {  	s18 =	sor.u32 s21, s29;
	s29 =	sor.u32 s13, s15;
	v17 =	vand.u32 $0xFFFF0000, v63;
	v16 =	vand.u32 $0xFFFF0000, v12;
	s22 =	sadd.s32 $0x1E680, s17;
	v31 =	vld.idx.msk [tilespmem:v31+s14+$0x0], $0xffff;
	v29 =	vadd.f32 v33, v8  }
0xc6: {  	[tilespmem:s29+$0x0] =	vst v20;
	v30 =	vshll.u32 v45, $0x10;
	v18 =	vshll.u32 v63, $0x10;
	s5 =	sor.u32 s13, s22;
	v8 =	vld [tilespmem:s18+$0x0];
	s18 =	sadd.s32 $0x1E480, s28;
	v61 =	vand.u32 $0xFFFF0000, v53  }
0xc7: {  	s13 =	sor.u32 s16, s15;
	[tilespmem:s5+$0x0] =	vst v19;
	s12 =	sadd.s32 $0x1E400, s31;
	v23 =	vadd.f32 v23, v22;
	s6 =	sor.u32 s23, s18;
	v20 =	vadd.f32 v59, v29;
	v26 =	vmul.f32 v61, v11  }
0xc8: {  	v13 =	vld.idx.msk [tilespmem:v13+s14+$0x0], $0xffff;
	s17 =	sor.u32 s16, s22;
	s15 =	sadd.s32 $0x1E600, s31;
	s22 =	sor.u32 s4, s12;
	v29 =	vshll.u32 v53, $0x10;
	[tilespmem:s6+$0x0] =	vst v36;
	v19 =	vand.u32 $0xFFFF0000, v56;
	v62 =	vshll.u32 v56, $0x10  }
0xc9: {  	v34 =	vld.idx.msk [tilespmem:v6+s3+$0x0], $0xffff;
	s6 =	sor.u32 s4, s15;
	v33 =	vand.u32 $0xFFFF0000, v27;
	v63 =	vmul.f32 v19, v25;
	v19 =	vand.u32 $0xFFFF0000, v32;
	[tilespmem:s22+$0x0] =	vst v20  }
0xca: {  	s16 =	sshll.u32 s0, $0xD;
	s5 =	sadd.s32 $0x1E680, s28;
	v22 =	vld.idx.msk [tilespmem:v5+s3+$0x0], $0xffff;
	v32 =	vshll.u32 v32, $0x10;
	v25 =	vmul.f32 v62, v25;
	v20 =	vmul.f32 v19, v24;
	[tilespmem:s6+$0x0] =	vst v23  }
0xcb: {  	s10 =	sor.u32 s2, s12;
	s28 =	sor.u32 s21, s30;
	s30 =	sor.u32 s23, s5;
	v19 =	vand.u32 $0xFFFF0000, v31;
	v24 =	vmul.f32 v32, v24;
	v31 =	vshll.u32 v31, $0x10;
	v23 =	vld [tilespmem:s11+$0x80]  }
0xcc: {  	s12 =	sor.u32 s2, s15;
	[tilespmem:s30+$0x0] =	vst v39;
	s22 =	sor.u32 s21, s18;
	s21 =	sor.u32 s21, s5;
	v19 =	vmul.f32 v19, v28;
	v32 =	vadd.f32 v20, v63;
	v20 =	vmul.f32 v31, v28  }
.LBB2_4:
0xcd: {  	s1 =	sadd.s32 $0x20, s1;
	v28 =	vmul.f32 v33, v14;
	v24 =	vadd.f32 v24, v25;
	v25 =	vshll.u32 v27, $0x10  }
0xce: {  	s15 =	sshll.u32 s1, $0x3;
	p0 =	slt.u32 s1, $0xC0;
	v19 =	vadd.f32 v19, v32;
	v14 =	vmul.f32 v25, v14;
	v25 =	vmul.f32 v29, v11  }
0xcf: {  	v27 =	vmul.f32 v30, v9;
	s23 =	sand.u32 $0x60, s1;
	s15 =	sand.u32 $0x3FFFFC00, s15;
	v20 =	vadd.f32 v20, v24;
	v24 =	vand.u32 $0xFFFF0000, v34  }
0xd0: {  	s29 =	sor.u32 $0x10, s23;
	s18 =	sadd.s32 $0x1C000, s15;
	v19 =	vadd.f32 v28, v19;
	v33 =	vadd.s32 $0x1, v23;
	v28 =	vshll.u32 v34, $0x10  }
0xd1: {  	v24 =	vmul.f32 v24, v10;
	s30 =	sor.u32 s23, s18;
	s18 =	sor.u32 s29, s18;
	v14 =	vadd.f32 v14, v20;
	v20 =	vadd.f32 v26, v21  }
0xd2: {  	v31 =	vadd.s32 $0x100, v23;
	v21 =	vld [tilespmem:s18+$0x0];
	[tilespmem:s10+$0x0] =	vst v19;
	v19 =	vadd.f32 v25, v27;
	v25 =	vmul.f32 v28, v10  }
0xd3: {  	[tilespmem:s12+$0x0] =	vst v14;
	v30 =	vld [tilespmem:s11+$0x180];
	v20 =	vadd.f32 v24, v20;
	v24 =	vand.u32 $0xFFFF0000, v22;
	v22 =	vshll.u32 v22, $0x10  }
0xd4: {  	v14 =	vadd.s32 $0x101, v23;
	v26 =	vld.idx.msk [tilespmem:v23+s3+$0x0], $0xffff;
	v24 =	vmul.f32 v24, v8;
	v19 =	vadd.f32 v25, v19  }
0xd5: {  	v17 =	vmul.f32 v17, v0;
	v27 =	vshll.u32 v12, $0x10;
	v22 =	vmul.f32 v22, v8;
	v25 =	vld.idx.msk [tilespmem:v33+s3+$0x0], $0xffff  }
0xd6: {  	v16 =	vmul.f32 v16, v1;
	v18 =	vmul.f32 v18, v0;
	v0 =	vmovc v9;
	v12 =	vld [tilespmem:s11+$0x280];
	v20 =	vadd.f32 v24, v20  }
0xd7: {  	v19 =	vadd.f32 v22, v19;
	v22 =	vand.u32 $0xFFFF0000, v15;
	v24 =	vmul.f32 v27, v1;
	v1 =	vmovc v11;
	v9 =	vld.idx.msk [tilespmem:v31+s3+$0x0], $0xffff  }
0xd8: {  	v29 =	vadd.f32 v16, v17;
	v15 =	vshll.u32 v15, $0x10;
	v32 =	vmul.f32 v22, v2;
	v11 =	vld [tilespmem:s11+$0x380];
	[tilespmem:s7+$0x80] =	vst v20;
	s11 =	smov.u32 s18;
	s7 =	smov.u32 s26  }
0xd9: {  	v34 =	vand.u32 $0xFFFF0000, v13;
	s12 =	sadd.s32 $0x1C880, s8;
	s8 =	smov.u32 s15;
	v36 =	vmul.f32 v15, v2;
	v35 =	vadd.f32 v24, v18;
	v27 =	vld.idx.msk [tilespmem:v14+s3+$0x0], $0xffff;
	[tilespmem:s28+$0x0] =	vst v19  }
0xda: {  	s10 =	sor.u32 s2, s12;
	s12 =	sor.u32 s4, s12;
	v17 =	vadd.s32 $0x1, v21;
	v16 =	vadd.s32 $0x100, v21;
	v2 =	vmovc v10;
	v18 =	vadd.s32 $0x101, v21;
	v22 =	vld [tilespmem:s30+$0x0]  }
0xdb: {  	v10 =	vand.u32 $0xFFFF0000, v26;
	v24 =	vshll.u32 v26, $0x10;
	v20 =	vand.u32 $0xFFFF0000, v25;
	v15 =	vld [tilespmem:s12+$0x0]  }
0xdc: {  	v10 =	vmul.f32 v10, v30;
	v25 =	vshll.u32 v25, $0x10;
	v26 =	vmul.f32 v20, v12;
	v19 =	vld [tilespmem:s30+$0x100]  }
0xdd: {  	v37 =	vmul.f32 v24, v30;
	v38 =	vmul.f32 v25, v12;
	v28 =	vand.u32 $0xFFFF0000, v9;
	v20 =	vld [tilespmem:s30+$0x200]  }
0xde: {  	v9 =	vshll.u32 v9, $0x10;
	v10 =	vadd.f32 v26, v10;
	v26 =	vmul.f32 v28, v11;
	v24 =	vld [tilespmem:s11+$0x100]  }
0xdf: {  	v37 =	vadd.f32 v38, v37;
	v9 =	vmul.f32 v9, v11;
	v28 =	vand.u32 $0xFFFF0000, v27;
	v25 =	vld [tilespmem:s11+$0x200]  }
0xe0: {  	v10 =	vadd.f32 v26, v10;
	v26 =	vshll.u32 v27, $0x10;
	v38 =	vld.idx.msk [tilespmem:v21+s3+$0x0], $0xffff;
	v39 =	vmul.f32 v28, v15  }
0xe1: {  	v27 =	vadd.s32 $0x1, v22;
	v9 =	vadd.f32 v9, v37;
	v37 =	vmul.f32 v26, v15;
	v40 =	vld.idx.msk [tilespmem:v17+s3+$0x0], $0xffff  }
0xe2: {  	s15 =	sadd.s32 $0x1C800, s8;
	v26 =	vadd.s32 $0x101, v22;
	v28 =	vadd.s32 $0x100, v22;
	v41 =	vld.idx.msk [tilespmem:v18+s3+$0x0], $0xffff;
	v10 =	vadd.f32 v39, v10  }
0xe3: {  	v13 =	vshll.u32 v13, $0x10;
	s18 =	sadd.s32 $0x1E280, s31;
	s12 =	sor.u32 s23, s15;
	s15 =	sor.u32 s29, s15;
	v9 =	vadd.f32 v37, v9;
	v37 =	vadd.f32 v32, v29;
	v39 =	vld.idx.msk [tilespmem:v16+s3+$0x0], $0xffff  }
0xe4: {  	v13 =	vmul.f32 v13, v3;
	s28 =	sor.u32 s2, s18;
	v29 =	vld [tilespmem:s15+$0x0];
	[tilespmem:s24+$0x80] =	vst v10;
	s15 =	sor.u32 s4, s18;
	v10 =	vmul.f32 v34, v3;
	v34 =	vadd.f32 v36, v35  }
0xe5: {  	v3 =	vmov v8;
	v32 =	vld [tilespmem:s11+$0x300];
	[tilespmem:s15+$0x0] =	vst v9  }
0xe6: {  	v8 =	vld.idx.msk [tilespmem:v23+s14+$0x0], $0xffff;
	v9 =	vadd.f32 v10, v37;
	v10 =	vadd.f32 v13, v34  }
0xe7: {  	v13 =	vand.u32 $0xFFFF0000, v38;
	v23 =	vand.u32 $0xFFFF0000, v40;
	v34 =	vshll.u32 v38, $0x10;
	v33 =	vld.idx.msk [tilespmem:v33+s14+$0x0], $0xffff  }
0xe8: {  	v13 =	vmul.f32 v13, v24;
	v23 =	vmul.f32 v23, v25;
	v36 =	vand.u32 $0xFFFF0000, v41;
	v35 =	vld.idx.msk [tilespmem:v27+s3+$0x0], $0xffff;
	[tilespmem:s13+$0x0] =	vst v9;
	s13 =	smov.u32 s22  }
0xe9: {  	v37 =	vshll.u32 v40, $0x10;
	v34 =	vmul.f32 v34, v24;
	v9 =	vand.u32 $0xFFFF0000, v39;
	v38 =	vld.idx.msk [tilespmem:v31+s14+$0x0], $0xffff;
	[tilespmem:s17+$0x0] =	vst v10;
	s17 =	smov.u32 s21  }
0xea: {  	v10 =	vadd.f32 v23, v13;
	v13 =	vmul.f32 v37, v25;
	v40 =	vld.idx.msk [tilespmem:v22+s3+$0x0], $0xffff;
	v9 =	vmul.f32 v9, v32  }
0xeb: {  	v23 =	vmul.f32 v36, v29;
	v31 =	vshll.u32 v39, $0x10;
	v36 =	vshll.u32 v41, $0x10;
	v37 =	vld.idx.msk [tilespmem:v14+s14+$0x0], $0xffff  }
0xec: {  	v13 =	vadd.f32 v13, v34;
	v34 =	vmul.f32 v31, v32;
	v39 =	vld.idx.msk [tilespmem:v28+s3+$0x0], $0xffff;
	v10 =	vadd.f32 v9, v10  }
0xed: {  	v9 =	vand.u32 $0xFFFF0000, v8;
	v14 =	vand.u32 $0xFFFF0000, v33;
	v8 =	vshll.u32 v8, $0x10;
	v31 =	vld [tilespmem:s30+$0x300]  }
0xee: {  	v33 =	vshll.u32 v33, $0x10;
	v9 =	vmul.f32 v9, v30;
	v42 =	vmul.f32 v14, v12;
	v41 =	vld.idx.msk [tilespmem:v26+s3+$0x0], $0xffff  }
0xef: {  	v8 =	vmul.f32 v8, v30;
	v12 =	vmul.f32 v33, v12;
	v43 =	vand.u32 $0xFFFF0000, v38;
	v14 =	vld [tilespmem:s12+$0x0]  }
0xf0: {  	v38 =	vshll.u32 v38, $0x10;
	v33 =	vadd.f32 v42, v9;
	v42 =	vmul.f32 v43, v11;
	v30 =	vld [tilespmem:s9+$0x80]  }
0xf1: {  	s12 =	sshll.u32 s1, $0x1;
	v8 =	vadd.f32 v12, v8;
	v12 =	vmul.f32 v38, v11;
	v43 =	vand.u32 $0xFFFF0000, v37;
	v9 =	vld [tilespmem:s9+$0x180]  }
0xf2: {  	s12 =	sand.u32 $0x3FFFFF00, s12;
	v37 =	vshll.u32 v37, $0x10;
	v33 =	vadd.f32 v42, v33;
	v38 =	vmul.f32 v43, v15;
	v11 =	vld [tilespmem:s9+$0x280]  }
0xf3: {  	v23 =	vadd.f32 v23, v10;
	s15 =	sadd.s32 $0x1E000, s12;
	v12 =	vadd.f32 v12, v8;
	v15 =	vmul.f32 v37, v15;
	v10 =	vld [tilespmem:s9+$0x380];
	s9 =	smov.u32 s30  }
0xf4: {  	v13 =	vadd.f32 v34, v13;
	v34 =	vmul.f32 v36, v29;
	s26 =	sor.u32 s23, s15;
	s24 =	sor.u32 s29, s15;
	v33 =	vadd.f32 v38, v33;
	v8 =	vld [tilespmem:s10+$0x0];
	s10 =	sadd.s32 $0x1E480, s31  }
0xf5: {  	v36 =	vand.u32 $0xFFFF0000, v35;
	v35 =	vshll.u32 v35, $0x10;
	s15 =	sadd.s32 $0x1E680, s31;
	v15 =	vadd.f32 v15, v12;
	[tilespmem:s24+$0x0] =	vst v23;
	s22 =	sor.u32 s2, s10;
	s10 =	sor.u32 s4, s10;
	v23 =	vld.idx.msk [tilespmem:v4+s14+$0x0], $0xffff;
	v4 =	vmovc v30  }
0xf6: {  	v13 =	vadd.f32 v34, v13;
	v37 =	vand.u32 $0xFFFF0000, v40;
	s18 =	sadd.s32 $0x1E200, s12;
	v38 =	vshll.u32 v40, $0x10;
	s21 =	sor.u32 s2, s15;
	s2 =	sor.u32 s4, s15;
	[tilespmem:s10+$0x0] =	vst v33;
	v12 =	vld.idx.msk [tilespmem:v7+s14+$0x0], $0xffff  }
0xf7: {  	v34 =	vmul.f32 v35, v20;
	s4 =	sor.u32 s29, s18;
	v7 =	vmul.f32 v36, v20;
	v33 =	vand.u32 $0xFFFF0000, v39;
	s10 =	sor.u32 s23, s18;
	[tilespmem:s2+$0x0] =	vst v15;
	v15 =	vld.idx.msk [tilespmem:v6+s14+$0x0], $0xffff;
	s2 =	smov.u32 s23  }
0xf8: {  	v35 =	vmul.f32 v38, v19;
	s31 =	smov.u32 s12;
	v36 =	vshll.u32 v39, $0x10;
	v6 =	vmul.f32 v37, v19;
	[tilespmem:s4+$0x0] =	vst v13;
	v30 =	vld.idx.msk [tilespmem:v30+s3+$0x0], $0xffff;
	s4 =	smov.u32 s29  }
0xf9: {  	v33 =	vmul.f32 v33, v31;
	v36 =	vmul.f32 v36, v31;
	v13 =	vand.u32 $0xFFFF0000, v41;
	v37 =	vld.idx.msk [tilespmem:v21+s14+$0x0], $0xffff  }
0xfa: {  	v6 =	vadd.f32 v7, v6;
	v21 =	vadd.f32 v34, v35;
	v7 =	vshll.u32 v41, $0x10;
	v34 =	vld.idx.msk [tilespmem:v17+s14+$0x0], $0xffff  }
0xfb: {  	v35 =	vmul.f32 v13, v14;
	v38 =	vmul.f32 v7, v14;
	v7 =	vadd.s32 $0x1, v4;
	v13 =	vld.idx.msk [tilespmem:v5+s14+$0x0], $0xffff  }
0xfc: {  	v33 =	vadd.f32 v33, v6;
	v21 =	vadd.f32 v36, v21;
	v6 =	vadd.s32 $0x100, v4;
	v36 =	vld.idx.msk [tilespmem:v16+s14+$0x0], $0xffff  }
0xfd: {  	v17 =	vand.u32 $0xFFFF0000, v23;
	v5 =	vadd.s32 $0x101, v4;
	v16 =	vand.u32 $0xFFFF0000, v12  }
0xfe: {  	v33 =	vadd.f32 v35, v33;
	v35 =	vadd.f32 v38, v21;
	v38 =	vld.idx.msk [tilespmem:v18+s14+$0x0], $0xffff;
	v18 =	vand.u32 $0xFFFF0000, v30  }
0xff: {  	v30 =	vshll.u32 v30, $0x10;
	v21 =	vmul.f32 v18, v9;
	v18 =	vshll.u32 v23, $0x10  }
0x100: {  	v23 =	vand.u32 $0xFFFF0000, v37;
	v37 =	vshll.u32 v37, $0x10;
	[tilespmem:s26+$0x0] =	vst v33;
	v33 =	vand.u32 $0xFFFF0000, v34;
	v39 =	vld.idx.msk [tilespmem:v7+s3+$0x0], $0xffff  }
0x101: {  	v23 =	vmul.f32 v23, v24;
	[tilespmem:s10+$0x0] =	vst v35;
	v33 =	vmul.f32 v33, v25;
	v35 =	vshll.u32 v34, $0x10;
	v34 =	vld.idx.msk [tilespmem:v6+s3+$0x0], $0xffff  }
0x102: {  	v24 =	vmul.f32 v37, v24;
	v40 =	vld.idx.msk [tilespmem:v22+s14+$0x0], $0xffff;
	v22 =	vand.u32 $0xFFFF0000, v36;
	v25 =	vmul.f32 v35, v25  }
0x103: {  	v35 =	vld.idx.msk [tilespmem:v27+s14+$0x0], $0xffff;
	v23 =	vadd.f32 v33, v23;
	v22 =	vmul.f32 v22, v32;
	v27 =	vshll.u32 v36, $0x10  }
0x104: {  	v33 =	vand.u32 $0xFFFF0000, v38;
	v28 =	vld.idx.msk [tilespmem:v28+s14+$0x0], $0xffff;
	v24 =	vadd.f32 v25, v24;
	v25 =	vmul.f32 v27, v32  }
0x105: {  	v27 =	vld.idx.msk [tilespmem:v26+s14+$0x0], $0xffff;
	v23 =	vadd.f32 v22, v23;
	v26 =	vmul.f32 v33, v29;
	v22 =	vshll.u32 v38, $0x10  }
0x106: {  	v24 =	vadd.f32 v25, v24;
	v25 =	vmul.f32 v22, v29;
	v22 =	vld.idx.msk [tilespmem:v5+s3+$0x0], $0xffff;
	v29 =	vand.u32 $0xFFFF0000, v39  }
0x107: {  	s12 =	sadd.s32 $0x1E400, s31;
	s15 =	sadd.s32 $0x1E600, s31;
	v23 =	vadd.f32 v26, v23;
	v26 =	vmul.f32 v29, v11;
	v29 =	vshll.u32 v39, $0x10  }
.Ltmp0:
0x108: {  	s18 =	sor.u32 s4, s12;
	s10 =	sor.u32 s2, s12;
	v32 =	vand.u32 $0xFFFF0000, v40;
	v33 =	vshll.u32 v40, $0x10;
	v24 =	vadd.f32 v25, v24;
	(pc) =	sbr.rel @p0 .LBB2_4-.Ltmp0, $4  }
0x109: {  	s12 =	sor.u32 s2, s15;
	s15 =	sor.u32 s4, s15;
	v32 =	vmul.f32 v32, v19;
	v25 =	vand.u32 $0xFFFF0000, v35;
	v35 =	vshll.u32 v35, $0x10;
	[tilespmem:s18+$0x0] =	vst v23  }
0x10a: {  	v36 =	vmul.f32 v25, v20;
	v23 =	vand.u32 $0xFFFF0000, v28;
	v25 =	vmul.f32 v33, v19;
	[tilespmem:s15+$0x0] =	vst v24  }
0x10b: {  	v19 =	vmul.f32 v23, v31;
	v24 =	vmul.f32 v35, v20;
	v20 =	vshll.u32 v28, $0x10;
	v23 =	vld [tilespmem:s11+$0x80]  }
0x10c: {  	v33 =	vand.u32 $0xFFFF0000, v27;
	v32 =	vadd.f32 v36, v32;
	v20 =	vmul.f32 v20, v31  }
0x10d: {  	_ =	sdelay $0x2  }
0x10e: {  	v28 =	vadd.s32 $0x1, v23  }
0x10f: {  	v24 =	vadd.f32 v24, v25;
	v33 =	vmul.f32 v33, v14;
	v27 =	vshll.u32 v27, $0x10  }
0x110: {  	v30 =	vmul.f32 v30, v9;
	v45 =	vshll.u32 v34, $0x10;
	v31 =	vadd.s32 $0x100, v23  }
0x111: {  	v35 =	vld [tilespmem:s11+$0x180];
	v21 =	vadd.f32 v26, v21;
	v17 =	vmul.f32 v17, v0;
	v16 =	vmul.f32 v16, v1  }
0x112: {  	v12 =	vshll.u32 v12, $0x10;
	v0 =	vmul.f32 v18, v0;
	v25 =	vadd.s32 $0x101, v23;
	v36 =	vld.idx.msk [tilespmem:v23+s3+$0x0], $0xffff  }
0x113: {  	v18 =	vand.u32 $0xFFFF0000, v15;
	v19 =	vadd.f32 v19, v32;
	v14 =	vmul.f32 v27, v14;
	v43 =	vld.idx.msk [tilespmem:v28+s3+$0x0], $0xffff  }
0x114: {  	v27 =	vmul.f32 v29, v11;
	v29 =	vand.u32 $0xFFFF0000, v34;
	v20 =	vadd.f32 v20, v24;
	v24 =	vld [tilespmem:s11+$0x280]  }
0x115: {  	v15 =	vshll.u32 v15, $0x10;
	v1 =	vmul.f32 v12, v1;
	v29 =	vmul.f32 v29, v10;
	v44 =	vld.idx.msk [tilespmem:v31+s3+$0x0], $0xffff  }
0x116: {  	v26 =	vld [tilespmem:s11+$0x380];
	s8 =	sadd.s32 $0x1C880, s8;
	v12 =	vadd.f32 v16, v17;
	v16 =	vmul.f32 v18, v2;
	v19 =	vadd.f32 v33, v19  }
0x117: {  	s1 =	sor.u32 s4, s8;
	v18 =	vand.u32 $0xFFFF0000, v13;
	v13 =	vshll.u32 v13, $0x10;
	v20 =	vadd.f32 v14, v20;
	v46 =	vld.idx.msk [tilespmem:v25+s3+$0x0], $0xffff  }
0x118: {  	v14 =	vld [tilespmem:s1+$0x0];
	[tilespmem:s10+$0x0] =	vst v19;
	v37 =	vand.u32 $0xFFFF0000, v36;
	v36 =	vshll.u32 v36, $0x10;
	v38 =	vand.u32 $0xFFFF0000, v43  }
0x119: {  	[tilespmem:s12+$0x0] =	vst v20;
	v37 =	vmul.f32 v37, v35;
	v32 =	vshll.u32 v43, $0x10;
	v38 =	vmul.f32 v38, v24  }
0x11a: {  	v51 =	vld [tilespmem:s9+$0x80];
	v36 =	vmul.f32 v36, v35;
	v39 =	vand.u32 $0xFFFF0000, v44;
	v32 =	vmul.f32 v32, v24  }
0x11b: {  	v33 =	vshll.u32 v44, $0x10;
	v47 =	vmul.f32 v39, v26;
	v37 =	vadd.f32 v38, v37  }
0x11c: {  	v48 =	vand.u32 $0xFFFF0000, v46;
	v33 =	vmul.f32 v33, v26;
	v32 =	vadd.f32 v32, v36  }
0x11d: {  	v34 =	vshll.u32 v46, $0x10;
	v49 =	vmul.f32 v48, v14;
	v19 =	vadd.f32 v47, v37  }
0x11e: {  	v20 =	vadd.f32 v29, v21;
	v29 =	vmul.f32 v34, v14;
	v21 =	vadd.f32 v33, v32  }
0x11f: {  	v0 =	vadd.f32 v1, v0;
	v1 =	vmul.f32 v15, v2;
	v19 =	vadd.f32 v49, v19  }
0x120: {  	s11 =	sadd.s32 $0x1E280, s31;
	v15 =	vmul.f32 v18, v3;
	v2 =	vadd.f32 v16, v12;
	v21 =	vadd.f32 v29, v21  }
0x121: {  	v27 =	vadd.f32 v27, v30;
	v0 =	vadd.f32 v1, v0;
	v1 =	vmul.f32 v13, v3;
	s12 =	sor.u32 s4, s11;
	v3 =	vld [tilespmem:s9+$0x180];
	[tilespmem:s24+$0x80] =	vst v19  }
0x122: {  	v30 =	vmul.f32 v45, v10;
	v2 =	vadd.f32 v15, v2;
	v15 =	vld.idx.msk [tilespmem:v51+s3+$0x0], $0xffff;
	[tilespmem:s12+$0x0] =	vst v21  }
0x123: {  	v50 =	vand.u32 $0xFFFF0000, v22;
	v22 =	vshll.u32 v22, $0x10;
	v21 =	vadd.s32 $0x1, v51;
	v17 =	vld.idx.msk [tilespmem:v23+s14+$0x0], $0xffff  }
0x124: {  	v22 =	vmul.f32 v22, v8;
	v27 =	vadd.f32 v30, v27;
	v19 =	vld.idx.msk [tilespmem:v28+s14+$0x0], $0xffff  }
0x125: {  	v18 =	vadd.s32 $0x100, v51;
	v32 =	vmul.f32 v50, v8  }
0x126: {  	v13 =	vadd.f32 v22, v27;
	v0 =	vadd.f32 v1, v0;
	v12 =	vld.idx.msk [tilespmem:v31+s14+$0x0], $0xffff  }
0x127: {  	v20 =	vadd.f32 v32, v20;
	v30 =	vand.u32 $0xFFFF0000, v15;
	v15 =	vshll.u32 v15, $0x10;
	v16 =	vld.idx.msk [tilespmem:v25+s14+$0x0], $0xffff  }
0x128: {  	v22 =	vadd.s32 $0x101, v51;
	v30 =	vmul.f32 v30, v3;
	v15 =	vmul.f32 v15, v3;
	v25 =	vld.idx.msk [tilespmem:v21+s3+$0x0], $0xffff  }
0x129: {  	v27 =	vld [tilespmem:s9+$0x280];
	[tilespmem:s7+$0x80] =	vst v20;
	v1 =	vand.u32 $0xFFFF0000, v17;
	v23 =	vand.u32 $0xFFFF0000, v19;
	v17 =	vshll.u32 v17, $0x10  }
0x12a: {  	v29 =	vld.idx.msk [tilespmem:v18+s3+$0x0], $0xffff;
	[tilespmem:s28+$0x0] =	vst v13;
	v19 =	vshll.u32 v19, $0x10;
	v1 =	vmul.f32 v1, v35;
	v23 =	vmul.f32 v23, v24  }
0x12b: {  	v7 =	vld.idx.msk [tilespmem:v7+s14+$0x0], $0xffff;
	v28 =	vand.u32 $0xFFFF0000, v12;
	v12 =	vshll.u32 v12, $0x10;
	v17 =	vmul.f32 v17, v35  }
0x12c: {  	v19 =	vmul.f32 v19, v24;
	v24 =	vld [tilespmem:s9+$0x380];
	v12 =	vmul.f32 v12, v26;
	v1 =	vadd.f32 v23, v1  }
0x12d: {  	s8 =	sor.u32 s2, s8;
	v31 =	vld.idx.msk [tilespmem:v22+s3+$0x0], $0xffff;
	v23 =	vmul.f32 v28, v26;
	v28 =	vand.u32 $0xFFFF0000, v16;
	v52 =	vand.u32 $0xFFFF0000, v25  }
0x12e: {  	v17 =	vadd.f32 v19, v17;
	v19 =	vld [tilespmem:s8+$0x0];
	v25 =	vshll.u32 v25, $0x10;
	v20 =	vmul.f32 v52, v27  }
0x12f: {  	v13 =	vmul.f32 v25, v27;
	v25 =	vand.u32 $0xFFFF0000, v29;
	v29 =	vshll.u32 v29, $0x10  }
0x130: {  	v1 =	vadd.f32 v23, v1;
	v23 =	vmul.f32 v28, v14;
	v12 =	vadd.f32 v12, v17  }
0x131: {  	v4 =	vld.idx.msk [tilespmem:v4+s14+$0x0], $0xffff;
	v17 =	vand.u32 $0xFFFF0000, v7;
	v25 =	vmul.f32 v25, v24;
	v20 =	vadd.f32 v20, v30  }
0x132: {  	v13 =	vadd.f32 v13, v15;
	v15 =	vmul.f32 v29, v24;
	v29 =	vand.u32 $0xFFFF0000, v31  }
0x133: {  	v6 =	vld.idx.msk [tilespmem:v6+s14+$0x0], $0xffff;
	v29 =	vmul.f32 v29, v19;
	v20 =	vadd.f32 v25, v20;
	v25 =	vshll.u32 v31, $0x10  }
0x134: {  	v5 =	vld.idx.msk [tilespmem:v5+s14+$0x0], $0xffff;
	v7 =	vshll.u32 v7, $0x10;
	v13 =	vadd.f32 v15, v13;
	v15 =	vmul.f32 v25, v19  }
0x135: {  	v17 =	vmul.f32 v17, v11;
	v7 =	vmul.f32 v7, v11;
	v20 =	vadd.f32 v29, v20  }
0x136: {  	v13 =	vadd.f32 v15, v13;
	v15 =	vand.u32 $0xFFFF0000, v4;
	v4 =	vshll.u32 v4, $0x10  }
0x137: {  	s1 =	sor.u32 s2, s11;
	v16 =	vshll.u32 v16, $0x10;
	[tilespmem:s26+$0x80] =	vst v20;
	v15 =	vmul.f32 v15, v9;
	v4 =	vmul.f32 v4, v9  }
0x138: {  	v9 =	vand.u32 $0xFFFF0000, v6;
	v6 =	vshll.u32 v6, $0x10;
	[tilespmem:s1+$0x0] =	vst v13;
	v13 =	vmul.f32 v16, v14  }
0x139: {  	v9 =	vmul.f32 v9, v10;
	v16 =	vand.u32 $0xFFFF0000, v5;
	v6 =	vmul.f32 v6, v10;
	v11 =	vld.idx.msk [tilespmem:v51+s14+$0x0], $0xffff  }
0x13a: {  	v5 =	vshll.u32 v5, $0x10;
	v14 =	vadd.f32 v17, v15;
	v15 =	vld.idx.msk [tilespmem:v21+s14+$0x0], $0xffff;
	v4 =	vadd.f32 v7, v4  }
0x13b: {  	v5 =	vmul.f32 v5, v8  }
0x13c: {  	v10 =	vld.idx.msk [tilespmem:v18+s14+$0x0], $0xffff;
	v7 =	vadd.f32 v9, v14;
	v9 =	vmul.f32 v16, v8;
	v4 =	vadd.f32 v6, v4  }
0x13d: {  	v1 =	vadd.f32 v23, v1;
	v12 =	vadd.f32 v13, v12  }
0x13e: {  	v6 =	vadd.f32 v9, v7;
	v7 =	vld.idx.msk [tilespmem:v22+s14+$0x0], $0xffff;
	v4 =	vadd.f32 v5, v4  }
0x13f: {  	v8 =	vand.u32 $0xFFFF0000, v11;
	v9 =	vand.u32 $0xFFFF0000, v15;
	v11 =	vshll.u32 v11, $0x10  }
0x140: {  	s15 =	sadd.s32 $0x1E480, s31;
	[tilespmem:s13+$0x0] =	vst v2;
	v13 =	vshll.u32 v15, $0x10;
	v8 =	vmul.f32 v8, v3;
	v9 =	vmul.f32 v9, v27  }
0x141: {  	s18 =	sadd.s32 $0x1E680, s31;
	s23 =	sor.u32 s4, s15;
	[tilespmem:s17+$0x0] =	vst v0;
	v3 =	vmul.f32 v11, v3;
	v11 =	vand.u32 $0xFFFF0000, v10;
	v13 =	vmul.f32 v13, v27  }
0x142: {  	s24 =	sor.u32 s4, s18;
	[tilespmem:s23+$0x0] =	vst v1;
	v2 =	vadd.f32 v9, v8;
	v8 =	vmul.f32 v11, v24;
	v9 =	vshll.u32 v10, $0x10  }
0x143: {  	[tilespmem:s24+$0x0] =	vst v12;
	v3 =	vadd.f32 v13, v3;
	v0 =	vand.u32 $0xFFFF0000, v7;
	v9 =	vmul.f32 v9, v24  }
0x144: {  	[tilespmem:s22+$0x0] =	vst v6;
	v1 =	vadd.f32 v8, v2;
	v2 =	vshll.u32 v7, $0x10;
	v0 =	vmul.f32 v0, v19  }
0x145: {  	[tilespmem:s21+$0x0] =	vst v4;
	v3 =	vadd.f32 v9, v3;
	v2 =	vmul.f32 v2, v19  }
0x146: {  	p0 =	seq.s32 s0, $0x37;
	s4 =	rddreg [dreg:$0x8];
	v0 =	vadd.f32 v0, v1  }
0x147: {  	s1 =	sor.u32 s2, s15;
	s4 =	sadd.s32 @!p0 s16, s4;
	v1 =	vadd.f32 v2, v3  }
0x148: {  	s28 =	sshll.u32 s0, $0xA;
	s26 =	sor.u32 s2, s18;
	[tilespmem:s1+$0x0] =	vst v0;
	s1 =	sshrl.u32 @!p0 s4, $0x3  }
0x149: {  	s2 =	simm.s32 @!p0 $0x0;
	s4 =	simm.s32 @!p0 $0x1C000;
	[tilespmem:s26+$0x0] =	vst v1;
	s1 =	sadd.s32 @!p0 s25, s1  }
0x14a: {  	[tilespmem:s4], [sflag:$0x2] =	stream.linear.gather @!p0 [hbm4b:s1+s2], $0x1000, $0x38;
	[tilespmem:$0x1F000] =	vst v63  }
0x14b: {  	s29 =	sshll.u32 s0, $0x9;
	s1 =	sand.u32 $0xF800, s28;
	s30 =	rddreg [dreg:$0xe]  }
0x14c: {  	s2 =	sand.u32 $0x200, s29;
	s1 =	sadd.s32 s1, s30  }
0x14d: {  	s1 =	sor.u32 s2, s1  }
0x14e: {  	s4 =	rddreg [dreg:$0x4];
	s2 =	sshrl.u32 s1, $0x3  }
0x14f: {  	s5 =	simm.s32 $0x1E000;
	s1 =	sadd.s32 s4, s2  }
0x150: {  	[hbm4b:s1+s19] =	stream.strided.scatter [tilespmem:s5], [sflag:$0x4], $0x200, s20, s19, $0x38;
	[tilespmem:$0x1F000] =	vst v63  }
0x151: {  	s7 =	sadd.s32 $0x1C00, s1;
	s5 =	simm.s32 $0x1E200  }
0x152: {  	[hbm4b:s7+s19] =	stream.strided.scatter [tilespmem:s5], [sflag:$0x4], $0x200, s20, s19, $0x38;
	[tilespmem:$0x1F000] =	vst v63  }
0x153: {  	s9 =	simm.s32 $0x1E400;
	s8 =	sadd.s32 $0x3800, s1  }
0x154: {  	[hbm4b:s8+s19] =	stream.strided.scatter [tilespmem:s9], [sflag:$0x4], $0x200, s20, s19, $0x38;
	[tilespmem:$0x1F000] =	vst v63  }
0x155: {  	s10 =	simm.s32 $0x1E600;
	s11 =	simm.s32 $0x3;
	s1 =	sadd.s32 $0x5400, s1  }
0x156: {  	[hbm4b:s1+s19] =	stream.strided.scatter [tilespmem:s10], [sflag:$0x4], $0x200, s20, s19, $0x38;
	[tilespmem:$0x1F000] =	vst v63  }
0x157: {  	_ =	swait.ge [sflag:s11], $0x1000  }
0x158: {  	s13 =	simm.s32 $0x0;
	[sflag:s11] =	ssyncset.done $0x0  }
0x159: {  	s12 =	simm.s32 $0x0;
	s1 =	simm.s32 @!p1 $0x5;
	[sflag:s11] =	ssyncadd.s32 $0xFFFFF000  }
0x15a: {  	s17 =	sand.u32 $0x60, s12;
	s4 =	sand.u32 $0x3FFFFC00, s13;
	_ =	swait.ge @!p1 [sflag:s1], $0x800  }
0x15b: {  	s13 =	sor.u32 $0x10, s17;
	s15 =	sadd.s32 $0x1D000, s4;
	[sflag:s1] =	ssyncset.done @!p1 $0x0  }
0x15c: {  	s18 =	sor.u32 s13, s15;
	[sflag:s1] =	ssyncadd.s32 @!p1 $0xFFFFF800  }
0x15d: {  	v0 =	vld [tilespmem:s18+$0x0];
	_ =	sdelay $0x4  }
0x15e: {  	v1 =	vadd.s32 $0x1, v0  }
0x15f: {  	s1 =	sor.u32 s17, s15  }
0x160: {  	v2 =	vld [tilespmem:s1+$0x0];
	v3 =	vadd.s32 $0x100, v0  }
0x161: {  	v4 =	vld [tilespmem:s18+$0x100]  }
0x162: {  	v5 =	vadd.s32 $0x101, v0;
	v6 =	vld.idx.msk [tilespmem:v0+s3+$0x0], $0xffff  }
0x163: {  	v7 =	vld.idx.msk [tilespmem:v1+s3+$0x0], $0xffff  }
0x164: {  	v8 =	vld [tilespmem:s18+$0x200]  }
0x165: {  	v9 =	vld.idx.msk [tilespmem:v3+s3+$0x0], $0xffff  }
0x166: {  	s23 =	sadd.s32 $0x1D800, s4;
	v10 =	vld [tilespmem:s18+$0x300]  }
0x167: {  	s24 =	sor.u32 s13, s23;
	v11 =	vadd.s32 $0x1, v2;
	v12 =	vadd.s32 $0x101, v2;
	v13 =	vadd.s32 $0x100, v2;
	v14 =	vld.idx.msk [tilespmem:v5+s3+$0x0], $0xffff  }
0x168: {  	v15 =	vld [tilespmem:s24+$0x0];
	v16 =	vand.u32 $0xFFFF0000, v6;
	v6 =	vshll.u32 v6, $0x10;
	v17 =	vand.u32 $0xFFFF0000, v7  }
0x169: {  	v16 =	vmul.f32 v16, v4;
	v7 =	vshll.u32 v7, $0x10;
	v17 =	vmul.f32 v17, v8  }
0x16a: {  	v6 =	vmul.f32 v6, v4;
	v18 =	vand.u32 $0xFFFF0000, v9;
	v7 =	vmul.f32 v7, v8  }
0x16b: {  	v9 =	vshll.u32 v9, $0x10;
	v16 =	vadd.f32 v17, v16;
	v17 =	vmul.f32 v18, v10  }
0x16c: {  	v19 =	vand.u32 $0xFFFF0000, v14;
	v18 =	vld [tilespmem:s1+$0x100];
	v6 =	vadd.f32 v7, v6;
	v7 =	vmul.f32 v9, v10  }
0x16d: {  	s6 =	smov.u32 s25;
	s25 =	simm.s32 $0x0;
	v14 =	vshll.u32 v14, $0x10;
	v19 =	vmul.f32 v19, v15;
	v9 =	vld [tilespmem:s1+$0x200];
	v16 =	vadd.f32 v17, v16  }
0x16e: {  	s21 =	sand.u32 $0x3FFFFF00, s25;
	v17 =	vld.idx.msk [tilespmem:v11+s3+$0x0], $0xffff;
	v6 =	vadd.f32 v7, v6;
	v7 =	vmul.f32 v14, v15  }
0x16f: {  	s9 =	sadd.s32 $0x1E800, s21;
	v14 =	vld.idx.msk [tilespmem:v2+s3+$0x0], $0xffff;
	v16 =	vadd.f32 v19, v16  }
0x170: {  	s28 =	sadd.s32 $0x1EA00, s21;
	s26 =	sor.u32 s13, s9;
	v19 =	vld.idx.msk [tilespmem:v13+s3+$0x0], $0xffff;
	v6 =	vadd.f32 v7, v6  }
0x171: {  	s29 =	sor.u32 s13, s28;
	v7 =	vld [tilespmem:s1+$0x300];
	[tilespmem:s26+$0x0] =	vst v16  }
0x172: {  	v16 =	vld.idx.msk [tilespmem:v12+s3+$0x0], $0xffff;
	[tilespmem:s29+$0x0] =	vst v6  }
0x173: {  	v6 =	vand.u32 $0xFFFF0000, v17;
	v0 =	vld.idx.msk [tilespmem:v0+s14+$0x0], $0xffff  }
0x174: {  	v17 =	vshll.u32 v17, $0x10;
	v20 =	vand.u32 $0xFFFF0000, v14;
	v1 =	vld.idx.msk [tilespmem:v1+s14+$0x0], $0xffff;
	v6 =	vmul.f32 v6, v9  }
0x175: {  	v14 =	vshll.u32 v14, $0x10;
	v17 =	vmul.f32 v17, v9;
	v20 =	vmul.f32 v20, v18  }
0x176: {  	v14 =	vmul.f32 v14, v18;
	v3 =	vld.idx.msk [tilespmem:v3+s14+$0x0], $0xffff;
	v21 =	vand.u32 $0xFFFF0000, v19;
	v19 =	vshll.u32 v19, $0x10  }
0x177: {  	v21 =	vmul.f32 v21, v7;
	v19 =	vmul.f32 v19, v7  }
0x178: {  	v5 =	vld.idx.msk [tilespmem:v5+s14+$0x0], $0xffff;
	v6 =	vadd.f32 v6, v20;
	v14 =	vadd.f32 v17, v14;
	v22 =	vand.u32 $0xFFFF0000, v16  }
0x179: {  	v17 =	vand.u32 $0xFFFF0000, v0;
	v20 =	vand.u32 $0xFFFF0000, v1;
	v0 =	vshll.u32 v0, $0x10  }
0x17a: {  	s8 =	sor.u32 s17, s23;
	v1 =	vshll.u32 v1, $0x10;
	v17 =	vmul.f32 v17, v4;
	v20 =	vmul.f32 v20, v8  }
0x17b: {  	v23 =	vld [tilespmem:s8+$0x0];
	v24 =	vand.u32 $0xFFFF0000, v3;
	v0 =	vmul.f32 v0, v4;
	v1 =	vmul.f32 v1, v8  }
0x17c: {  	v3 =	vshll.u32 v3, $0x10;
	v8 =	vmul.f32 v24, v10;
	v4 =	vadd.f32 v20, v17  }
0x17d: {  	v17 =	vand.u32 $0xFFFF0000, v5;
	v0 =	vadd.f32 v1, v0;
	v1 =	vmul.f32 v3, v10  }
0x17e: {  	v5 =	vshll.u32 v5, $0x10;
	v3 =	vadd.f32 v8, v4;
	v4 =	vmul.f32 v17, v15  }
0x17f: {  	v6 =	vadd.f32 v21, v6;
	v0 =	vadd.f32 v1, v0;
	v1 =	vmul.f32 v5, v15  }
0x180: {  	s10 =	sadd.s32 $0x1EC00, s21;
	v8 =	vshll.u32 v16, $0x10;
	v5 =	vmul.f32 v22, v23;
	v3 =	vadd.f32 v4, v3  }
0x181: {  	s30 =	sor.u32 s13, s10;
	s8 =	sadd.s32 $0x1EE00, s21;
	v4 =	vmul.f32 v8, v23;
	v8 =	vadd.f32 v19, v14;
	v0 =	vadd.f32 v1, v0  }
0x182: {  	s5 =	sor.u32 s13, s8;
	v1 =	vadd.f32 v5, v6;
	[tilespmem:s30+$0x0] =	vst v3  }
0x183: {  	s9 =	sor.u32 s17, s9;
	v3 =	vadd.f32 v4, v8;
	[tilespmem:s5+$0x0] =	vst v0  }
0x184: {  	s11 =	sor.u32 s17, s28;
	[tilespmem:s9+$0x0] =	vst v1;
	v4 =	vld [tilespmem:s18+$0x80]  }
0x185: {  	[tilespmem:s11+$0x0] =	vst v3  }
0x186: {  	v0 =	vld.idx.msk [tilespmem:v2+s14+$0x0], $0xffff  }
0x187: {  	s12 =	simm.s32 $0x20;
	s15 =	simm.s32 $0x100;
	v2 =	vld.idx.msk [tilespmem:v11+s14+$0x0], $0xffff  }
0x188: {  	s22 =	sand.u32 $0x60, s12;
	s9 =	sand.u32 $0x3FFFFC00, s15;
	v3 =	vld.idx.msk [tilespmem:v13+s14+$0x0], $0xffff  }
0x189: {  	s23 =	sor.u32 $0x10, s22;
	s11 =	sadd.s32 $0x1D000, s9;
	v6 =	vld.idx.msk [tilespmem:v12+s14+$0x0], $0xffff;
	v5 =	vadd.s32 $0x1, v4  }
0x18a: {  	s29 =	sor.u32 s23, s11  }
0x18b: {  	v1 =	vld [tilespmem:s29+$0x0];
	v11 =	vadd.s32 $0x100, v4;
	v8 =	vand.u32 $0xFFFF0000, v0;
	v10 =	vshll.u32 v0, $0x10  }
0x18c: {  	v16 =	vld [tilespmem:s18+$0x180];
	v12 =	vand.u32 $0xFFFF0000, v2;
	v2 =	vshll.u32 v2, $0x10;
	v0 =	vadd.s32 $0x101, v4  }
0x18d: {  	v14 =	vand.u32 $0xFFFF0000, v3;
	v3 =	vshll.u32 v3, $0x10;
	v8 =	vmul.f32 v8, v18;
	v13 =	vld.idx.msk [tilespmem:v4+s3+$0x0], $0xffff  }
0x18e: {  	v21 =	vshll.u32 v6, $0x10;
	v12 =	vmul.f32 v12, v9;
	v10 =	vmul.f32 v10, v18;
	v15 =	vld.idx.msk [tilespmem:v5+s3+$0x0], $0xffff  }
0x18f: {  	v17 =	vmul.f32 v14, v7;
	v2 =	vmul.f32 v2, v9;
	v18 =	vld [tilespmem:s18+$0x280];
	v9 =	vand.u32 $0xFFFF0000, v6  }
0x190: {  	v7 =	vmul.f32 v3, v7;
	v24 =	vadd.s32 $0x1, v1;
	v8 =	vadd.f32 v12, v8;
	v19 =	vld.idx.msk [tilespmem:v11+s3+$0x0], $0xffff  }
0x191: {  	s30 =	sadd.s32 $0x1D880, s4;
	v6 =	vld [tilespmem:s18+$0x380];
	v14 =	vadd.s32 $0x100, v1;
	v21 =	vmul.f32 v21, v23;
	v20 =	vmul.f32 v9, v23  }
0x192: {  	s4 =	sor.u32 s13, s30;
	v9 =	vadd.s32 $0x101, v1;
	v10 =	vadd.f32 v2, v10;
	v22 =	vld.idx.msk [tilespmem:v0+s3+$0x0], $0xffff;
	v8 =	vadd.f32 v17, v8  }
0x193: {  	v2 =	vld [tilespmem:s4+$0x0];
	v3 =	vand.u32 $0xFFFF0000, v13;
	v13 =	vshll.u32 v13, $0x10;
	v12 =	vand.u32 $0xFFFF0000, v15  }
0x194: {  	v25 =	vmul.f32 v3, v16;
	v26 =	vmul.f32 v12, v18;
	v12 =	vshll.u32 v15, $0x10  }
0x195: {  	v17 =	vld.idx.msk [tilespmem:v24+s3+$0x0], $0xffff;
	v13 =	vmul.f32 v13, v16;
	v15 =	vand.u32 $0xFFFF0000, v19;
	v27 =	vmul.f32 v12, v18  }
0x196: {  	s24 =	sor.u32 s22, s11;
	v23 =	vld.idx.msk [tilespmem:v14+s3+$0x0], $0xffff;
	v19 =	vshll.u32 v19, $0x10;
	v25 =	vadd.f32 v26, v25;
	v26 =	vmul.f32 v15, v6  }
0x197: {  	v3 =	vld [tilespmem:s24+$0x0];
	v28 =	vand.u32 $0xFFFF0000, v22;
	v19 =	vmul.f32 v19, v6;
	v13 =	vadd.f32 v27, v13  }
0x198: {  	v22 =	vshll.u32 v22, $0x10;
	v15 =	vld [tilespmem:s29+$0x200];
	v25 =	vadd.f32 v26, v25;
	v26 =	vmul.f32 v28, v2  }
0x199: {  	v27 =	vld.idx.msk [tilespmem:v1+s3+$0x0], $0xffff;
	v13 =	vadd.f32 v19, v13;
	v19 =	vmul.f32 v22, v2  }
0x19a: {  	s31 =	sadd.s32 $0x1E880, s21;
	v7 =	vadd.f32 v7, v10;
	v12 =	vld [tilespmem:s29+$0x100];
	v10 =	vadd.f32 v26, v25  }
0x19b: {  	s25 =	sor.u32 s13, s31;
	s28 =	sadd.s32 $0x1EA80, s21;
	s18 =	sadd.s32 $0x1D800, s9;
	v22 =	vld.idx.msk [tilespmem:v9+s3+$0x0], $0xffff;
	v19 =	vadd.f32 v19, v13  }
0x19c: {  	s5 =	sor.u32 s13, s28;
	s26 =	sor.u32 s23, s18;
	v20 =	vadd.f32 v20, v8;
	v21 =	vadd.f32 v21, v7;
	v25 =	vld [tilespmem:s29+$0x300];
	[tilespmem:s25+$0x0] =	vst v10  }
0x19d: {  	v8 =	vand.u32 $0xFFFF0000, v17;
	v30 =	vand.u32 $0xFFFF0000, v23;
	v17 =	vshll.u32 v17, $0x10;
	v26 =	vld [tilespmem:s26+$0x0];
	[tilespmem:s5+$0x0] =	vst v19  }
0x19e: {  	v13 =	vadd.s32 $0x1, v3;
	v8 =	vmul.f32 v8, v15;
	v19 =	vld.idx.msk [tilespmem:v4+s14+$0x0], $0xffff;
	v4 =	vand.u32 $0xFFFF0000, v27  }
0x19f: {  	v23 =	vshll.u32 v23, $0x10;
	v17 =	vmul.f32 v17, v15;
	v5 =	vld.idx.msk [tilespmem:v5+s14+$0x0], $0xffff;
	v28 =	vmul.f32 v4, v12  }
0x1a0: {  	v10 =	vadd.s32 $0x100, v3;
	v27 =	vshll.u32 v27, $0x10;
	v29 =	vand.u32 $0xFFFF0000, v22;
	v31 =	vld.idx.msk [tilespmem:v11+s14+$0x0], $0xffff  }
0x1a1: {  	v4 =	vld [tilespmem:s24+$0x100];
	v27 =	vmul.f32 v27, v12;
	v11 =	vadd.f32 v8, v28;
	v28 =	vmul.f32 v30, v25  }
0x1a2: {  	v7 =	vadd.s32 $0x101, v3;
	v22 =	vshll.u32 v22, $0x10;
	v29 =	vmul.f32 v29, v26;
	v8 =	vld [tilespmem:s24+$0x200]  }
0x1a3: {  	v23 =	vmul.f32 v23, v25;
	v30 =	vld.idx.msk [tilespmem:v13+s3+$0x0], $0xffff;
	v17 =	vadd.f32 v17, v27;
	v28 =	vadd.f32 v28, v11  }
0x1a4: {  	v27 =	vld.idx.msk [tilespmem:v3+s3+$0x0], $0xffff;
	v11 =	vand.u32 $0xFFFF0000, v19;
	v53 =	vand.u32 $0xFFFF0000, v5;
	v19 =	vshll.u32 v19, $0x10  }
0x1a5: {  	s10 =	sor.u32 s17, s10;
	v54 =	vld.idx.msk [tilespmem:v10+s3+$0x0], $0xffff;
	v5 =	vshll.u32 v5, $0x10;
	v55 =	vmul.f32 v11, v16;
	v32 =	vmul.f32 v53, v18  }
0x1a6: {  	s11 =	simm.s32 $0x40;
	[tilespmem:s10+$0x0] =	vst v20;
	v56 =	vand.u32 $0xFFFF0000, v31;
	v11 =	vld [tilespmem:s24+$0x300];
	v16 =	vmul.f32 v19, v16;
	v18 =	vmul.f32 v5, v18  }
0x1a7: {  	s26 =	sand.u32 $0x3FFFFF00, s11;
	v19 =	vld.idx.msk [tilespmem:v7+s3+$0x0], $0xffff;
	v5 =	vadd.f32 v23, v17;
	v17 =	vmul.f32 v22, v26;
	v20 =	vmul.f32 v56, v6  }
0x1a8: {  	s12 =	sor.u32 s17, s8;
	s4 =	sor.u32 s22, s18;
	s15 =	sadd.s32 $0x1E800, s26;
	v22 =	vadd.f32 v29, v28;
	v32 =	vadd.f32 v32, v55;
	v23 =	vand.u32 $0xFFFF0000, v30  }
0x1a9: {  	[tilespmem:s12+$0x0] =	vst v21;
	v21 =	vld [tilespmem:s4+$0x0];
	s18 =	sor.u32 s23, s15;
	s25 =	sadd.s32 $0x1EA00, s26;
	v28 =	vshll.u32 v30, $0x10;
	v29 =	vand.u32 $0xFFFF0000, v27;
	v17 =	vadd.f32 v17, v5  }
0x1aa: {  	s5 =	sor.u32 s23, s25;
	[tilespmem:s18+$0x0] =	vst v22;
	v22 =	vshll.u32 v27, $0x10;
	v23 =	vmul.f32 v23, v8;
	v27 =	vmul.f32 v28, v8  }
0x1ab: {  	v5 =	vld [tilespmem:s1+$0x80];
	v28 =	vand.u32 $0xFFFF0000, v54;
	v29 =	vmul.f32 v29, v4;
	v22 =	vmul.f32 v22, v4;
	[tilespmem:s5+$0x0] =	vst v17  }
0x1ac: {  	v17 =	vshll.u32 v54, $0x10;
	v28 =	vmul.f32 v28, v11;
	v30 =	vand.u32 $0xFFFF0000, v19;
	v1 =	vld.idx.msk [tilespmem:v1+s14+$0x0], $0xffff  }
0x1ad: {  	v17 =	vmul.f32 v17, v11;
	v23 =	vadd.f32 v23, v29;
	v24 =	vld.idx.msk [tilespmem:v24+s14+$0x0], $0xffff;
	v22 =	vadd.f32 v27, v22  }
0x1ae: {  	v19 =	vshll.u32 v19, $0x10;
	v27 =	vshll.u32 v31, $0x10;
	v29 =	vmul.f32 v30, v21  }
0x1af: {  	v14 =	vld.idx.msk [tilespmem:v14+s14+$0x0], $0xffff;
	v19 =	vmul.f32 v19, v21;
	v23 =	vadd.f32 v28, v23;
	v17 =	vadd.f32 v17, v22  }
0x1b0: {  	v16 =	vadd.f32 v18, v16;
	v20 =	vadd.f32 v20, v32;
	v18 =	vmul.f32 v27, v6  }
0x1b1: {  	v9 =	vld.idx.msk [tilespmem:v9+s14+$0x0], $0xffff;
	v6 =	vadd.s32 $0x1, v5;
	v22 =	vadd.f32 v29, v23;
	v17 =	vadd.f32 v19, v17  }
0x1b2: {  	v19 =	vand.u32 $0xFFFF0000, v1;
	v23 =	vand.u32 $0xFFFF0000, v24;
	v1 =	vshll.u32 v1, $0x10  }
0x1b3: {  	v27 =	vld.idx.msk [tilespmem:v0+s14+$0x0], $0xffff;
	v0 =	vmul.f32 v19, v12;
	v19 =	vmul.f32 v23, v15;
	v23 =	vshll.u32 v24, $0x10  }
0x1b4: {  	v24 =	vand.u32 $0xFFFF0000, v14;
	v1 =	vmul.f32 v1, v12;
	v12 =	vmul.f32 v23, v15  }
0x1b5: {  	s10 =	sor.u32 s22, s15;
	v14 =	vshll.u32 v14, $0x10;
	v15 =	vadd.f32 v19, v0;
	v19 =	vmul.f32 v24, v25  }
0x1b6: {  	s7 =	sor.u32 s22, s25;
	[tilespmem:s10+$0x0] =	vst v22;
	v23 =	vand.u32 $0xFFFF0000, v9;
	v22 =	vld.idx.msk [tilespmem:v6+s3+$0x0], $0xffff;
	v1 =	vadd.f32 v12, v1;
	v12 =	vmul.f32 v14, v25  }
0x1b7: {  	v9 =	vshll.u32 v9, $0x10;
	[tilespmem:s7+$0x0] =	vst v17;
	v0 =	vld [tilespmem:s1+$0x180];
	v15 =	vadd.f32 v19, v15;
	v19 =	vmul.f32 v23, v26  }
0x1b8: {  	v16 =	vadd.f32 v18, v16;
	v9 =	vmul.f32 v9, v26;
	v10 =	vld.idx.msk [tilespmem:v10+s14+$0x0], $0xffff;
	v12 =	vadd.f32 v12, v1  }
0x1b9: {  	s15 =	sadd.s32 $0x1EC00, s26;
	v24 =	vshll.u32 v27, $0x10;
	v14 =	vld.idx.msk [tilespmem:v5+s3+$0x0], $0xffff;
	v23 =	vand.u32 $0xFFFF0000, v27;
	v15 =	vadd.f32 v19, v15  }
0x1ba: {  	s12 =	sadd.s32 $0x1EE00, s26;
	s11 =	sor.u32 s23, s15;
	v3 =	vld.idx.msk [tilespmem:v3+s14+$0x0], $0xffff;
	v23 =	vmul.f32 v23, v2;
	v2 =	vmul.f32 v24, v2;
	v9 =	vadd.f32 v9, v12  }
0x1bb: {  	s18 =	sor.u32 s23, s12;
	v12 =	vld.idx.msk [tilespmem:v13+s14+$0x0], $0xffff;
	[tilespmem:s11+$0x0] =	vst v15  }
0x1bc: {  	v18 =	vld.idx.msk [tilespmem:v7+s14+$0x0], $0xffff;
	v20 =	vadd.f32 v23, v20;
	v19 =	vadd.f32 v2, v16;
	v13 =	vadd.s32 $0x101, v5;
	[tilespmem:s18+$0x0] =	vst v9  }
0x1bd: {  	v24 =	vand.u32 $0xFFFF0000, v10;
	v10 =	vshll.u32 v10, $0x10;
	v15 =	vadd.s32 $0x100, v5;
	v17 =	vld [tilespmem:s29+$0x80]  }
0x1be: {  	v1 =	vld [tilespmem:s1+$0x280];
	v2 =	vand.u32 $0xFFFF0000, v14;
	v14 =	vshll.u32 v14, $0x10;
	v24 =	vmul.f32 v24, v11  }
0x1bf: {  	v10 =	vmul.f32 v10, v11;
	v9 =	vand.u32 $0xFFFF0000, v22;
	v16 =	vmul.f32 v2, v0  }
0x1c0: {  	v2 =	vand.u32 $0xFFFF0000, v3;
	v3 =	vshll.u32 v3, $0x10;
	v23 =	vand.u32 $0xFFFF0000, v12  }
0x1c1: {  	s25 =	simm.s32 $0x200;
	s11 =	simm.s32 $0x40;
	v7 =	vmul.f32 v2, v4;
	v2 =	vld [tilespmem:s1+$0x380];
	v12 =	vshll.u32 v12, $0x10;
	v23 =	vmul.f32 v23, v8  }
0x1c2: {  	s8 =	sand.u32 $0x3FFFFC00, s25;
	s4 =	sand.u32 $0x60, s11;
	v3 =	vmul.f32 v3, v4;
	v4 =	vld.idx.msk [tilespmem:v15+s3+$0x0], $0xffff;
	v8 =	vmul.f32 v12, v8;
	v12 =	vadd.s32 $0x1, v17  }
0x1c3: {  	s5 =	sadd.s32 $0x1D000, s8;
	v9 =	vmul.f32 v9, v1;
	s7 =	sor.u32 $0x10, s4;
	v25 =	vld.idx.msk [tilespmem:v13+s3+$0x0], $0xffff;
	v23 =	vadd.f32 v23, v7;
	v7 =	vand.u32 $0xFFFF0000, v18  }
0x1c4: {  	v30 =	vld [tilespmem:s29+$0x180];
	s1 =	sor.u32 s7, s5;
	v28 =	vadd.s32 $0x100, v17;
	v3 =	vadd.f32 v8, v3;
	v8 =	vshll.u32 v18, $0x10  }
0x1c5: {  	v22 =	vshll.u32 v22, $0x10;
	v11 =	vmul.f32 v7, v21;
	v7 =	vld [tilespmem:s1+$0x0];
	v21 =	vmul.f32 v8, v21  }
0x1c6: {  	v8 =	vmul.f32 v22, v1;
	v18 =	vadd.f32 v24, v23;
	v24 =	vadd.s32 $0x101, v17;
	v22 =	vld.idx.msk [tilespmem:v17+s3+$0x0], $0xffff  }
0x1c7: {  	v26 =	vadd.f32 v10, v3;
	v10 =	vmul.f32 v14, v0;
	v3 =	vand.u32 $0xFFFF0000, v4;
	v14 =	vld.idx.msk [tilespmem:v12+s3+$0x0], $0xffff  }
0x1c8: {  	v57 =	vld [tilespmem:s29+$0x280];
	v9 =	vadd.f32 v9, v16;
	v29 =	vand.u32 $0xFFFF0000, v25;
	v3 =	vmul.f32 v3, v2  }
0x1c9: {  	v25 =	vshll.u32 v25, $0x10;
	v4 =	vshll.u32 v4, $0x10;
	v18 =	vadd.f32 v11, v18;
	v23 =	vld.idx.msk [tilespmem:v28+s3+$0x0], $0xffff  }
0x1ca: {  	v58 =	vld [tilespmem:s29+$0x380];
	s29 =	sadd.s32 $0x1D880, s9;
	v27 =	vadd.f32 v8, v10;
	v4 =	vmul.f32 v4, v2;
	v9 =	vadd.f32 v3, v9  }
0x1cb: {  	s9 =	sor.u32 s23, s29;
	v16 =	vadd.s32 $0x1, v7;
	v10 =	vadd.s32 $0x101, v7;
	v11 =	vadd.s32 $0x100, v7;
	v31 =	vld.idx.msk [tilespmem:v24+s3+$0x0], $0xffff  }
0x1cc: {  	s18 =	sor.u32 s17, s30;
	v59 =	vld [tilespmem:s9+$0x0];
	v8 =	vand.u32 $0xFFFF0000, v22;
	v22 =	vshll.u32 v22, $0x10;
	v60 =	vand.u32 $0xFFFF0000, v14  }
0x1cd: {  	s9 =	sor.u32 s4, s5;
	v3 =	vld [tilespmem:s18+$0x0];
	v61 =	vmul.f32 v8, v30;
	v14 =	vshll.u32 v14, $0x10;
	v32 =	vmul.f32 v60, v57  }
0x1ce: {  	v8 =	vld [tilespmem:s9+$0x0];
	v63 =	vmul.f32 v22, v30;
	v62 =	vand.u32 $0xFFFF0000, v23;
	v14 =	vmul.f32 v14, v57  }
0x1cf: {  	v22 =	vld [tilespmem:s1+$0x100];
	v43 =	vshll.u32 v23, $0x10;
	v42 =	vmul.f32 v62, v58;
	v32 =	vadd.f32 v32, v61  }
0x1d0: {  	v45 =	vld.idx.msk [tilespmem:v7+s3+$0x0], $0xffff;
	v37 =	vmul.f32 v43, v58;
	v44 =	vand.u32 $0xFFFF0000, v31;
	v14 =	vadd.f32 v14, v63  }
0x1d1: {  	v23 =	vld [tilespmem:s1+$0x200];
	v31 =	vshll.u32 v31, $0x10;
	v46 =	vmul.f32 v44, v59;
	v32 =	vadd.f32 v42, v32  }
0x1d2: {  	v4 =	vadd.f32 v4, v27;
	v47 =	vld.idx.msk [tilespmem:v16+s3+$0x0], $0xffff;
	v31 =	vmul.f32 v31, v59;
	v14 =	vadd.f32 v37, v14  }
0x1d3: {  	s10 =	sadd.s32 $0x1E880, s26;
	v29 =	vmul.f32 v29, v3;
	v25 =	vmul.f32 v25, v3;
	v49 =	vld.idx.msk [tilespmem:v11+s3+$0x0], $0xffff;
	v27 =	vadd.f32 v46, v32  }
0x1d4: {  	s25 =	sor.u32 s23, s10;
	s30 =	sadd.s32 $0x1EA80, s26;
	s18 =	sadd.s32 $0x1D800, s8;
	v48 =	vld.idx.msk [tilespmem:v10+s3+$0x0], $0xffff;
	v14 =	vadd.f32 v31, v14  }
0x1d5: {  	s5 =	sor.u32 s7, s18;
	v9 =	vadd.f32 v29, v9;
	v40 =	vadd.f32 v25, v4;
	v29 =	vld [tilespmem:s1+$0x300];
	v25 =	vshll.u32 v45, $0x10;
	[tilespmem:s25+$0x0] =	vst v27;
	s25 =	sor.u32 s23, s30  }
0x1d6: {  	v21 =	vadd.f32 v21, v26;
	v26 =	vadd.s32 $0x101, v8;
	v25 =	vmul.f32 v25, v22;
	v27 =	vld [tilespmem:s5+$0x0];
	[tilespmem:s25+$0x0] =	vst v14  }
0x1d7: {  	v32 =	vadd.s32 $0x1, v8;
	v14 =	vand.u32 $0xFFFF0000, v45;
	v4 =	vld.idx.msk [tilespmem:v17+s14+$0x0], $0xffff;
	v17 =	vand.u32 $0xFFFF0000, v47  }
0x1d8: {  	v41 =	vand.u32 $0xFFFF0000, v49;
	v12 =	vld.idx.msk [tilespmem:v12+s14+$0x0], $0xffff;
	v14 =	vmul.f32 v14, v22;
	v17 =	vmul.f32 v17, v23  }
0x1d9: {  	v39 =	vshll.u32 v47, $0x10;
	v36 =	vshll.u32 v49, $0x10;
	v31 =	vadd.s32 $0x100, v8;
	v28 =	vld.idx.msk [tilespmem:v28+s14+$0x0], $0xffff  }
0x1da: {  	v39 =	vmul.f32 v39, v23;
	s25 =	sor.u32 s22, s15;
	v51 =	vld.idx.msk [tilespmem:v24+s14+$0x0], $0xffff;
	v14 =	vadd.f32 v17, v14;
	v17 =	vmul.f32 v41, v29  }
0x1db: {  	v50 =	vand.u32 $0xFFFF0000, v48;
	v37 =	vshll.u32 v48, $0x10;
	v36 =	vmul.f32 v36, v29;
	[tilespmem:s25+$0x0] =	vst v18  }
0x1dc: {  	v18 =	vld.idx.msk [tilespmem:v32+s3+$0x0], $0xffff;
	v38 =	vmul.f32 v50, v27;
	v14 =	vadd.f32 v17, v14;
	v17 =	vadd.f32 v39, v25  }
0x1dd: {  	v52 =	vand.u32 $0xFFFF0000, v4;
	v42 =	vand.u32 $0xFFFF0000, v12;
	v4 =	vshll.u32 v4, $0x10  }
0x1de: {  	v56 =	vld.idx.msk [tilespmem:v31+s3+$0x0], $0xffff;
	v12 =	vshll.u32 v12, $0x10;
	v43 =	vand.u32 $0xFFFF0000, v28;
	v28 =	vshll.u32 v28, $0x10  }
0x1df: {  	s12 =	sor.u32 s22, s12;
	v24 =	vld [tilespmem:s9+$0x200];
	v55 =	vand.u32 $0xFFFF0000, v51;
	v39 =	vmul.f32 v52, v30;
	v42 =	vmul.f32 v42, v57  }
0x1e0: {  	[tilespmem:s12+$0x0] =	vst v21;
	v21 =	vld.idx.msk [tilespmem:v8+s3+$0x0], $0xffff;
	v41 =	vshll.u32 v51, $0x10;
	v30 =	vmul.f32 v4, v30;
	v12 =	vmul.f32 v12, v57  }
0x1e1: {  	s15 =	sor.u32 s17, s31;
	v54 =	vmul.f32 v43, v58;
	v4 =	vld [tilespmem:s24+$0x80];
	v57 =	vmul.f32 v55, v59;
	v60 =	vand.u32 $0xFFFF0000, v18  }
0x1e2: {  	s28 =	sor.u32 s17, s28;
	[tilespmem:s15+$0x0] =	vst v9;
	v25 =	vld [tilespmem:s9+$0x100];
	v53 =	vadd.f32 v42, v39;
	v12 =	vadd.f32 v12, v30;
	v30 =	vmul.f32 v28, v58  }
0x1e3: {  	[tilespmem:s28+$0x0] =	vst v40;
	v18 =	vshll.u32 v18, $0x10;
	v62 =	vand.u32 $0xFFFF0000, v56;
	v38 =	vadd.f32 v38, v14;
	v28 =	vld [tilespmem:s9+$0x300]  }
0x1e4: {  	s25 =	simm.s32 $0x80;
	v58 =	vld.idx.msk [tilespmem:v26+s3+$0x0], $0xffff;
	v33 =	vadd.f32 v54, v53;
	v12 =	vadd.f32 v30, v12;
	v30 =	vmul.f32 v41, v59  }
0x1e5: {  	s18 =	sor.u32 s4, s18;
	s31 =	sand.u32 $0x3FFFFF00, s25;
	v61 =	vld.idx.msk [tilespmem:v5+s14+$0x0], $0xffff;
	v17 =	vadd.f32 v36, v17;
	v5 =	vmul.f32 v60, v24;
	v59 =	vmul.f32 v37, v27  }
0x1e6: {  	v14 =	vld [tilespmem:s18+$0x0];
	s18 =	sadd.s32 $0x1E800, s31;
	v18 =	vmul.f32 v18, v24;
	v33 =	vadd.f32 v57, v33;
	v39 =	vadd.f32 v30, v12  }
0x1e7: {  	v9 =	vld [tilespmem:s24+$0x180];
	s15 =	sadd.s32 $0x1EA00, s31;
	s25 =	sor.u32 s7, s18;
	v30 =	vand.u32 $0xFFFF0000, v21;
	v21 =	vshll.u32 v21, $0x10;
	v17 =	vadd.f32 v59, v17  }
0x1e8: {  	s28 =	sor.u32 s7, s15;
	[tilespmem:s25+$0x0] =	vst v38;
	v12 =	vld.idx.msk [tilespmem:v6+s14+$0x0], $0xffff;
	v6 =	vmul.f32 v30, v25;
	v21 =	vmul.f32 v21, v25;
	v30 =	vshll.u32 v56, $0x10  }
0x1e9: {  	v44 =	vand.u32 $0xFFFF0000, v58;
	[tilespmem:s28+$0x0] =	vst v17;
	v63 =	vld.idx.msk [tilespmem:v4+s3+$0x0], $0xffff;
	v17 =	vmul.f32 v62, v28;
	v30 =	vmul.f32 v30, v28  }
0x1ea: {  	v38 =	vld.idx.msk [tilespmem:v7+s14+$0x0], $0xffff;
	v5 =	vadd.f32 v5, v6;
	v6 =	vadd.f32 v18, v21;
	v7 =	vshll.u32 v58, $0x10  }
0x1eb: {  	v45 =	vld.idx.msk [tilespmem:v16+s14+$0x0], $0xffff;
	v18 =	vmul.f32 v44, v14;
	v21 =	vmul.f32 v7, v14;
	v7 =	vadd.s32 $0x1, v4  }
0x1ec: {  	v46 =	vadd.f32 v17, v5;
	v30 =	vadd.f32 v30, v6;
	v6 =	vadd.s32 $0x100, v4  }
0x1ed: {  	v47 =	vld.idx.msk [tilespmem:v11+s14+$0x0], $0xffff;
	v5 =	vadd.s32 $0x101, v4;
	v17 =	vand.u32 $0xFFFF0000, v61;
	v16 =	vand.u32 $0xFFFF0000, v12  }
0x1ee: {  	v37 =	vadd.f32 v18, v46;
	v48 =	vadd.f32 v21, v30;
	v11 =	vand.u32 $0xFFFF0000, v63  }
0x1ef: {  	v49 =	vld.idx.msk [tilespmem:v10+s14+$0x0], $0xffff;
	v30 =	vshll.u32 v63, $0x10;
	v18 =	vshll.u32 v61, $0x10;
	v21 =	vmul.f32 v11, v9  }
0x1f0: {  	s5 =	sor.u32 s4, s18;
	v11 =	vld [tilespmem:s24+$0x280];
	v10 =	vand.u32 $0xFFFF0000, v38;
	v50 =	vand.u32 $0xFFFF0000, v45;
	v51 =	vshll.u32 v38, $0x10  }
0x1f1: {  	s18 =	sor.u32 s4, s15;
	v35 =	vshll.u32 v45, $0x10;
	[tilespmem:s5+$0x0] =	vst v37;
	v52 =	vld.idx.msk [tilespmem:v7+s3+$0x0], $0xffff;
	v53 =	vmul.f32 v10, v22;
	v34 =	vmul.f32 v50, v23  }
0x1f2: {  	v54 =	vand.u32 $0xFFFF0000, v47;
	v10 =	vld [tilespmem:s24+$0x380];
	v22 =	vmul.f32 v51, v22;
	v23 =	vmul.f32 v35, v23;
	[tilespmem:s18+$0x0] =	vst v48  }
0x1f3: {  	v57 =	vshll.u32 v47, $0x10;
	v56 =	vmul.f32 v54, v29;
	v55 =	vld.idx.msk [tilespmem:v8+s14+$0x0], $0xffff;
	v8 =	vadd.f32 v34, v53  }
0x1f4: {  	s25 =	sor.u32 s22, s29;
	v58 =	vand.u32 $0xFFFF0000, v49;
	s24 =	sadd.s32 $0x1EC80, s21;
	v32 =	vld.idx.msk [tilespmem:v32+s14+$0x0], $0xffff;
	v22 =	vadd.f32 v23, v22;
	v23 =	vmul.f32 v57, v29  }
0x1f5: {  	s28 =	sadd.s32 $0x1EE80, s21;
	v60 =	vshll.u32 v49, $0x10;
	v59 =	vmul.f32 v58, v27;
	s21 =	sadd.s32 $0x1EC80, s26;
	s29 =	sor.u32 s13, s24;
	v31 =	vld.idx.msk [tilespmem:v31+s14+$0x0], $0xffff;
	v29 =	vadd.f32 v56, v8  }
0x1f6: {  	s18 =	sor.u32 s13, s28;
	s13 =	sor.u32 s17, s24;
	s24 =	sor.u32 s23, s21;
	[tilespmem:s29+$0x0] =	vst v20;
	v22 =	vadd.f32 v23, v22;
	v23 =	vmul.f32 v60, v27;
	v27 =	vld.idx.msk [tilespmem:v26+s14+$0x0], $0xffff;
	v61 =	vand.u32 $0xFFFF0000, v52  }
0x1f7: {  	v15 =	vld.idx.msk [tilespmem:v15+s14+$0x0], $0xffff;
	s12 =	sadd.s32 $0x1EC00, s31;
	[tilespmem:s24+$0x0] =	vst v33;
	v20 =	vadd.f32 v59, v29;
	v26 =	vmul.f32 v61, v11;
	v29 =	vshll.u32 v52, $0x10  }
0x1f8: {  	s5 =	sadd.s32 $0x1EE00, s31;
	[tilespmem:s18+$0x0] =	vst v19;
	v8 =	vld [tilespmem:s25+$0x0];
	s25 =	sor.u32 s7, s12;
	v22 =	vadd.f32 v23, v22;
	v19 =	vand.u32 $0xFFFF0000, v55;
	v62 =	vshll.u32 v55, $0x10  }
0x1f9: {  	v13 =	vld.idx.msk [tilespmem:v13+s14+$0x0], $0xffff;
	s17 =	sor.u32 s17, s28;
	s28 =	sadd.s32 $0x1EE80, s26;
	s29 =	sor.u32 s7, s5;
	v23 =	vshll.u32 v32, $0x10;
	v63 =	vmul.f32 v19, v25;
	v19 =	vand.u32 $0xFFFF0000, v32;
	[tilespmem:s25+$0x0] =	vst v20  }
0x1fa: {  	s26 =	sor.u32 s22, s30;
	v33 =	vld.idx.msk [tilespmem:v6+s3+$0x0], $0xffff;
	s30 =	sor.u32 s23, s28;
	v25 =	vmul.f32 v62, v25;
	v20 =	vmul.f32 v19, v24;
	v19 =	vand.u32 $0xFFFF0000, v31;
	[tilespmem:s29+$0x0] =	vst v22  }
0x1fb: {  	s21 =	sor.u32 s22, s21;
	s24 =	sor.u32 s22, s10;
	[tilespmem:s30+$0x0] =	vst v39;
	v24 =	vmul.f32 v23, v24;
	v31 =	vshll.u32 v31, $0x10;
	v34 =	vand.u32 $0xFFFF0000, v27;
	v23 =	vld [tilespmem:s1+$0x80]  }
0x1fc: {  	s22 =	sor.u32 s22, s28;
	s10 =	sor.u32 s4, s12;
	s12 =	sor.u32 s4, s5;
	v22 =	vld.idx.msk [tilespmem:v5+s3+$0x0], $0xffff;
	v19 =	vmul.f32 v19, v28;
	v32 =	vadd.f32 v20, v63;
	v20 =	vmul.f32 v31, v28  }
.LBB2_6:
0x1fd: {  	s11 =	sadd.s32 $0x20, s11;
	v28 =	vmul.f32 v34, v14;
	v24 =	vadd.f32 v24, v25;
	v25 =	vshll.u32 v27, $0x10  }
0x1fe: {  	s5 =	sshll.u32 s11, $0x3;
	p1 =	slt.u32 s11, $0xC0;
	v19 =	vadd.f32 v19, v32;
	v14 =	vmul.f32 v25, v14;
	v25 =	vmul.f32 v29, v11  }
0x1ff: {  	v27 =	vmul.f32 v30, v9;
	s23 =	sand.u32 $0x60, s11;
	s15 =	sand.u32 $0x3FFFFC00, s5;
	v20 =	vadd.f32 v20, v24;
	v24 =	vand.u32 $0xFFFF0000, v33  }
0x200: {  	s28 =	sor.u32 $0x10, s23;
	s5 =	sadd.s32 $0x1D000, s15;
	v19 =	vadd.f32 v28, v19;
	v34 =	vadd.s32 $0x1, v23;
	v28 =	vshll.u32 v33, $0x10  }
0x201: {  	v24 =	vmul.f32 v24, v10;
	s29 =	sor.u32 s23, s5;
	s5 =	sor.u32 s28, s5;
	v14 =	vadd.f32 v14, v20;
	v20 =	vadd.f32 v26, v21  }
0x202: {  	v31 =	vadd.s32 $0x100, v23;
	v21 =	vld [tilespmem:s5+$0x0];
	[tilespmem:s10+$0x0] =	vst v19;
	v19 =	vadd.f32 v25, v27;
	v25 =	vmul.f32 v28, v10  }
0x203: {  	[tilespmem:s12+$0x0] =	vst v14;
	v30 =	vld [tilespmem:s1+$0x180];
	v20 =	vadd.f32 v24, v20;
	v24 =	vand.u32 $0xFFFF0000, v22;
	v22 =	vshll.u32 v22, $0x10  }
0x204: {  	v14 =	vadd.s32 $0x101, v23;
	v26 =	vld.idx.msk [tilespmem:v23+s3+$0x0], $0xffff;
	v24 =	vmul.f32 v24, v8;
	v19 =	vadd.f32 v25, v19  }
0x205: {  	v17 =	vmul.f32 v17, v0;
	v27 =	vshll.u32 v12, $0x10;
	v22 =	vmul.f32 v22, v8;
	v25 =	vld.idx.msk [tilespmem:v34+s3+$0x0], $0xffff  }
0x206: {  	v16 =	vmul.f32 v16, v1;
	v18 =	vmul.f32 v18, v0;
	v0 =	vmovc v9;
	v12 =	vld [tilespmem:s1+$0x280];
	v20 =	vadd.f32 v24, v20  }
0x207: {  	v19 =	vadd.f32 v22, v19;
	v22 =	vand.u32 $0xFFFF0000, v15;
	v24 =	vmul.f32 v27, v1;
	v1 =	vmovc v11;
	v9 =	vld.idx.msk [tilespmem:v31+s3+$0x0], $0xffff  }
0x208: {  	v29 =	vadd.f32 v16, v17;
	v15 =	vshll.u32 v15, $0x10;
	v32 =	vmul.f32 v22, v2;
	v11 =	vld [tilespmem:s1+$0x380];
	[tilespmem:s24+$0x0] =	vst v20;
	s1 =	smov.u32 s5  }
0x209: {  	v33 =	vand.u32 $0xFFFF0000, v13;
	v36 =	vmul.f32 v15, v2;
	s5 =	sadd.s32 $0x1D880, s8;
	v35 =	vadd.f32 v24, v18;
	s8 =	smov.u32 s15;
	v27 =	vld.idx.msk [tilespmem:v14+s3+$0x0], $0xffff;
	[tilespmem:s26+$0x0] =	vst v19  }
0x20a: {  	v17 =	vadd.s32 $0x1, v21;
	v16 =	vadd.s32 $0x100, v21;
	v2 =	vmovc v10;
	v18 =	vadd.s32 $0x101, v21;
	s10 =	sor.u32 s4, s5;
	s5 =	sor.u32 s7, s5;
	v22 =	vld [tilespmem:s29+$0x0]  }
0x20b: {  	v10 =	vand.u32 $0xFFFF0000, v26;
	v24 =	vshll.u32 v26, $0x10;
	v20 =	vand.u32 $0xFFFF0000, v25;
	v15 =	vld [tilespmem:s5+$0x0]  }
0x20c: {  	v10 =	vmul.f32 v10, v30;
	v25 =	vshll.u32 v25, $0x10;
	v26 =	vmul.f32 v20, v12;
	v19 =	vld [tilespmem:s29+$0x100]  }
0x20d: {  	v37 =	vmul.f32 v24, v30;
	v38 =	vmul.f32 v25, v12;
	v28 =	vand.u32 $0xFFFF0000, v9;
	v20 =	vld [tilespmem:s29+$0x200]  }
0x20e: {  	v9 =	vshll.u32 v9, $0x10;
	v10 =	vadd.f32 v26, v10;
	v26 =	vmul.f32 v28, v11;
	v24 =	vld [tilespmem:s1+$0x100]  }
0x20f: {  	v37 =	vadd.f32 v38, v37;
	v9 =	vmul.f32 v9, v11;
	v28 =	vand.u32 $0xFFFF0000, v27;
	v25 =	vld [tilespmem:s1+$0x200]  }
0x210: {  	v10 =	vadd.f32 v26, v10;
	v26 =	vshll.u32 v27, $0x10;
	v38 =	vld.idx.msk [tilespmem:v21+s3+$0x0], $0xffff;
	v39 =	vmul.f32 v28, v15  }
0x211: {  	v27 =	vadd.s32 $0x1, v22;
	v9 =	vadd.f32 v9, v37;
	v37 =	vmul.f32 v26, v15;
	v40 =	vld.idx.msk [tilespmem:v17+s3+$0x0], $0xffff  }
0x212: {  	s12 =	sadd.s32 $0x1E880, s31;
	s5 =	sadd.s32 $0x1D800, s8;
	v26 =	vadd.s32 $0x101, v22;
	v28 =	vadd.s32 $0x100, v22;
	v41 =	vld.idx.msk [tilespmem:v18+s3+$0x0], $0xffff;
	v10 =	vadd.f32 v39, v10  }
0x213: {  	s18 =	sadd.s32 $0x1EA80, s31;
	v13 =	vshll.u32 v13, $0x10;
	s25 =	sor.u32 s7, s12;
	s15 =	sor.u32 s28, s5;
	v9 =	vadd.f32 v37, v9;
	v37 =	vadd.f32 v32, v29;
	v39 =	vld.idx.msk [tilespmem:v16+s3+$0x0], $0xffff  }
0x214: {  	v13 =	vmul.f32 v13, v3;
	s24 =	sor.u32 s4, s12;
	s12 =	sor.u32 s7, s18;
	s5 =	sor.u32 s23, s5;
	v29 =	vld [tilespmem:s15+$0x0];
	[tilespmem:s25+$0x0] =	vst v10;
	v10 =	vmul.f32 v33, v3;
	v33 =	vadd.f32 v36, v35  }
0x215: {  	s26 =	sor.u32 s4, s18;
	v3 =	vmov v8;
	v32 =	vld [tilespmem:s1+$0x300];
	[tilespmem:s12+$0x0] =	vst v9  }
0x216: {  	v8 =	vld.idx.msk [tilespmem:v23+s14+$0x0], $0xffff;
	v9 =	vadd.f32 v10, v37;
	v10 =	vadd.f32 v13, v33  }
0x217: {  	v13 =	vand.u32 $0xFFFF0000, v38;
	v23 =	vand.u32 $0xFFFF0000, v40;
	v33 =	vshll.u32 v38, $0x10;
	v34 =	vld.idx.msk [tilespmem:v34+s14+$0x0], $0xffff  }
0x218: {  	v13 =	vmul.f32 v13, v24;
	v23 =	vmul.f32 v23, v25;
	v36 =	vand.u32 $0xFFFF0000, v41;
	v35 =	vld.idx.msk [tilespmem:v27+s3+$0x0], $0xffff;
	[tilespmem:s13+$0x0] =	vst v9;
	s13 =	smov.u32 s21  }
0x219: {  	v37 =	vshll.u32 v40, $0x10;
	v33 =	vmul.f32 v33, v24;
	v9 =	vand.u32 $0xFFFF0000, v39;
	v38 =	vld.idx.msk [tilespmem:v31+s14+$0x0], $0xffff;
	[tilespmem:s17+$0x0] =	vst v10;
	s17 =	smov.u32 s22  }
0x21a: {  	v10 =	vadd.f32 v23, v13;
	v13 =	vmul.f32 v37, v25;
	v40 =	vld.idx.msk [tilespmem:v22+s3+$0x0], $0xffff;
	v9 =	vmul.f32 v9, v32  }
0x21b: {  	v23 =	vmul.f32 v36, v29;
	v31 =	vshll.u32 v39, $0x10;
	v36 =	vshll.u32 v41, $0x10;
	v37 =	vld.idx.msk [tilespmem:v14+s14+$0x0], $0xffff  }
0x21c: {  	v13 =	vadd.f32 v13, v33;
	v33 =	vmul.f32 v31, v32;
	v39 =	vld.idx.msk [tilespmem:v28+s3+$0x0], $0xffff;
	v10 =	vadd.f32 v9, v10  }
0x21d: {  	v9 =	vand.u32 $0xFFFF0000, v8;
	v14 =	vand.u32 $0xFFFF0000, v34;
	v8 =	vshll.u32 v8, $0x10;
	v31 =	vld [tilespmem:s29+$0x300]  }
0x21e: {  	v34 =	vshll.u32 v34, $0x10;
	v9 =	vmul.f32 v9, v30;
	v42 =	vmul.f32 v14, v12;
	v41 =	vld.idx.msk [tilespmem:v26+s3+$0x0], $0xffff  }
0x21f: {  	v8 =	vmul.f32 v8, v30;
	v12 =	vmul.f32 v34, v12;
	v43 =	vand.u32 $0xFFFF0000, v38;
	v14 =	vld [tilespmem:s5+$0x0]  }
0x220: {  	v38 =	vshll.u32 v38, $0x10;
	v34 =	vadd.f32 v42, v9;
	v42 =	vmul.f32 v43, v11;
	v30 =	vld [tilespmem:s9+$0x80]  }
0x221: {  	s5 =	sshll.u32 s11, $0x1;
	v8 =	vadd.f32 v12, v8;
	v12 =	vmul.f32 v38, v11;
	v43 =	vand.u32 $0xFFFF0000, v37;
	v9 =	vld [tilespmem:s9+$0x180]  }
0x222: {  	s5 =	sand.u32 $0x3FFFFF00, s5;
	v37 =	vshll.u32 v37, $0x10;
	v34 =	vadd.f32 v42, v34;
	v38 =	vmul.f32 v43, v15;
	v11 =	vld [tilespmem:s9+$0x280]  }
0x223: {  	v23 =	vadd.f32 v23, v10;
	s15 =	sadd.s32 $0x1E800, s5;
	v12 =	vadd.f32 v12, v8;
	v15 =	vmul.f32 v37, v15;
	v10 =	vld [tilespmem:s9+$0x380];
	s9 =	smov.u32 s29  }
0x224: {  	v13 =	vadd.f32 v33, v13;
	v33 =	vmul.f32 v36, v29;
	s12 =	sor.u32 s23, s15;
	s15 =	sor.u32 s28, s15;
	v34 =	vadd.f32 v38, v34;
	v8 =	vld [tilespmem:s10+$0x0];
	s10 =	sadd.s32 $0x1EC80, s31  }
0x225: {  	v36 =	vand.u32 $0xFFFF0000, v35;
	v35 =	vshll.u32 v35, $0x10;
	v15 =	vadd.f32 v15, v12;
	[tilespmem:s15+$0x0] =	vst v23;
	s21 =	sor.u32 s4, s10;
	s15 =	sadd.s32 $0x1EE80, s31;
	s10 =	sor.u32 s7, s10;
	v23 =	vld.idx.msk [tilespmem:v4+s14+$0x0], $0xffff;
	v4 =	vmovc v30  }
0x226: {  	v13 =	vadd.f32 v33, v13;
	v37 =	vand.u32 $0xFFFF0000, v40;
	s18 =	sadd.s32 $0x1EA00, s5;
	v38 =	vshll.u32 v40, $0x10;
	s22 =	sor.u32 s4, s15;
	[tilespmem:s10+$0x0] =	vst v34;
	s4 =	sor.u32 s7, s15;
	v12 =	vld.idx.msk [tilespmem:v7+s14+$0x0], $0xffff  }
0x227: {  	v33 =	vand.u32 $0xFFFF0000, v39;
	v7 =	vmul.f32 v36, v20;
	v34 =	vmul.f32 v35, v20;
	s10 =	sor.u32 s23, s18;
	s7 =	sor.u32 s28, s18;
	[tilespmem:s4+$0x0] =	vst v15;
	v15 =	vld.idx.msk [tilespmem:v6+s14+$0x0], $0xffff;
	s4 =	smov.u32 s23  }
0x228: {  	s31 =	smov.u32 s5;
	v35 =	vmul.f32 v38, v19;
	v36 =	vshll.u32 v39, $0x10;
	v6 =	vmul.f32 v37, v19;
	[tilespmem:s7+$0x0] =	vst v13;
	v30 =	vld.idx.msk [tilespmem:v30+s3+$0x0], $0xffff;
	s7 =	smov.u32 s28  }
0x229: {  	v33 =	vmul.f32 v33, v31;
	v36 =	vmul.f32 v36, v31;
	v13 =	vand.u32 $0xFFFF0000, v41;
	v37 =	vld.idx.msk [tilespmem:v21+s14+$0x0], $0xffff  }
0x22a: {  	v6 =	vadd.f32 v7, v6;
	v21 =	vadd.f32 v34, v35;
	v7 =	vshll.u32 v41, $0x10;
	v34 =	vld.idx.msk [tilespmem:v17+s14+$0x0], $0xffff  }
0x22b: {  	v35 =	vmul.f32 v13, v14;
	v38 =	vmul.f32 v7, v14;
	v7 =	vadd.s32 $0x1, v4;
	v13 =	vld.idx.msk [tilespmem:v5+s14+$0x0], $0xffff  }
0x22c: {  	v33 =	vadd.f32 v33, v6;
	v21 =	vadd.f32 v36, v21;
	v6 =	vadd.s32 $0x100, v4;
	v36 =	vld.idx.msk [tilespmem:v16+s14+$0x0], $0xffff  }
0x22d: {  	v17 =	vand.u32 $0xFFFF0000, v23;
	v5 =	vadd.s32 $0x101, v4;
	v16 =	vand.u32 $0xFFFF0000, v12  }
0x22e: {  	v33 =	vadd.f32 v35, v33;
	v35 =	vadd.f32 v38, v21;
	v38 =	vld.idx.msk [tilespmem:v18+s14+$0x0], $0xffff;
	v18 =	vand.u32 $0xFFFF0000, v30  }
0x22f: {  	v30 =	vshll.u32 v30, $0x10;
	v21 =	vmul.f32 v18, v9;
	v18 =	vshll.u32 v23, $0x10  }
0x230: {  	v23 =	vand.u32 $0xFFFF0000, v37;
	v37 =	vshll.u32 v37, $0x10;
	[tilespmem:s12+$0x0] =	vst v33;
	v33 =	vand.u32 $0xFFFF0000, v34;
	v39 =	vld.idx.msk [tilespmem:v7+s3+$0x0], $0xffff  }
0x231: {  	v23 =	vmul.f32 v23, v24;
	v34 =	vshll.u32 v34, $0x10;
	[tilespmem:s10+$0x0] =	vst v35;
	v35 =	vmul.f32 v33, v25;
	v33 =	vld.idx.msk [tilespmem:v6+s3+$0x0], $0xffff  }
0x232: {  	v24 =	vmul.f32 v37, v24;
	v25 =	vmul.f32 v34, v25;
	v40 =	vld.idx.msk [tilespmem:v22+s14+$0x0], $0xffff;
	v22 =	vand.u32 $0xFFFF0000, v36  }
0x233: {  	v34 =	vld.idx.msk [tilespmem:v27+s14+$0x0], $0xffff;
	v23 =	vadd.f32 v35, v23;
	v22 =	vmul.f32 v22, v32;
	v27 =	vshll.u32 v36, $0x10  }
0x234: {  	v35 =	vand.u32 $0xFFFF0000, v38;
	v24 =	vadd.f32 v25, v24;
	v28 =	vld.idx.msk [tilespmem:v28+s14+$0x0], $0xffff;
	v25 =	vmul.f32 v27, v32  }
0x235: {  	v27 =	vld.idx.msk [tilespmem:v26+s14+$0x0], $0xffff;
	v23 =	vadd.f32 v22, v23;
	v26 =	vmul.f32 v35, v29;
	v22 =	vshll.u32 v38, $0x10  }
0x236: {  	v24 =	vadd.f32 v25, v24;
	v25 =	vmul.f32 v22, v29;
	v22 =	vld.idx.msk [tilespmem:v5+s3+$0x0], $0xffff;
	v29 =	vand.u32 $0xFFFF0000, v39  }
0x237: {  	s5 =	sadd.s32 $0x1EC00, s31;
	s15 =	sadd.s32 $0x1EE00, s31;
	v23 =	vadd.f32 v26, v23;
	v26 =	vmul.f32 v29, v11;
	v29 =	vshll.u32 v39, $0x10  }
.Ltmp1:
0x238: {  	s10 =	sor.u32 s4, s5;
	s5 =	sor.u32 s7, s5;
	v32 =	vand.u32 $0xFFFF0000, v40;
	v35 =	vshll.u32 v40, $0x10;
	v24 =	vadd.f32 v25, v24;
	(pc) =	sbr.rel @p1 .LBB2_6-.Ltmp1, $4  }
0x239: {  	s12 =	sor.u32 s4, s15;
	v32 =	vmul.f32 v32, v19;
	v25 =	vand.u32 $0xFFFF0000, v34;
	v34 =	vshll.u32 v34, $0x10;
	[tilespmem:s5+$0x0] =	vst v23;
	s5 =	sor.u32 s7, s15  }
0x23a: {  	v36 =	vmul.f32 v25, v20;
	v23 =	vand.u32 $0xFFFF0000, v28;
	v25 =	vmul.f32 v35, v19;
	[tilespmem:s5+$0x0] =	vst v24  }
0x23b: {  	v19 =	vmul.f32 v23, v31;
	v24 =	vmul.f32 v34, v20;
	v20 =	vshll.u32 v28, $0x10;
	v23 =	vld [tilespmem:s1+$0x80]  }
0x23c: {  	v34 =	vand.u32 $0xFFFF0000, v27;
	v32 =	vadd.f32 v36, v32;
	v20 =	vmul.f32 v20, v31  }
0x23d: {  	_ =	sdelay $0x2  }
0x23e: {  	v28 =	vadd.s32 $0x1, v23  }
0x23f: {  	v24 =	vadd.f32 v24, v25;
	v34 =	vmul.f32 v34, v14  }
0x240: {  	v27 =	vshll.u32 v27, $0x10;
	v47 =	vmul.f32 v29, v11;
	v31 =	vadd.s32 $0x100, v23  }
0x241: {  	v35 =	vld [tilespmem:s1+$0x180];
	v49 =	vand.u32 $0xFFFF0000, v33;
	v30 =	vmul.f32 v30, v9;
	v21 =	vadd.f32 v26, v21  }
0x242: {  	v56 =	vshll.u32 v33, $0x10;
	v60 =	vand.u32 $0xFFFF0000, v22;
	v36 =	vld.idx.msk [tilespmem:v23+s3+$0x0], $0xffff;
	v25 =	vadd.s32 $0x101, v23  }
0x243: {  	v61 =	vshll.u32 v22, $0x10;
	v19 =	vadd.f32 v19, v32;
	v46 =	vmul.f32 v27, v14;
	v37 =	vld.idx.msk [tilespmem:v28+s3+$0x0], $0xffff  }
0x244: {  	v12 =	vshll.u32 v12, $0x10;
	v32 =	vld [tilespmem:s1+$0x280];
	v50 =	vmul.f32 v49, v10;
	v63 =	vmul.f32 v60, v8  }
0x245: {  	v22 =	vmul.f32 v61, v8;
	v20 =	vadd.f32 v20, v24;
	v19 =	vadd.f32 v34, v19;
	v48 =	vld.idx.msk [tilespmem:v31+s3+$0x0], $0xffff  }
0x246: {  	s11 =	sadd.s32 $0x1D880, s8;
	v33 =	vmul.f32 v12, v1;
	v27 =	vadd.f32 v47, v30;
	v34 =	vld [tilespmem:s1+$0x380];
	v21 =	vadd.f32 v50, v21  }
0x247: {  	s28 =	sor.u32 s7, s11;
	v20 =	vadd.f32 v46, v20;
	[tilespmem:s10+$0x0] =	vst v19;
	v19 =	vmul.f32 v56, v10;
	v51 =	vld.idx.msk [tilespmem:v25+s3+$0x0], $0xffff;
	v38 =	vand.u32 $0xFFFF0000, v36  }
0x248: {  	v14 =	vld [tilespmem:s28+$0x0];
	v36 =	vshll.u32 v36, $0x10;
	v38 =	vmul.f32 v38, v35;
	v39 =	vand.u32 $0xFFFF0000, v37  }
0x249: {  	v21 =	vadd.f32 v63, v21;
	v36 =	vmul.f32 v36, v35;
	v39 =	vmul.f32 v39, v32  }
0x24a: {  	v37 =	vshll.u32 v37, $0x10;
	v40 =	vand.u32 $0xFFFF0000, v48;
	v24 =	vshll.u32 v48, $0x10  }
0x24b: {  	v37 =	vmul.f32 v37, v32;
	v53 =	vmul.f32 v40, v34;
	v52 =	vadd.f32 v39, v38  }
0x24c: {  	v19 =	vadd.f32 v19, v27;
	v55 =	vand.u32 $0xFFFF0000, v51;
	v24 =	vmul.f32 v24, v34  }
0x24d: {  	v57 =	vmul.f32 v55, v14;
	v54 =	vadd.f32 v37, v36;
	v30 =	vadd.f32 v53, v52  }
0x24e: {  	[tilespmem:s12+$0x0] =	vst v20;
	v27 =	vmul.f32 v18, v0;
	v29 =	vshll.u32 v51, $0x10;
	v48 =	vadd.f32 v22, v19  }
0x24f: {  	[tilespmem:s24+$0x0] =	vst v21;
	v59 =	vmul.f32 v29, v14;
	v58 =	vadd.f32 v24, v54;
	v62 =	vadd.f32 v57, v30;
	v30 =	vld [tilespmem:s9+$0x80]  }
0x250: {  	s29 =	sadd.s32 $0x1E880, s31;
	v17 =	vmul.f32 v17, v0;
	v16 =	vmul.f32 v16, v1;
	[tilespmem:s26+$0x0] =	vst v48  }
0x251: {  	s30 =	sadd.s32 $0x1EA80, s31;
	s5 =	sor.u32 s7, s29;
	v0 =	vadd.f32 v33, v27;
	v4 =	vld.idx.msk [tilespmem:v4+s14+$0x0], $0xffff;
	v20 =	vadd.f32 v59, v58  }
0x252: {  	s10 =	sor.u32 s7, s30;
	v29 =	vand.u32 $0xFFFF0000, v15;
	v36 =	vadd.f32 v16, v17;
	v39 =	vshll.u32 v15, $0x10;
	v7 =	vld.idx.msk [tilespmem:v7+s14+$0x0], $0xffff;
	[tilespmem:s5+$0x0] =	vst v62  }
0x253: {  	v44 =	vshll.u32 v13, $0x10;
	v37 =	vmul.f32 v29, v2;
	v6 =	vld.idx.msk [tilespmem:v6+s14+$0x0], $0xffff;
	v41 =	vmul.f32 v39, v2;
	[tilespmem:s10+$0x0] =	vst v20  }
0x254: {  	v47 =	vmul.f32 v44, v3;
	v40 =	vand.u32 $0xFFFF0000, v13;
	v38 =	vld.idx.msk [tilespmem:v23+s14+$0x0], $0xffff;
	v23 =	vadd.s32 $0x1, v30  }
0x255: {  	v45 =	vmul.f32 v40, v3;
	v42 =	vadd.f32 v37, v36;
	v0 =	vadd.f32 v41, v0;
	v20 =	vld.idx.msk [tilespmem:v28+s14+$0x0], $0xffff  }
0x256: {  	v3 =	vld [tilespmem:s9+$0x180];
	v18 =	vadd.s32 $0x100, v30  }
0x257: {  	v2 =	vadd.f32 v45, v42;
	v0 =	vadd.f32 v47, v0;
	v46 =	vld.idx.msk [tilespmem:v25+s14+$0x0], $0xffff  }
0x258: {  	v40 =	vand.u32 $0xFFFF0000, v4;
	v41 =	vand.u32 $0xFFFF0000, v7;
	v19 =	vadd.s32 $0x101, v30;
	v49 =	vld.idx.msk [tilespmem:v30+s3+$0x0], $0xffff  }
0x259: {  	v4 =	vshll.u32 v4, $0x10;
	v7 =	vshll.u32 v7, $0x10;
	v44 =	vand.u32 $0xFFFF0000, v6;
	v52 =	vld.idx.msk [tilespmem:v23+s3+$0x0], $0xffff  }
0x25a: {  	v25 =	vld [tilespmem:s9+$0x280];
	v51 =	vand.u32 $0xFFFF0000, v20;
	v17 =	vshll.u32 v38, $0x10;
	v20 =	vshll.u32 v20, $0x10  }
0x25b: {  	v6 =	vshll.u32 v6, $0x10;
	v17 =	vmul.f32 v17, v35;
	v54 =	vld.idx.msk [tilespmem:v18+s3+$0x0], $0xffff;
	v20 =	vmul.f32 v20, v32  }
0x25c: {  	v4 =	vmul.f32 v4, v9;
	v7 =	vmul.f32 v7, v11;
	v28 =	vld [tilespmem:s9+$0x380];
	v50 =	vand.u32 $0xFFFF0000, v38  }
0x25d: {  	s11 =	sor.u32 s4, s11;
	v1 =	vmul.f32 v50, v35;
	v22 =	vmul.f32 v51, v32;
	v58 =	vld.idx.msk [tilespmem:v19+s3+$0x0], $0xffff;
	v17 =	vadd.f32 v20, v17  }
0x25e: {  	v32 =	vld [tilespmem:s11+$0x0];
	v57 =	vand.u32 $0xFFFF0000, v49;
	v15 =	vshll.u32 v49, $0x10;
	v60 =	vand.u32 $0xFFFF0000, v52  }
0x25f: {  	v5 =	vld.idx.msk [tilespmem:v5+s14+$0x0], $0xffff;
	v59 =	vmul.f32 v57, v3;
	v24 =	vshll.u32 v52, $0x10;
	v61 =	vmul.f32 v60, v25  }
0x260: {  	v15 =	vmul.f32 v15, v3;
	v63 =	vand.u32 $0xFFFF0000, v54;
	v62 =	vmul.f32 v24, v25  }
0x261: {  	v27 =	vshll.u32 v54, $0x10;
	v33 =	vmul.f32 v63, v28;
	v20 =	vadd.f32 v61, v59  }
0x262: {  	v36 =	vand.u32 $0xFFFF0000, v58;
	v35 =	vmul.f32 v27, v28;
	v13 =	vadd.f32 v62, v15  }
0x263: {  	v43 =	vld.idx.msk [tilespmem:v31+s14+$0x0], $0xffff;
	v37 =	vshll.u32 v58, $0x10;
	v24 =	vmul.f32 v36, v32;
	v20 =	vadd.f32 v33, v20  }
0x264: {  	v47 =	vand.u32 $0xFFFF0000, v5;
	v38 =	vmul.f32 v37, v32;
	v13 =	vadd.f32 v35, v13  }
0x265: {  	v6 =	vmul.f32 v6, v10;
	v4 =	vadd.f32 v7, v4;
	v20 =	vadd.f32 v24, v20  }
0x266: {  	s1 =	sor.u32 s4, s29;
	v5 =	vshll.u32 v5, $0x10;
	v42 =	vmul.f32 v40, v9;
	v13 =	vadd.f32 v38, v13  }
0x267: {  	s12 =	sor.u32 s4, s30;
	v9 =	vmul.f32 v44, v10;
	v5 =	vmul.f32 v5, v8;
	v4 =	vadd.f32 v6, v4;
	[tilespmem:s1+$0x0] =	vst v20  }
0x268: {  	v53 =	vand.u32 $0xFFFF0000, v43;
	v12 =	vshll.u32 v43, $0x10;
	v43 =	vmul.f32 v41, v11;
	[tilespmem:s12+$0x0] =	vst v13  }
0x269: {  	v56 =	vand.u32 $0xFFFF0000, v46;
	v55 =	vmul.f32 v53, v34;
	v1 =	vadd.f32 v22, v1;
	v45 =	vld.idx.msk [tilespmem:v30+s14+$0x0], $0xffff  }
0x26a: {  	v16 =	vshll.u32 v46, $0x10;
	v12 =	vmul.f32 v12, v34;
	v13 =	vadd.f32 v43, v42;
	v46 =	vld.idx.msk [tilespmem:v23+s14+$0x0], $0xffff  }
0x26b: {  	v39 =	vmul.f32 v56, v14;
	v14 =	vmul.f32 v16, v14;
	v1 =	vadd.f32 v55, v1  }
0x26c: {  	v49 =	vmul.f32 v47, v8;
	v12 =	vadd.f32 v12, v17;
	v50 =	vld.idx.msk [tilespmem:v18+s14+$0x0], $0xffff;
	v48 =	vadd.f32 v9, v13  }
0x26d: {  	v4 =	vadd.f32 v5, v4;
	v1 =	vadd.f32 v39, v1  }
0x26e: {  	v12 =	vadd.f32 v14, v12;
	v52 =	vld.idx.msk [tilespmem:v19+s14+$0x0], $0xffff;
	v51 =	vadd.f32 v49, v48  }
0x26f: {  	v53 =	vand.u32 $0xFFFF0000, v45;
	v54 =	vand.u32 $0xFFFF0000, v46;
	v11 =	vshll.u32 v45, $0x10  }
0x270: {  	[tilespmem:s13+$0x0] =	vst v2;
	s13 =	sadd.s32 $0x1EC80, s31;
	v55 =	vshll.u32 v46, $0x10;
	v8 =	vmul.f32 v53, v3;
	v9 =	vmul.f32 v54, v25  }
0x271: {  	s15 =	sadd.s32 $0x1EE80, s31;
	[tilespmem:s17+$0x0] =	vst v0;
	s17 =	sor.u32 s7, s13;
	v56 =	vand.u32 $0xFFFF0000, v50;
	v3 =	vmul.f32 v11, v3;
	v13 =	vmul.f32 v55, v25  }
0x272: {  	s18 =	sor.u32 s7, s15;
	[tilespmem:s17+$0x0] =	vst v1;
	v59 =	vshll.u32 v50, $0x10;
	v58 =	vmul.f32 v56, v28;
	v57 =	vadd.f32 v9, v8  }
0x273: {  	[tilespmem:s18+$0x0] =	vst v12;
	v60 =	vand.u32 $0xFFFF0000, v52;
	v3 =	vadd.f32 v13, v3;
	v9 =	vmul.f32 v59, v28  }
0x274: {  	v62 =	vshll.u32 v52, $0x10;
	[tilespmem:s21+$0x0] =	vst v51;
	v0 =	vmul.f32 v60, v32;
	v61 =	vadd.f32 v58, v57  }
0x275: {  	v2 =	vmul.f32 v62, v32;
	[tilespmem:s22+$0x0] =	vst v4;
	v3 =	vadd.f32 v9, v3  }
0x276: {  	s7 =	rddreg [dreg:$0xa];
	v0 =	vadd.f32 v0, v61  }
0x277: {  	s1 =	sor.u32 s4, s13;
	s7 =	sadd.s32 @!p0 s16, s7;
	v63 =	vadd.f32 v2, v3  }
0x278: {  	s22 =	sor.u32 s4, s15;
	[tilespmem:s1+$0x0] =	vst v0;
	s1 =	sshrl.u32 @!p0 s7, $0x3  }
0x279: {  	s5 =	simm.s32 @!p0 $0x1D000;
	s4 =	simm.s32 @!p0 $0x0;
	[tilespmem:s22+$0x0] =	vst v63;
	s1 =	sadd.s32 @!p0 s6, s1  }
0x27a: {  	[tilespmem:s5], [sflag:$0x3] =	stream.linear.gather @!p0 [hbm4b:s1+s4], $0x1000, $0x38;
	[tilespmem:$0x1F000] =	vst v63  }
0x27b: {  	s23 =	rddreg [dreg:$0x4]  }
0x27c: {  	s1 =	sadd.s32 s2, s23  }
0x27d: {  	s0 =	sadd.s32 $0x1, s0;
	s24 =	simm.s32 $0x1E800;
	s2 =	sadd.s32 $0x20, s1  }
0x27e: {  	[hbm4b:s2+s19] =	stream.strided.scatter [tilespmem:s24], [sflag:$0x5], $0x200, s20, s19, $0x38;
	[tilespmem:$0x1F000] =	vst v63  }
0x27f: {  	s28 =	simm.s32 $0x1EA00;
	p0 =	sne.s32 s0, $0x38;
	s26 =	sadd.s32 $0x1C20, s1  }
0x280: {  	[hbm4b:s26+s19] =	stream.strided.scatter [tilespmem:s28], [sflag:$0x5], $0x200, s20, s19, $0x38;
	[tilespmem:$0x1F000] =	vst v63  }
.Ltmp2:
0x281: {  	_ = 	snop;
	(pc) =	sbr.rel @p0 .LBB2_3-.Ltmp2, $4  }
0x282: {  	s30 =	simm.s32 $0x1EC00;
	s29 =	sadd.s32 $0x3820, s1  }
0x283: {  	[hbm4b:s29+s19] =	stream.strided.scatter [tilespmem:s30], [sflag:$0x5], $0x200, s20, s19, $0x38;
	[tilespmem:$0x1F000] =	vst v63  }
0x284: {  	s25 =	smov.u32 s6;
	s31 =	simm.s32 $0x1EE00;
	s1 =	sadd.s32 $0x5420, s1  }
0x285: {  	[hbm4b:s1+s19] =	stream.strided.scatter [tilespmem:s31], [sflag:$0x5], $0x200, s20, s19, $0x38;
	[tilespmem:$0x1F000] =	vst v63  }
0x286: {  	s0 =	simm.s32 $0x4  }
0x287: {  	_ =	swait.ge [sflag:s0], $0x800  }
0x288: {  	[sflag:s0] =	ssyncset.done $0x0  }
0x289: {  	s31 =	simm.s32 $0x5;
	[sflag:s0] =	ssyncadd.s32 $0xFFFFF800  }
0x28a: {  	_ =	swait.ge [sflag:s31], $0x800  }
0x28b: {  	s1 =	rddreg [dreg:$0xd]  }
0x28c: {  	s1 =	sadd.s32 $0x1, s1  }
0x28d: {  	p0 =	sne.s32 s1, $0x6  }
.Ltmp3:
0x28e: {  	_ = 	snop;
	(pc) =	sbr.rel @p0 .LBB2_2-.Ltmp3, $3  }
0x28f: {  	_ =	sdelay $0x1  }
0x290: {  	[sflag:s31] =	ssyncset.done $0x0  }
0x291: {  	[sflag:s31] =	ssyncadd.s32 $0xFFFFF800  }
0x292: {  	s1 =	rddreg [dreg:$0xc]  }
0x293: {  	s0 =	rddreg [dreg:$0xb];
	s1 =	sadd.s32 $0x1, s1  }
0x294: {  	p0 =	sne.s32 s1, s0  }
.Ltmp4:
0x295: {  	_ = 	snop;
	(pc) =	sbr.rel @p0 .LBB2_1-.Ltmp4, $1  }
0x296: {  	_ =	sdelay $0x3  }
0x297: {  	_ =	sfence.sel $0x180000  }
0x298: {  	[bflag:$0x0] =	sbarrier.arrive $0xFFFF  }
0x299: {  	_ =	strace $0x90000047  }
0x29a: {  	s0 =	stileid.u32;
	[bflag:$0x2] =	sbarrier.arrive $0xFFFF  }
0x29b: {  	p0 =	sne.s32 s0, $0x0;
	s0 =	rddreg [dreg:$0x2]  }
0x29c: {  	s0 =	sadd.s32 @!p0 $0x100000, s0  }
0x29d: {  	[sflag:s0] =	ssyncadd.tile.s32 @!p0 $0x1;
	_ =	shalt  }
.Lfunc_end2:
_tile_overlayer_lowered:
.L_overlay_start_2:
0x29e: {  	(tag) =	ssettag $0x2  }
0x29f: {  	s0 =	rddreg [dreg:$0x0];
	s2 =	stileid.u32  }
0x2a0: {  	s1 =	rddreg [dreg:$0x1];
	p0 =	sne.s32 s2, $0x0  }
0x2a1: {  	s3 =	rddreg [dreg:$0x2];
	[bflag:$0x3] =	sbarrier.arrive $0xFFFF;
	s2 =	simm.s32 @!p0 $0x1C06  }
0x2a2: {  	[timem:s3], [sflag:s2] =	dma.local @!p0 [hbm:s0], s1  }
0x2a3: {  	s0 =	simm.s32 @!p0 $0x6  }
0x2a4: {  	_ =	swait.ge @!p0 [sflag:s0], s1  }
0x2a5: {  	s1 =	ssub.s32 @!p0 $0x0, s1;
	[sflag:s0] =	ssyncset.done @!p0 $0x0  }
0x2a6: {  	[sflag:s0] =	ssyncadd.s32 @!p0 s1  }
0x2a7: {  	[bflag:$0x3] =	sbarrier.arrive $0xFFFF  }
0x2a8: {  	_ =	shalt  }

</sc_bundles>
